<compile_context>
chip_gen: v7x
topology: tpu7x:2x2x1
jax: 0.10.2.dev20260603
libtpu: 0.0.44.dev20260713+nightly
codegen_flags: <defaults>
</compile_context>

<pallas_src>
import functools

import jax
import jax.numpy as jnp
from jax import lax
from jax.experimental import pallas as pl
from jax.experimental.pallas import tpu as pltpu
from jax.experimental.pallas import tpu_sc as plsc

_VROWS = 1000001
_CTX = 50
_DIM = 32
_BATCH = 4096

_NC = 2
_NS = 16
_NW = _NC * _NS

_RPW = _BATCH // _NW
_G = 16
_NGRP = _RPW // _G
_STREAM = 100
_NSTREAM = _G * _CTX // _STREAM
_FEAT = _CTX * _DIM

_BLK = 512
_NBLK_FULL = _VROWS // _BLK
_PACK = 128 // _DIM
_YROWS = 250008
_YPB = _BLK // _PACK
_BPW = _NBLK_FULL // _NW
_NEXTRA = _NBLK_FULL - _BPW * _NW
_DIN = 4
_DOUT = 2
_TAILK = (_BPW // _DIN) * _DIN


def _transpose_block(src_v, dst_v, nrows, clamp):
    lanes = lax.iota(jnp.int32, 16)
    rv = [lanes, lanes + 16]

    @plsc.parallel_loop(0, nrows, unroll=4)
    def j_body(j):
        vals = []
        for h in range(8):
            cvec = jnp.minimum(
                jnp.full((16,), h // 2, jnp.int32) + _PACK * j,
                jnp.full((16,), clamp, jnp.int32))
            vals.append(plsc.load_gather(src_v, [rv[h % 2], cvec]))
        for h in range(8):
            dst_v[j, pl.ds(16 * h, 16)] = vals[h]


def _relayout_body(tt_ref, tail_ref, y_ref, *refs):
    ins = refs[:_DIN]
    outs = refs[_DIN:_DIN + _DOUT]
    sin = refs[_DIN + _DOUT:2 * _DIN + _DOUT]
    sout = refs[2 * _DIN + _DOUT:]
    wid = lax.axis_index("s") * _NC + lax.axis_index("c")

    def src_col(t):
        return pl.multiple_of((wid + _NW * t) * _BLK, 128)

    def dst_row(t):
        return pl.multiple_of((wid + _NW * t) * _YPB, _YPB)

    def fire_in(t, p):
        return pltpu.async_copy(
            tt_ref.at[:, pl.ds(src_col(t), _BLK)], ins[p], sin[p])

    def wait_in(t, p):
        pltpu.make_async_copy(
            tt_ref.at[:, pl.ds(src_col(t), _BLK)], ins[p], sin[p]).wait()

    def fire_out(t, q):
        return pltpu.async_copy(
            outs[q], y_ref.at[pl.ds(dst_row(t), _YPB)], sout[q])

    def wait_out(t, q):
        pltpu.make_async_copy(
            outs[q], y_ref.at[pl.ds(dst_row(t), _YPB)], sout[q]).wait()

    for p in range(_DIN):
        fire_in(p, p)

    def loop_body(k, _):
        for p in range(_DIN):
            t = _DIN * k + p
            q = p % _DOUT
            wait_in(t, p)

            @pl.when(t >= _DOUT)
            def _():
                wait_out(t - _DOUT, q)

            _transpose_block(ins[p], outs[q], _YPB, _BLK - 1)
            fire_out(t, q)

            @pl.when(t + _DIN < _BPW)
            def _():
                fire_in(t + _DIN, p)

        return 0

    lax.fori_loop(0, _TAILK // _DIN, loop_body, 0)

    for t in range(_TAILK, _BPW):
        p = t % _DIN
        q = p % _DOUT
        wait_in(t, p)
        wait_out(t - _DOUT, q)
        _transpose_block(ins[p], outs[q], _YPB, _BLK - 1)
        fire_out(t, q)
    for t in range(_BPW - _DOUT, _BPW):
        wait_out(t, t % _DIN % _DOUT)

    @pl.when(wid < _NEXTRA)
    def _():
        col = pl.multiple_of((_BPW * _NW + wid) * _BLK, 128)
        pltpu.async_copy(
            tt_ref.at[:, pl.ds(col, _BLK)], ins[0], sin[0]).wait()
        _transpose_block(ins[0], outs[0], _YPB, _BLK - 1)
        pltpu.async_copy(
            outs[0], y_ref.at[pl.ds((_BPW * _NW + wid) * _YPB, _YPB)],
            sout[0]).wait()

    @pl.when(wid == _NEXTRA)
    def _():
        pltpu.async_copy(tail_ref, ins[0].at[:, pl.ds(0, 128)], sin[0]).wait()
        _transpose_block(ins[0], outs[0], 24, 127)
        pltpu.async_copy(
            outs[0].at[pl.ds(0, 24)], y_ref.at[pl.ds(999936 // _PACK, 24)],
            sout[0]).wait()


@jax.jit
def _relayout(tt, tail_arr):
    mesh = plsc.VectorSubcoreMesh(
        core_axis_name="c", subcore_axis_name="s",
        num_cores=_NC, num_subcores=_NS)
    f = functools.partial(
        pl.kernel,
        out_type=jax.ShapeDtypeStruct((_YROWS, 128), jnp.float32),
        mesh=mesh,
        compiler_params=pltpu.CompilerParams(
            needs_layout_passes=False, use_tc_tiling_on_sc=True),
        scratch_types=(
            [pltpu.VMEM((_DIM, _BLK), jnp.float32)] * _DIN
            + [pltpu.VMEM((_YPB, 128), jnp.float32)] * _DOUT
            + [pltpu.SemaphoreType.DMA] * (_DIN + _DOUT)
        ),
    )(_relayout_body)
    return f(tt, tail_arr)


def _sc_body(ids_ref, table_ref, ws_ref, b_ref, out_ref,
             idx_v, rows0, rows1, ws_v, b_v, out_v, sem0, sem1):
    rows = (rows0, rows1)
    sems = (sem0, sem1)
    wid = lax.axis_index("s") * _NC + lax.axis_index("c")

    pltpu.sync_copy(ids_ref.at[wid], idx_v)
    pltpu.sync_copy(ws_ref, ws_v)
    pltpu.sync_copy(b_ref, b_v)
    b_vec = b_v[pl.ds(0, 16)]
    lane_row = lax.iota(jnp.int32, 16) * _CTX
    cols = [jnp.full((16,), m, jnp.int32) for m in range(_DIM)]

    def fire(g, p):
        for j in range(_NSTREAM):
            pltpu.async_copy(
                table_ref.at[idx_v.at[g * _NSTREAM + j]],
                rows[p].at[pl.ds(j * _STREAM, _STREAM)],
                sems[p],
            )

    def wait(g, p):
        for j in range(_NSTREAM):
            pltpu.make_async_copy(
                table_ref.at[idx_v.at[g * _NSTREAM + j]],
                rows[p].at[pl.ds(j * _STREAM, _STREAM)],
                sems[p],
            ).wait()

    def compute(p):
        buf = rows[p]

        def c_body(c, acc):
            ridx = lane_row + c
            for m in range(_DIM):
                g16 = plsc.load_gather(buf, [ridx, cols[m]])
                w16 = ws_v[c * _DIM + m, pl.ds(0, 16)]
                acc = acc + g16 * w16
            return acc

        return lax.fori_loop(0, _CTX, c_body, b_vec)

    fire(0, 0)
    fire(1, 1)

    def group_body(k, _):
        for p in range(2):
            g = 2 * k + p
            wait(g, p)
            acc = compute(p)
            out_v[pl.ds(g * _G, _G)] = acc

            @pl.when(g + 2 < _NGRP)
            def _():
                fire(g + 2, p)

        return 0

    lax.fori_loop(0, _NGRP // 2, group_body, 0)

    pltpu.sync_copy(out_v, out_ref.at[pl.ds(wid * _RPW, _RPW)])


@jax.jit
def _logits_sc(ids, table_lin, w_splat, b16):
    mesh = plsc.VectorSubcoreMesh(
        core_axis_name="c", subcore_axis_name="s",
        num_cores=_NC, num_subcores=_NS)
    f = functools.partial(
        pl.kernel,
        out_type=jax.ShapeDtypeStruct((_BATCH,), jnp.float32),
        mesh=mesh,
        compiler_params=pltpu.CompilerParams(
            needs_layout_passes=False, use_tc_tiling_on_sc=False),
        scratch_types=[
            pltpu.VMEM((_RPW * _CTX // _STREAM, _STREAM), jnp.int32),
            pltpu.VMEM((_G * _CTX, _DIM), jnp.float32),
            pltpu.VMEM((_G * _CTX, _DIM), jnp.float32),
            pltpu.VMEM((_FEAT, 16), jnp.float32),
            pltpu.VMEM((16,), jnp.float32),
            pltpu.VMEM((_RPW,), jnp.float32),
            pltpu.SemaphoreType.DMA,
            pltpu.SemaphoreType.DMA,
        ],
    )(_sc_body)
    return f(ids, table_lin, w_splat, b16)


def kernel(input_ids, table, W, b):
    ids = input_ids.astype(jnp.int32).reshape(
        _NW, _RPW * _CTX // _STREAM, _STREAM)
    w_splat = jnp.broadcast_to(
        W.astype(jnp.float32).reshape(_FEAT, 1), (_FEAT, 16))
    b16 = jnp.broadcast_to(b.astype(jnp.float32), (16,))
    tail_arr = jnp.pad(
        table[999936:].T, ((0, 0), (0, 128 - (_VROWS - 999936))))
    y = _relayout(table.T, tail_arr)
    table_lin = y.reshape(_YROWS * _PACK, _DIM)
    return _logits_sc(ids, table_lin, w_splat, b16)

# --- scband reference (transcript-rebuilt; emitter-appended) ---
"""Pipeline reference for scband-logistic-regression-76811195122492 (READ-ONLY COPY).

The authoritative reference and input builder live on the scoring server;
editing this copy changes nothing except your own understanding.
"""

import jax, jax.numpy as jnp
import numpy as np

VOCAB = 1000000
CTX = 50
DIM = 32
BATCH = 4096

def setup_inputs(seed: int = 0) -> dict:
    key = jax.random.key(seed)
    k1, k2, k3 = jax.random.split(key, 3)
    input_ids = jax.random.randint(k1, (BATCH, CTX), 0, VOCAB + 1, dtype=jnp.int64)
    table = jax.random.normal(k2, (VOCAB + 1, DIM), dtype=jnp.float32) * 0.02
    W = jax.random.normal(k3, (CTX * DIM, 1), dtype=jnp.float32) * 0.02
    b = jnp.zeros((1,), dtype=jnp.float32)
    return {"input_ids": input_ids, "table": table, "W": W, "b": b}

def reference(input_ids, table, W, b):
    # embedding lookup
    embedded_tokens = jnp.take(table, input_ids, axis=0)  # (B, CTX, DIM)
    token_features = embedded_tokens.reshape(embedded_tokens.shape[0], -1)  # (B, CTX*DIM)
    logits = (token_features @ W + b).squeeze(-1)  # (B,)
    return logits

if __name__ == "__main__":
    import jax
    _d = setup_inputs()
    print(jax.jit(kernel)(*tuple(_d.values())))

</pallas_src>

<mosaic_0001>
#map = affine_map<(d0, d1) -> (0, 0)>
module attributes {stable_mosaic.version = 14 : i64} {
  func.func @_relayout_body(%arg0: i32, %arg1: i32, %arg2: memref<32x1000001xf32, #tpu.memory_space<hbm>>, %arg3: memref<32x128xf32, #tpu.memory_space<hbm>>, %arg4: memref<250008x128xf32, #tpu.memory_space<hbm>>, %arg5: memref<32x512xf32, #tpu.memory_space<vmem>>, %arg6: memref<32x512xf32, #tpu.memory_space<vmem>>, %arg7: memref<32x512xf32, #tpu.memory_space<vmem>>, %arg8: memref<32x512xf32, #tpu.memory_space<vmem>>, %arg9: memref<128x128xf32, #tpu.memory_space<vmem>>, %arg10: memref<128x128xf32, #tpu.memory_space<vmem>>, %arg11: memref<!tpu.dma_semaphore, #tpu.memory_space<semaphore_mem>>, %arg12: memref<!tpu.dma_semaphore, #tpu.memory_space<semaphore_mem>>, %arg13: memref<!tpu.dma_semaphore, #tpu.memory_space<semaphore_mem>>, %arg14: memref<!tpu.dma_semaphore, #tpu.memory_space<semaphore_mem>>, %arg15: memref<!tpu.dma_semaphore, #tpu.memory_space<semaphore_mem>>, %arg16: memref<!tpu.dma_semaphore, #tpu.memory_space<semaphore_mem>>) attributes {dimension_semantics = [#tpu.dimension_semantics<core_parallel>, #tpu.dimension_semantics<subcore_parallel>], iteration_bounds = array<i64: 2, 16>, scalar_prefetch = 0 : i64, scratch_operands = 12 : i64, tpu.core_type = #tpu.core_type<sc_vector_subcore>, window_params = [{transform_indices = #map}, {transform_indices = #map}, {transform_indices = #map}]} {
    %mul3A = arith.constant 2 : i32
    %mul3A_0 = arith.muli %arg1, %mul3A : i32
    %add3A = arith.addi %mul3A_0, %arg0 : i32
    %add3A_1 = arith.constant 0 : i32
    %add3A_2 = arith.addi %add3A, %add3A_1 : i32
    %mul3A_3 = arith.constant 512 : i32
    %mul3A_4 = arith.muli %add3A_2, %mul3A_3 : i32
    %multiple_of3A = tpu.assume_multiple %mul3A_4, 128 : i32
    %dma_start3A = arith.constant 0 : i32
    %dma_start3A_5 = tpu.memref_slice %arg2[%dma_start3A, %multiple_of3A] : memref<32x1000001xf32, #tpu.memory_space<hbm>> -> memref<32x512xf32, #tpu.memory_space<hbm>>
    %dma_start3A_6 = arith.constant 0 : i32
    %dma_start3A_7 = tpu.memref_slice %arg2[%dma_start3A_6, %multiple_of3A] : memref<32x1000001xf32, #tpu.memory_space<hbm>> -> memref<32x512xf32, #tpu.memory_space<hbm>>
    tpu.enqueue_dma source(%dma_start3A_7 : memref<32x512xf32, #tpu.memory_space<hbm>>) target(%arg5 : memref<32x512xf32, #tpu.memory_space<vmem>>) target_semaphore(%arg11 : memref<!tpu.dma_semaphore, #tpu.memory_space<semaphore_mem>>)
    %add3A_8 = arith.constant 32 : i32
    %add3A_9 = arith.addi %add3A, %add3A_8 : i32
    %mul3A_10 = arith.constant 512 : i32
    %mul3A_11 = arith.muli %add3A_9, %mul3A_10 : i32
    %multiple_of3A_12 = tpu.assume_multiple %mul3A_11, 128 : i32
    %dma_start3A_13 = arith.constant 0 : i32
    %dma_start3A_14 = tpu.memref_slice %arg2[%dma_start3A_13, %multiple_of3A_12] : memref<32x1000001xf32, #tpu.memory_space<hbm>> -> memref<32x512xf32, #tpu.memory_space<hbm>>
    %dma_start3A_15 = arith.constant 0 : i32
    %dma_start3A_16 = tpu.memref_slice %arg2[%dma_start3A_15, %multiple_of3A_12] : memref<32x1000001xf32, #tpu.memory_space<hbm>> -> memref<32x512xf32, #tpu.memory_space<hbm>>
    tpu.enqueue_dma source(%dma_start3A_16 : memref<32x512xf32, #tpu.memory_space<hbm>>) target(%arg6 : memref<32x512xf32, #tpu.memory_space<vmem>>) target_semaphore(%arg12 : memref<!tpu.dma_semaphore, #tpu.memory_space<semaphore_mem>>)
    %add3A_17 = arith.constant 64 : i32
    %add3A_18 = arith.addi %add3A, %add3A_17 : i32
    %mul3A_19 = arith.constant 512 : i32
    %mul3A_20 = arith.muli %add3A_18, %mul3A_19 : i32
    %multiple_of3A_21 = tpu.assume_multiple %mul3A_20, 128 : i32
    %dma_start3A_22 = arith.constant 0 : i32
    %dma_start3A_23 = tpu.memref_slice %arg2[%dma_start3A_22, %multiple_of3A_21] : memref<32x1000001xf32, #tpu.memory_space<hbm>> -> memref<32x512xf32, #tpu.memory_space<hbm>>
    %dma_start3A_24 = arith.constant 0 : i32
    %dma_start3A_25 = tpu.memref_slice %arg2[%dma_start3A_24, %multiple_of3A_21] : memref<32x1000001xf32, #tpu.memory_space<hbm>> -> memref<32x512xf32, #tpu.memory_space<hbm>>
    tpu.enqueue_dma source(%dma_start3A_25 : memref<32x512xf32, #tpu.memory_space<hbm>>) target(%arg7 : memref<32x512xf32, #tpu.memory_space<vmem>>) target_semaphore(%arg13 : memref<!tpu.dma_semaphore, #tpu.memory_space<semaphore_mem>>)
    %add3A_26 = arith.constant 96 : i32
    %add3A_27 = arith.addi %add3A, %add3A_26 : i32
    %mul3A_28 = arith.constant 512 : i32
    %mul3A_29 = arith.muli %add3A_27, %mul3A_28 : i32
    %multiple_of3A_30 = tpu.assume_multiple %mul3A_29, 128 : i32
    %dma_start3A_31 = arith.constant 0 : i32
    %dma_start3A_32 = tpu.memref_slice %arg2[%dma_start3A_31, %multiple_of3A_30] : memref<32x1000001xf32, #tpu.memory_space<hbm>> -> memref<32x512xf32, #tpu.memory_space<hbm>>
    %dma_start3A_33 = arith.constant 0 : i32
    %dma_start3A_34 = tpu.memref_slice %arg2[%dma_start3A_33, %multiple_of3A_30] : memref<32x1000001xf32, #tpu.memory_space<hbm>> -> memref<32x512xf32, #tpu.memory_space<hbm>>
    tpu.enqueue_dma source(%dma_start3A_34 : memref<32x512xf32, #tpu.memory_space<hbm>>) target(%arg8 : memref<32x512xf32, #tpu.memory_space<vmem>>) target_semaphore(%arg14 : memref<!tpu.dma_semaphore, #tpu.memory_space<semaphore_mem>>)
    %scan3A = arith.constant 0 : i32
    %scan3A_35 = arith.constant 0 : i32
    %scan3A_36 = arith.constant 15 : i32
    %scan3A_37 = arith.addi %scan3A_35, %scan3A_36 : i32
    %scan3A_38 = arith.constant 1 : i32
    %scan3A_39 = scf.for %scan3A_96 = %scan3A_35 to %scan3A_37 step %scan3A_38 iter_args(%scan3A_97 = %scan3A) -> (i32)  : i32 {
      %mul3A_98 = arith.constant 4 : i32
      %mul3A_99 = arith.muli %mul3A_98, %scan3A_96 : i32
      %add3A_100 = arith.constant 0 : i32
      %add3A_101 = arith.addi %mul3A_99, %add3A_100 : i32
      %mul3A_102 = arith.constant 32 : i32
      %mul3A_103 = arith.muli %mul3A_102, %add3A_101 : i32
      %add3A_104 = arith.addi %add3A, %mul3A_103 : i32
      %mul3A_105 = arith.constant 512 : i32
      %mul3A_106 = arith.muli %add3A_104, %mul3A_105 : i32
      %multiple_of3A_107 = tpu.assume_multiple %mul3A_106, 128 : i32
      %dma_wait3A_108 = arith.constant 0 : i32
      %dma_wait3A_109 = tpu.memref_slice %arg2[%dma_wait3A_108, %multiple_of3A_107] : memref<32x1000001xf32, #tpu.memory_space<hbm>> -> memref<32x512xf32, #tpu.memory_space<hbm>>
      %dma_wait3A_110 = arith.constant 0 : i32
      %dma_wait3A_111 = tpu.memref_slice %arg2[%dma_wait3A_110, %multiple_of3A_107] : memref<32x1000001xf32, #tpu.memory_space<hbm>> -> memref<32x512xf32, #tpu.memory_space<hbm>>
      tpu.wait_dma2 semaphore(%arg11 : memref<!tpu.dma_semaphore, #tpu.memory_space<semaphore_mem>>) src(%dma_wait3A_111 : memref<32x512xf32, #tpu.memory_space<hbm>>) dst(%arg5 : memref<32x512xf32, #tpu.memory_space<vmem>>)
      %ge3A = arith.constant 2 : i32
      %ge3A_112 = arith.cmpi sge, %add3A_101, %ge3A : i32
      %convert_element_type3A_113 = arith.extui %ge3A_112 : i1 to i32
      %cond3A_114 = arith.constant 0 : i32
      %cond3A_115 = arith.cmpi ne, %convert_element_type3A_113, %cond3A_114 : i32
      scf.if %cond3A_115 {
        %sub3A = arith.constant 2 : i32
        %sub3A_270 = arith.subi %add3A_101, %sub3A : i32
        %mul3A_271 = arith.constant 32 : i32
        %mul3A_272 = arith.muli %mul3A_271, %sub3A_270 : i32
        %add3A_273 = arith.addi %add3A, %mul3A_272 : i32
        %mul3A_274 = arith.constant 128 : i32
        %mul3A_275 = arith.muli %add3A_273, %mul3A_274 : i32
        %multiple_of3A_276 = tpu.assume_multiple %mul3A_275, 128 : i32
        %dma_wait3A_277 = arith.constant 0 : i32
        %dma_wait3A_278 = tpu.memref_slice %arg4[%multiple_of3A_276, %dma_wait3A_277] : memref<250008x128xf32, #tpu.memory_space<hbm>> -> memref<128x128xf32, #tpu.memory_space<hbm>>
        %dma_wait3A_279 = arith.constant 0 : i32
        %dma_wait3A_280 = tpu.memref_slice %arg4[%multiple_of3A_276, %dma_wait3A_279] : memref<250008x128xf32, #tpu.memory_space<hbm>> -> memref<128x128xf32, #tpu.memory_space<hbm>>
        tpu.wait_dma2 semaphore(%arg15 : memref<!tpu.dma_semaphore, #tpu.memory_space<semaphore_mem>>) src(%arg9 : memref<128x128xf32, #tpu.memory_space<vmem>>) dst(%dma_wait3A_280 : memref<128x128xf32, #tpu.memory_space<hbm>>)
      } else {
      }
      %iota3A_116 = tpu.iota {dimensions = array<i32: 0>} : vector<16xi32>
      %add3A_117 = arith.constant 16 : i32
      %add3A_118 = vector.broadcast %add3A_117 : i32 to vector<16xi32>
      %add3A_119 = arith.addi %iota3A_116, %add3A_118 : vector<16xi32>
      %parallel_loop3A_120 = arith.constant 0 : i32
      %parallel_loop3A_121 = arith.constant 128 : i32
      %parallel_loop3A_122 = arith.constant 1 : i32
      scf.for %parallel_loop3A_270 = %parallel_loop3A_120 to %parallel_loop3A_121 step %parallel_loop3A_122  : i32 {
        %parallel_loop3A_271 = arith.constant 0 : i32
        %parallel_loop3A_272 = vector.broadcast %parallel_loop3A_271 : i32 to vector<16xi32>
        %parallel_loop3A_273 = arith.constant 4 : i32
        %parallel_loop3A_274 = arith.muli %parallel_loop3A_273, %parallel_loop3A_270 : i32
        %parallel_loop3A_275 = vector.broadcast %parallel_loop3A_274 : i32 to vector<16xi32>
        %parallel_loop3A_276 = arith.addi %parallel_loop3A_272, %parallel_loop3A_275 : vector<16xi32>
        %parallel_loop3A_277 = arith.constant 511 : i32
        %parallel_loop3A_278 = vector.broadcast %parallel_loop3A_277 : i32 to vector<16xi32>
        %parallel_loop3A_279 = arith.minsi %parallel_loop3A_276, %parallel_loop3A_278 : vector<16xi32>
        %parallel_loop3A_280 = tpu.vector_load_idx %arg5[%iota3A_116, %parallel_loop3A_279] : memref<32x512xf32, #tpu.memory_space<vmem>>[vector<16xi32>, vector<16xi32>], vector<16xf32>,
        %parallel_loop3A_281 = arith.constant 0 : i32
        %parallel_loop3A_282 = vector.broadcast %parallel_loop3A_281 : i32 to vector<16xi32>
        %parallel_loop3A_283 = arith.constant 4 : i32
        %parallel_loop3A_284 = arith.muli %parallel_loop3A_283, %parallel_loop3A_270 : i32
        %parallel_loop3A_285 = vector.broadcast %parallel_loop3A_284 : i32 to vector<16xi32>
        %parallel_loop3A_286 = arith.addi %parallel_loop3A_282, %parallel_loop3A_285 : vector<16xi32>
        %parallel_loop3A_287 = arith.constant 511 : i32
        %parallel_loop3A_288 = vector.broadcast %parallel_loop3A_287 : i32 to vector<16xi32>
        %parallel_loop3A_289 = arith.minsi %parallel_loop3A_286, %parallel_loop3A_288 : vector<16xi32>
        %parallel_loop3A_290 = tpu.vector_load_idx %arg5[%add3A_119, %parallel_loop3A_289] : memref<32x512xf32, #tpu.memory_space<vmem>>[vector<16xi32>, vector<16xi32>], vector<16xf32>,
        %parallel_loop3A_291 = arith.constant 1 : i32
        %parallel_loop3A_292 = vector.broadcast %parallel_loop3A_291 : i32 to vector<16xi32>
        %parallel_loop3A_293 = arith.constant 4 : i32
        %parallel_loop3A_294 = arith.muli %parallel_loop3A_293, %parallel_loop3A_270 : i32
        %parallel_loop3A_295 = vector.broadcast %parallel_loop3A_294 : i32 to vector<16xi32>
        %parallel_loop3A_296 = arith.addi %parallel_loop3A_292, %parallel_loop3A_295 : vector<16xi32>
        %parallel_loop3A_297 = arith.constant 511 : i32
        %parallel_loop3A_298 = vector.broadcast %parallel_loop3A_297 : i32 to vector<16xi32>
        %parallel_loop3A_299 = arith.minsi %parallel_loop3A_296, %parallel_loop3A_298 : vector<16xi32>
        %parallel_loop3A_300 = tpu.vector_load_idx %arg5[%iota3A_116, %parallel_loop3A_299] : memref<32x512xf32, #tpu.memory_space<vmem>>[vector<16xi32>, vector<16xi32>], vector<16xf32>,
        %parallel_loop3A_301 = arith.constant 1 : i32
        %parallel_loop3A_302 = vector.broadcast %parallel_loop3A_301 : i32 to vector<16xi32>
        %parallel_loop3A_303 = arith.constant 4 : i32
        %parallel_loop3A_304 = arith.muli %parallel_loop3A_303, %parallel_loop3A_270 : i32
        %parallel_loop3A_305 = vector.broadcast %parallel_loop3A_304 : i32 to vector<16xi32>
        %parallel_loop3A_306 = arith.addi %parallel_loop3A_302, %parallel_loop3A_305 : vector<16xi32>
        %parallel_loop3A_307 = arith.constant 511 : i32
        %parallel_loop3A_308 = vector.broadcast %parallel_loop3A_307 : i32 to vector<16xi32>
        %parallel_loop3A_309 = arith.minsi %parallel_loop3A_306, %parallel_loop3A_308 : vector<16xi32>
        %parallel_loop3A_310 = tpu.vector_load_idx %arg5[%add3A_119, %parallel_loop3A_309] : memref<32x512xf32, #tpu.memory_space<vmem>>[vector<16xi32>, vector<16xi32>], vector<16xf32>,
        %parallel_loop3A_311 = arith.constant 2 : i32
        %parallel_loop3A_312 = vector.broadcast %parallel_loop3A_311 : i32 to vector<16xi32>
        %parallel_loop3A_313 = arith.constant 4 : i32
        %parallel_loop3A_314 = arith.muli %parallel_loop3A_313, %parallel_loop3A_270 : i32
        %parallel_loop3A_315 = vector.broadcast %parallel_loop3A_314 : i32 to vector<16xi32>
        %parallel_loop3A_316 = arith.addi %parallel_loop3A_312, %parallel_loop3A_315 : vector<16xi32>
        %parallel_loop3A_317 = arith.constant 511 : i32
        %parallel_loop3A_318 = vector.broadcast %parallel_loop3A_317 : i32 to vector<16xi32>
        %parallel_loop3A_319 = arith.minsi %parallel_loop3A_316, %parallel_loop3A_318 : vector<16xi32>
        %parallel_loop3A_320 = tpu.vector_load_idx %arg5[%iota3A_116, %parallel_loop3A_319] : memref<32x512xf32, #tpu.memory_space<vmem>>[vector<16xi32>, vector<16xi32>], vector<16xf32>,
        %parallel_loop3A_321 = arith.constant 2 : i32
        %parallel_loop3A_322 = vector.broadcast %parallel_loop3A_321 : i32 to vector<16xi32>
        %parallel_loop3A_323 = arith.constant 4 : i32
        %parallel_loop3A_324 = arith.muli %parallel_loop3A_323, %parallel_loop3A_270 : i32
        %parallel_loop3A_325 = vector.broadcast %parallel_loop3A_324 : i32 to vector<16xi32>
        %parallel_loop3A_326 = arith.addi %parallel_loop3A_322, %parallel_loop3A_325 : vector<16xi32>
        %parallel_loop3A_327 = arith.constant 511 : i32
        %parallel_loop3A_328 = vector.broadcast %parallel_loop3A_327 : i32 to vector<16xi32>
        %parallel_loop3A_329 = arith.minsi %parallel_loop3A_326, %parallel_loop3A_328 : vector<16xi32>
        %parallel_loop3A_330 = tpu.vector_load_idx %arg5[%add3A_119, %parallel_loop3A_329] : memref<32x512xf32, #tpu.memory_space<vmem>>[vector<16xi32>, vector<16xi32>], vector<16xf32>,
        %parallel_loop3A_331 = arith.constant 3 : i32
        %parallel_loop3A_332 = vector.broadcast %parallel_loop3A_331 : i32 to vector<16xi32>
        %parallel_loop3A_333 = arith.constant 4 : i32
        %parallel_loop3A_334 = arith.muli %parallel_loop3A_333, %parallel_loop3A_270 : i32
        %parallel_loop3A_335 = vector.broadcast %parallel_loop3A_334 : i32 to vector<16xi32>
        %parallel_loop3A_336 = arith.addi %parallel_loop3A_332, %parallel_loop3A_335 : vector<16xi32>
        %parallel_loop3A_337 = arith.constant 511 : i32
        %parallel_loop3A_338 = vector.broadcast %parallel_loop3A_337 : i32 to vector<16xi32>
        %parallel_loop3A_339 = arith.minsi %parallel_loop3A_336, %parallel_loop3A_338 : vector<16xi32>
        %parallel_loop3A_340 = tpu.vector_load_idx %arg5[%iota3A_116, %parallel_loop3A_339] : memref<32x512xf32, #tpu.memory_space<vmem>>[vector<16xi32>, vector<16xi32>], vector<16xf32>,
        %parallel_loop3A_341 = arith.constant 3 : i32
        %parallel_loop3A_342 = vector.broadcast %parallel_loop3A_341 : i32 to vector<16xi32>
        %parallel_loop3A_343 = arith.constant 4 : i32
        %parallel_loop3A_344 = arith.muli %parallel_loop3A_343, %parallel_loop3A_270 : i32
        %parallel_loop3A_345 = vector.broadcast %parallel_loop3A_344 : i32 to vector<16xi32>
        %parallel_loop3A_346 = arith.addi %parallel_loop3A_342, %parallel_loop3A_345 : vector<16xi32>
        %parallel_loop3A_347 = arith.constant 511 : i32
        %parallel_loop3A_348 = vector.broadcast %parallel_loop3A_347 : i32 to vector<16xi32>
        %parallel_loop3A_349 = arith.minsi %parallel_loop3A_346, %parallel_loop3A_348 : vector<16xi32>
        %parallel_loop3A_350 = tpu.vector_load_idx %arg5[%add3A_119, %parallel_loop3A_349] : memref<32x512xf32, #tpu.memory_space<vmem>>[vector<16xi32>, vector<16xi32>], vector<16xf32>,
        %parallel_loop3A_351 = arith.index_cast %parallel_loop3A_270 : i32 to index
        %parallel_loop3A_352 = arith.constant 0 : index
        %parallel_loop3A_353 = tpu.vector_load %arg9[%parallel_loop3A_351, %parallel_loop3A_352] {strides = array<i32>} : memref<128x128xf32, #tpu.memory_space<vmem>>, vector<16xf32>,
        tpu.vector_store %arg9[%parallel_loop3A_351, %parallel_loop3A_352], %parallel_loop3A_280 {strides = array<i32>} : memref<128x128xf32, #tpu.memory_space<vmem>>, vector<16xf32>,
        %parallel_loop3A_354 = arith.index_cast %parallel_loop3A_270 : i32 to index
        %parallel_loop3A_355 = arith.constant 16 : index
        %parallel_loop3A_356 = tpu.vector_load %arg9[%parallel_loop3A_354, %parallel_loop3A_355] {strides = array<i32>} : memref<128x128xf32, #tpu.memory_space<vmem>>, vector<16xf32>,
        tpu.vector_store %arg9[%parallel_loop3A_354, %parallel_loop3A_355], %parallel_loop3A_290 {strides = array<i32>} : memref<128x128xf32, #tpu.memory_space<vmem>>, vector<16xf32>,
        %parallel_loop3A_357 = arith.index_cast %parallel_loop3A_270 : i32 to index
        %parallel_loop3A_358 = arith.constant 32 : index
        %parallel_loop3A_359 = tpu.vector_load %arg9[%parallel_loop3A_357, %parallel_loop3A_358] {strides = array<i32>} : memref<128x128xf32, #tpu.memory_space<vmem>>, vector<16xf32>,
        tpu.vector_store %arg9[%parallel_loop3A_357, %parallel_loop3A_358], %parallel_loop3A_300 {strides = array<i32>} : memref<128x128xf32, #tpu.memory_space<vmem>>, vector<16xf32>,
        %parallel_loop3A_360 = arith.index_cast %parallel_loop3A_270 : i32 to index
        %parallel_loop3A_361 = arith.constant 48 : index
        %parallel_loop3A_362 = tpu.vector_load %arg9[%parallel_loop3A_360, %parallel_loop3A_361] {strides = array<i32>} : memref<128x128xf32, #tpu.memory_space<vmem>>, vector<16xf32>,
        tpu.vector_store %arg9[%parallel_loop3A_360, %parallel_loop3A_361], %parallel_loop3A_310 {strides = array<i32>} : memref<128x128xf32, #tpu.memory_space<vmem>>, vector<16xf32>,
        %parallel_loop3A_363 = arith.index_cast %parallel_loop3A_270 : i32 to index
        %parallel_loop3A_364 = arith.constant 64 : index
        %parallel_loop3A_365 = tpu.vector_load %arg9[%parallel_loop3A_363, %parallel_loop3A_364] {strides = array<i32>} : memref<128x128xf32, #tpu.memory_space<vmem>>, vector<16xf32>,
        tpu.vector_store %arg9[%parallel_loop3A_363, %parallel_loop3A_364], %parallel_loop3A_320 {strides = array<i32>} : memref<128x128xf32, #tpu.memory_space<vmem>>, vector<16xf32>,
        %parallel_loop3A_366 = arith.index_cast %parallel_loop3A_270 : i32 to index
        %parallel_loop3A_367 = arith.constant 80 : index
        %parallel_loop3A_368 = tpu.vector_load %arg9[%parallel_loop3A_366, %parallel_loop3A_367] {strides = array<i32>} : memref<128x128xf32, #tpu.memory_space<vmem>>, vector<16xf32>,
        tpu.vector_store %arg9[%parallel_loop3A_366, %parallel_loop3A_367], %parallel_loop3A_330 {strides = array<i32>} : memref<128x128xf32, #tpu.memory_space<vmem>>, vector<16xf32>,
        %parallel_loop3A_369 = arith.index_cast %parallel_loop3A_270 : i32 to index
        %parallel_loop3A_370 = arith.constant 96 : index
        %parallel_loop3A_371 = tpu.vector_load %arg9[%parallel_loop3A_369, %parallel_loop3A_370] {strides = array<i32>} : memref<128x128xf32, #tpu.memory_space<vmem>>, vector<16xf32>,
        tpu.vector_store %arg9[%parallel_loop3A_369, %parallel_loop3A_370], %parallel_loop3A_340 {strides = array<i32>} : memref<128x128xf32, #tpu.memory_space<vmem>>, vector<16xf32>,
        %parallel_loop3A_372 = arith.index_cast %parallel_loop3A_270 : i32 to index
        %parallel_loop3A_373 = arith.constant 112 : index
        %parallel_loop3A_374 = tpu.vector_load %arg9[%parallel_loop3A_372, %parallel_loop3A_373] {strides = array<i32>} : memref<128x128xf32, #tpu.memory_space<vmem>>, vector<16xf32>,
        tpu.vector_store %arg9[%parallel_loop3A_372, %parallel_loop3A_373], %parallel_loop3A_350 {strides = array<i32>} : memref<128x128xf32, #tpu.memory_space<vmem>>, vector<16xf32>,
      } {sc.loop_unroll_factor = 4 : i64, sc.parallel_access}
      %mul3A_123 = arith.constant 32 : i32
      %mul3A_124 = arith.muli %mul3A_123, %add3A_101 : i32
      %add3A_125 = arith.addi %add3A, %mul3A_124 : i32
      %mul3A_126 = arith.constant 128 : i32
      %mul3A_127 = arith.muli %add3A_125, %mul3A_126 : i32
      %multiple_of3A_128 = tpu.assume_multiple %mul3A_127, 128 : i32
      %dma_start3A_129 = arith.constant 0 : i32
      %dma_start3A_130 = tpu.memref_slice %arg4[%multiple_of3A_128, %dma_start3A_129] : memref<250008x128xf32, #tpu.memory_space<hbm>> -> memref<128x128xf32, #tpu.memory_space<hbm>>
      %dma_start3A_131 = arith.constant 0 : i32
      %dma_start3A_132 = tpu.memref_slice %arg4[%multiple_of3A_128, %dma_start3A_131] : memref<250008x128xf32, #tpu.memory_space<hbm>> -> memref<128x128xf32, #tpu.memory_space<hbm>>
      tpu.enqueue_dma source(%arg9 : memref<128x128xf32, #tpu.memory_space<vmem>>) target(%dma_start3A_132 : memref<128x128xf32, #tpu.memory_space<hbm>>) target_semaphore(%arg15 : memref<!tpu.dma_semaphore, #tpu.memory_space<semaphore_mem>>)
      %add3A_133 = arith.constant 4 : i32
      %add3A_134 = arith.addi %add3A_101, %add3A_133 : i32
      %lt3A_135 = arith.constant 61 : i32
      %lt3A_136 = arith.cmpi slt, %add3A_134, %lt3A_135 : i32
      %convert_element_type3A_137 = arith.extui %lt3A_136 : i1 to i32
      %cond3A_138 = arith.constant 0 : i32
      %cond3A_139 = arith.cmpi ne, %convert_element_type3A_137, %cond3A_138 : i32
      scf.if %cond3A_139 {
        %add3A_270 = arith.constant 4 : i32
        %add3A_271 = arith.addi %add3A_101, %add3A_270 : i32
        %mul3A_272 = arith.constant 32 : i32
        %mul3A_273 = arith.muli %mul3A_272, %add3A_271 : i32
        %add3A_274 = arith.addi %add3A, %mul3A_273 : i32
        %mul3A_275 = arith.constant 512 : i32
        %mul3A_276 = arith.muli %add3A_274, %mul3A_275 : i32
        %multiple_of3A_277 = tpu.assume_multiple %mul3A_276, 128 : i32
        %dma_start3A_278 = arith.constant 0 : i32
        %dma_start3A_279 = tpu.memref_slice %arg2[%dma_start3A_278, %multiple_of3A_277] : memref<32x1000001xf32, #tpu.memory_space<hbm>> -> memref<32x512xf32, #tpu.memory_space<hbm>>
        %dma_start3A_280 = arith.constant 0 : i32
        %dma_start3A_281 = tpu.memref_slice %arg2[%dma_start3A_280, %multiple_of3A_277] : memref<32x1000001xf32, #tpu.memory_space<hbm>> -> memref<32x512xf32, #tpu.memory_space<hbm>>
        tpu.enqueue_dma source(%dma_start3A_281 : memref<32x512xf32, #tpu.memory_space<hbm>>) target(%arg5 : memref<32x512xf32, #tpu.memory_space<vmem>>) target_semaphore(%arg11 : memref<!tpu.dma_semaphore, #tpu.memory_space<semaphore_mem>>)
      } else {
      }
      %mul3A_140 = arith.constant 4 : i32
      %mul3A_141 = arith.muli %mul3A_140, %scan3A_96 : i32
      %add3A_142 = arith.constant 1 : i32
      %add3A_143 = arith.addi %mul3A_141, %add3A_142 : i32
      %mul3A_144 = arith.constant 32 : i32
      %mul3A_145 = arith.muli %mul3A_144, %add3A_143 : i32
      %add3A_146 = arith.addi %add3A, %mul3A_145 : i32
      %mul3A_147 = arith.constant 512 : i32
      %mul3A_148 = arith.muli %add3A_146, %mul3A_147 : i32
      %multiple_of3A_149 = tpu.assume_multiple %mul3A_148, 128 : i32
      %dma_wait3A_150 = arith.constant 0 : i32
      %dma_wait3A_151 = tpu.memref_slice %arg2[%dma_wait3A_150, %multiple_of3A_149] : memref<32x1000001xf32, #tpu.memory_space<hbm>> -> memref<32x512xf32, #tpu.memory_space<hbm>>
      %dma_wait3A_152 = arith.constant 0 : i32
      %dma_wait3A_153 = tpu.memref_slice %arg2[%dma_wait3A_152, %multiple_of3A_149] : memref<32x1000001xf32, #tpu.memory_space<hbm>> -> memref<32x512xf32, #tpu.memory_space<hbm>>
      tpu.wait_dma2 semaphore(%arg12 : memref<!tpu.dma_semaphore, #tpu.memory_space<semaphore_mem>>) src(%dma_wait3A_153 : memref<32x512xf32, #tpu.memory_space<hbm>>) dst(%arg6 : memref<32x512xf32, #tpu.memory_space<vmem>>)
      %ge3A_154 = arith.constant 2 : i32
      %ge3A_155 = arith.cmpi sge, %add3A_143, %ge3A_154 : i32
      %convert_element_type3A_156 = arith.extui %ge3A_155 : i1 to i32
      %cond3A_157 = arith.constant 0 : i32
      %cond3A_158 = arith.cmpi ne, %convert_element_type3A_156, %cond3A_157 : i32
      scf.if %cond3A_158 {
        %sub3A = arith.constant 2 : i32
        %sub3A_270 = arith.subi %add3A_143, %sub3A : i32
        %mul3A_271 = arith.constant 32 : i32
        %mul3A_272 = arith.muli %mul3A_271, %sub3A_270 : i32
        %add3A_273 = arith.addi %add3A, %mul3A_272 : i32
        %mul3A_274 = arith.constant 128 : i32
        %mul3A_275 = arith.muli %add3A_273, %mul3A_274 : i32
        %multiple_of3A_276 = tpu.assume_multiple %mul3A_275, 128 : i32
        %dma_wait3A_277 = arith.constant 0 : i32
        %dma_wait3A_278 = tpu.memref_slice %arg4[%multiple_of3A_276, %dma_wait3A_277] : memref<250008x128xf32, #tpu.memory_space<hbm>> -> memref<128x128xf32, #tpu.memory_space<hbm>>
        %dma_wait3A_279 = arith.constant 0 : i32
        %dma_wait3A_280 = tpu.memref_slice %arg4[%multiple_of3A_276, %dma_wait3A_279] : memref<250008x128xf32, #tpu.memory_space<hbm>> -> memref<128x128xf32, #tpu.memory_space<hbm>>
        tpu.wait_dma2 semaphore(%arg16 : memref<!tpu.dma_semaphore, #tpu.memory_space<semaphore_mem>>) src(%arg10 : memref<128x128xf32, #tpu.memory_space<vmem>>) dst(%dma_wait3A_280 : memref<128x128xf32, #tpu.memory_space<hbm>>)
      } else {
      }
      %iota3A_159 = tpu.iota {dimensions = array<i32: 0>} : vector<16xi32>
      %add3A_160 = arith.constant 16 : i32
      %add3A_161 = vector.broadcast %add3A_160 : i32 to vector<16xi32>
      %add3A_162 = arith.addi %iota3A_159, %add3A_161 : vector<16xi32>
      %parallel_loop3A_163 = arith.constant 0 : i32
      %parallel_loop3A_164 = arith.constant 128 : i32
      %parallel_loop3A_165 = arith.constant 1 : i32
      scf.for %parallel_loop3A_270 = %parallel_loop3A_163 to %parallel_loop3A_164 step %parallel_loop3A_165  : i32 {
        %parallel_loop3A_271 = arith.constant 0 : i32
        %parallel_loop3A_272 = vector.broadcast %parallel_loop3A_271 : i32 to vector<16xi32>
        %parallel_loop3A_273 = arith.constant 4 : i32
        %parallel_loop3A_274 = arith.muli %parallel_loop3A_273, %parallel_loop3A_270 : i32
        %parallel_loop3A_275 = vector.broadcast %parallel_loop3A_274 : i32 to vector<16xi32>
        %parallel_loop3A_276 = arith.addi %parallel_loop3A_272, %parallel_loop3A_275 : vector<16xi32>
        %parallel_loop3A_277 = arith.constant 511 : i32
        %parallel_loop3A_278 = vector.broadcast %parallel_loop3A_277 : i32 to vector<16xi32>
        %parallel_loop3A_279 = arith.minsi %parallel_loop3A_276, %parallel_loop3A_278 : vector<16xi32>
        %parallel_loop3A_280 = tpu.vector_load_idx %arg6[%iota3A_159, %parallel_loop3A_279] : memref<32x512xf32, #tpu.memory_space<vmem>>[vector<16xi32>, vector<16xi32>], vector<16xf32>,
        %parallel_loop3A_281 = arith.constant 0 : i32
        %parallel_loop3A_282 = vector.broadcast %parallel_loop3A_281 : i32 to vector<16xi32>
        %parallel_loop3A_283 = arith.constant 4 : i32
        %parallel_loop3A_284 = arith.muli %parallel_loop3A_283, %parallel_loop3A_270 : i32
        %parallel_loop3A_285 = vector.broadcast %parallel_loop3A_284 : i32 to vector<16xi32>
        %parallel_loop3A_286 = arith.addi %parallel_loop3A_282, %parallel_loop3A_285 : vector<16xi32>
        %parallel_loop3A_287 = arith.constant 511 : i32
        %parallel_loop3A_288 = vector.broadcast %parallel_loop3A_287 : i32 to vector<16xi32>
        %parallel_loop3A_289 = arith.minsi %parallel_loop3A_286, %parallel_loop3A_288 : vector<16xi32>
        %parallel_loop3A_290 = tpu.vector_load_idx %arg6[%add3A_162, %parallel_loop3A_289] : memref<32x512xf32, #tpu.memory_space<vmem>>[vector<16xi32>, vector<16xi32>], vector<16xf32>,
        %parallel_loop3A_291 = arith.constant 1 : i32
        %parallel_loop3A_292 = vector.broadcast %parallel_loop3A_291 : i32 to vector<16xi32>
        %parallel_loop3A_293 = arith.constant 4 : i32
        %parallel_loop3A_294 = arith.muli %parallel_loop3A_293, %parallel_loop3A_270 : i32
        %parallel_loop3A_295 = vector.broadcast %parallel_loop3A_294 : i32 to vector<16xi32>
        %parallel_loop3A_296 = arith.addi %parallel_loop3A_292, %parallel_loop3A_295 : vector<16xi32>
        %parallel_loop3A_297 = arith.constant 511 : i32
        %parallel_loop3A_298 = vector.broadcast %parallel_loop3A_297 : i32 to vector<16xi32>
        %parallel_loop3A_299 = arith.minsi %parallel_loop3A_296, %parallel_loop3A_298 : vector<16xi32>
        %parallel_loop3A_300 = tpu.vector_load_idx %arg6[%iota3A_159, %parallel_loop3A_299] : memref<32x512xf32, #tpu.memory_space<vmem>>[vector<16xi32>, vector<16xi32>], vector<16xf32>,
        %parallel_loop3A_301 = arith.constant 1 : i32
        %parallel_loop3A_302 = vector.broadcast %parallel_loop3A_301 : i32 to vector<16xi32>
        %parallel_loop3A_303 = arith.constant 4 : i32
        %parallel_loop3A_304 = arith.muli %parallel_loop3A_303, %parallel_loop3A_270 : i32
        %parallel_loop3A_305 = vector.broadcast %parallel_loop3A_304 : i32 to vector<16xi32>
        %parallel_loop3A_306 = arith.addi %parallel_loop3A_302, %parallel_loop3A_305 : vector<16xi32>
        %parallel_loop3A_307 = arith.constant 511 : i32
        %parallel_loop3A_308 = vector.broadcast %parallel_loop3A_307 : i32 to vector<16xi32>
        %parallel_loop3A_309 = arith.minsi %parallel_loop3A_306, %parallel_loop3A_308 : vector<16xi32>
        %parallel_loop3A_310 = tpu.vector_load_idx %arg6[%add3A_162, %parallel_loop3A_309] : memref<32x512xf32, #tpu.memory_space<vmem>>[vector<16xi32>, vector<16xi32>], vector<16xf32>,
        %parallel_loop3A_311 = arith.constant 2 : i32
        %parallel_loop3A_312 = vector.broadcast %parallel_loop3A_311 : i32 to vector<16xi32>
        %parallel_loop3A_313 = arith.constant 4 : i32
        %parallel_loop3A_314 = arith.muli %parallel_loop3A_313, %parallel_loop3A_270 : i32
        %parallel_loop3A_315 = vector.broadcast %parallel_loop3A_314 : i32 to vector<16xi32>
        %parallel_loop3A_316 = arith.addi %parallel_loop3A_312, %parallel_loop3A_315 : vector<16xi32>
        %parallel_loop3A_317 = arith.constant 511 : i32
        %parallel_loop3A_318 = vector.broadcast %parallel_loop3A_317 : i32 to vector<16xi32>
        %parallel_loop3A_319 = arith.minsi %parallel_loop3A_316, %parallel_loop3A_318 : vector<16xi32>
        %parallel_loop3A_320 = tpu.vector_load_idx %arg6[%iota3A_159, %parallel_loop3A_319] : memref<32x512xf32, #tpu.memory_space<vmem>>[vector<16xi32>, vector<16xi32>], vector<16xf32>,
        %parallel_loop3A_321 = arith.constant 2 : i32
        %parallel_loop3A_322 = vector.broadcast %parallel_loop3A_321 : i32 to vector<16xi32>
        %parallel_loop3A_323 = arith.constant 4 : i32
        %parallel_loop3A_324 = arith.muli %parallel_loop3A_323, %parallel_loop3A_270 : i32
        %parallel_loop3A_325 = vector.broadcast %parallel_loop3A_324 : i32 to vector<16xi32>
        %parallel_loop3A_326 = arith.addi %parallel_loop3A_322, %parallel_loop3A_325 : vector<16xi32>
        %parallel_loop3A_327 = arith.constant 511 : i32
        %parallel_loop3A_328 = vector.broadcast %parallel_loop3A_327 : i32 to vector<16xi32>
        %parallel_loop3A_329 = arith.minsi %parallel_loop3A_326, %parallel_loop3A_328 : vector<16xi32>
        %parallel_loop3A_330 = tpu.vector_load_idx %arg6[%add3A_162, %parallel_loop3A_329] : memref<32x512xf32, #tpu.memory_space<vmem>>[vector<16xi32>, vector<16xi32>], vector<16xf32>,
        %parallel_loop3A_331 = arith.constant 3 : i32
        %parallel_loop3A_332 = vector.broadcast %parallel_loop3A_331 : i32 to vector<16xi32>
        %parallel_loop3A_333 = arith.constant 4 : i32
        %parallel_loop3A_334 = arith.muli %parallel_loop3A_333, %parallel_loop3A_270 : i32
        %parallel_loop3A_335 = vector.broadcast %parallel_loop3A_334 : i32 to vector<16xi32>
        %parallel_loop3A_336 = arith.addi %parallel_loop3A_332, %parallel_loop3A_335 : vector<16xi32>
        %parallel_loop3A_337 = arith.constant 511 : i32
        %parallel_loop3A_338 = vector.broadcast %parallel_loop3A_337 : i32 to vector<16xi32>
        %parallel_loop3A_339 = arith.minsi %parallel_loop3A_336, %parallel_loop3A_338 : vector<16xi32>
        %parallel_loop3A_340 = tpu.vector_load_idx %arg6[%iota3A_159, %parallel_loop3A_339] : memref<32x512xf32, #tpu.memory_space<vmem>>[vector<16xi32>, vector<16xi32>], vector<16xf32>,
        %parallel_loop3A_341 = arith.constant 3 : i32
        %parallel_loop3A_342 = vector.broadcast %parallel_loop3A_341 : i32 to vector<16xi32>
        %parallel_loop3A_343 = arith.constant 4 : i32
        %parallel_loop3A_344 = arith.muli %parallel_loop3A_343, %parallel_loop3A_270 : i32
        %parallel_loop3A_345 = vector.broadcast %parallel_loop3A_344 : i32 to vector<16xi32>
        %parallel_loop3A_346 = arith.addi %parallel_loop3A_342, %parallel_loop3A_345 : vector<16xi32>
        %parallel_loop3A_347 = arith.constant 511 : i32
        %parallel_loop3A_348 = vector.broadcast %parallel_loop3A_347 : i32 to vector<16xi32>
        %parallel_loop3A_349 = arith.minsi %parallel_loop3A_346, %parallel_loop3A_348 : vector<16xi32>
        %parallel_loop3A_350 = tpu.vector_load_idx %arg6[%add3A_162, %parallel_loop3A_349] : memref<32x512xf32, #tpu.memory_space<vmem>>[vector<16xi32>, vector<16xi32>], vector<16xf32>,
        %parallel_loop3A_351 = arith.index_cast %parallel_loop3A_270 : i32 to index
        %parallel_loop3A_352 = arith.constant 0 : index
        %parallel_loop3A_353 = tpu.vector_load %arg10[%parallel_loop3A_351, %parallel_loop3A_352] {strides = array<i32>} : memref<128x128xf32, #tpu.memory_space<vmem>>, vector<16xf32>,
        tpu.vector_store %arg10[%parallel_loop3A_351, %parallel_loop3A_352], %parallel_loop3A_280 {strides = array<i32>} : memref<128x128xf32, #tpu.memory_space<vmem>>, vector<16xf32>,
        %parallel_loop3A_354 = arith.index_cast %parallel_loop3A_270 : i32 to index
        %parallel_loop3A_355 = arith.constant 16 : index
        %parallel_loop3A_356 = tpu.vector_load %arg10[%parallel_loop3A_354, %parallel_loop3A_355] {strides = array<i32>} : memref<128x128xf32, #tpu.memory_space<vmem>>, vector<16xf32>,
        tpu.vector_store %arg10[%parallel_loop3A_354, %parallel_loop3A_355], %parallel_loop3A_290 {strides = array<i32>} : memref<128x128xf32, #tpu.memory_space<vmem>>, vector<16xf32>,
        %parallel_loop3A_357 = arith.index_cast %parallel_loop3A_270 : i32 to index
        %parallel_loop3A_358 = arith.constant 32 : index
        %parallel_loop3A_359 = tpu.vector_load %arg10[%parallel_loop3A_357, %parallel_loop3A_358] {strides = array<i32>} : memref<128x128xf32, #tpu.memory_space<vmem>>, vector<16xf32>,
        tpu.vector_store %arg10[%parallel_loop3A_357, %parallel_loop3A_358], %parallel_loop3A_300 {strides = array<i32>} : memref<128x128xf32, #tpu.memory_space<vmem>>, vector<16xf32>,
        %parallel_loop3A_360 = arith.index_cast %parallel_loop3A_270 : i32 to index
        %parallel_loop3A_361 = arith.constant 48 : index
        %parallel_loop3A_362 = tpu.vector_load %arg10[%parallel_loop3A_360, %parallel_loop3A_361] {strides = array<i32>} : memref<128x128xf32, #tpu.memory_space<vmem>>, vector<16xf32>,
        tpu.vector_store %arg10[%parallel_loop3A_360, %parallel_loop3A_361], %parallel_loop3A_310 {strides = array<i32>} : memref<128x128xf32, #tpu.memory_space<vmem>>, vector<16xf32>,
        %parallel_loop3A_363 = arith.index_cast %parallel_loop3A_270 : i32 to index
        %parallel_loop3A_364 = arith.constant 64 : index
        %parallel_loop3A_365 = tpu.vector_load %arg10[%parallel_loop3A_363, %parallel_loop3A_364] {strides = array<i32>} : memref<128x128xf32, #tpu.memory_space<vmem>>, vector<16xf32>,
        tpu.vector_store %arg10[%parallel_loop3A_363, %parallel_loop3A_364], %parallel_loop3A_320 {strides = array<i32>} : memref<128x128xf32, #tpu.memory_space<vmem>>, vector<16xf32>,
        %parallel_loop3A_366 = arith.index_cast %parallel_loop3A_270 : i32 to index
        %parallel_loop3A_367 = arith.constant 80 : index
        %parallel_loop3A_368 = tpu.vector_load %arg10[%parallel_loop3A_366, %parallel_loop3A_367] {strides = array<i32>} : memref<128x128xf32, #tpu.memory_space<vmem>>, vector<16xf32>,
        tpu.vector_store %arg10[%parallel_loop3A_366, %parallel_loop3A_367], %parallel_loop3A_330 {strides = array<i32>} : memref<128x128xf32, #tpu.memory_space<vmem>>, vector<16xf32>,
        %parallel_loop3A_369 = arith.index_cast %parallel_loop3A_270 : i32 to index
        %parallel_loop3A_370 = arith.constant 96 : index
        %parallel_loop3A_371 = tpu.vector_load %arg10[%parallel_loop3A_369, %parallel_loop3A_370] {strides = array<i32>} : memref<128x128xf32, #tpu.memory_space<vmem>>, vector<16xf32>,
        tpu.vector_store %arg10[%parallel_loop3A_369, %parallel_loop3A_370], %parallel_loop3A_340 {strides = array<i32>} : memref<128x128xf32, #tpu.memory_space<vmem>>, vector<16xf32>,
        %parallel_loop3A_372 = arith.index_cast %parallel_loop3A_270 : i32 to index
        %parallel_loop3A_373 = arith.constant 112 : index
        %parallel_loop3A_374 = tpu.vector_load %arg10[%parallel_loop3A_372, %parallel_loop3A_373] {strides = array<i32>} : memref<128x128xf32, #tpu.memory_space<vmem>>, vector<16xf32>,
        tpu.vector_store %arg10[%parallel_loop3A_372, %parallel_loop3A_373], %parallel_loop3A_350 {strides = array<i32>} : memref<128x128xf32, #tpu.memory_space<vmem>>, vector<16xf32>,
      } {sc.loop_unroll_factor = 4 : i64, sc.parallel_access}
      %mul3A_166 = arith.constant 32 : i32
      %mul3A_167 = arith.muli %mul3A_166, %add3A_143 : i32
      %add3A_168 = arith.addi %add3A, %mul3A_167 : i32
      %mul3A_169 = arith.constant 128 : i32
      %mul3A_170 = arith.muli %add3A_168, %mul3A_169 : i32
      %multiple_of3A_171 = tpu.assume_multiple %mul3A_170, 128 : i32
      %dma_start3A_172 = arith.constant 0 : i32
      %dma_start3A_173 = tpu.memref_slice %arg4[%multiple_of3A_171, %dma_start3A_172] : memref<250008x128xf32, #tpu.memory_space<hbm>> -> memref<128x128xf32, #tpu.memory_space<hbm>>
      %dma_start3A_174 = arith.constant 0 : i32
      %dma_start3A_175 = tpu.memref_slice %arg4[%multiple_of3A_171, %dma_start3A_174] : memref<250008x128xf32, #tpu.memory_space<hbm>> -> memref<128x128xf32, #tpu.memory_space<hbm>>
      tpu.enqueue_dma source(%arg10 : memref<128x128xf32, #tpu.memory_space<vmem>>) target(%dma_start3A_175 : memref<128x128xf32, #tpu.memory_space<hbm>>) target_semaphore(%arg16 : memref<!tpu.dma_semaphore, #tpu.memory_space<semaphore_mem>>)
      %add3A_176 = arith.constant 4 : i32
      %add3A_177 = arith.addi %add3A_143, %add3A_176 : i32
      %lt3A_178 = arith.constant 61 : i32
      %lt3A_179 = arith.cmpi slt, %add3A_177, %lt3A_178 : i32
      %convert_element_type3A_180 = arith.extui %lt3A_179 : i1 to i32
      %cond3A_181 = arith.constant 0 : i32
      %cond3A_182 = arith.cmpi ne, %convert_element_type3A_180, %cond3A_181 : i32
      scf.if %cond3A_182 {
        %add3A_270 = arith.constant 4 : i32
        %add3A_271 = arith.addi %add3A_143, %add3A_270 : i32
        %mul3A_272 = arith.constant 32 : i32
        %mul3A_273 = arith.muli %mul3A_272, %add3A_271 : i32
        %add3A_274 = arith.addi %add3A, %mul3A_273 : i32
        %mul3A_275 = arith.constant 512 : i32
        %mul3A_276 = arith.muli %add3A_274, %mul3A_275 : i32
        %multiple_of3A_277 = tpu.assume_multiple %mul3A_276, 128 : i32
        %dma_start3A_278 = arith.constant 0 : i32
        %dma_start3A_279 = tpu.memref_slice %arg2[%dma_start3A_278, %multiple_of3A_277] : memref<32x1000001xf32, #tpu.memory_space<hbm>> -> memref<32x512xf32, #tpu.memory_space<hbm>>
        %dma_start3A_280 = arith.constant 0 : i32
        %dma_start3A_281 = tpu.memref_slice %arg2[%dma_start3A_280, %multiple_of3A_277] : memref<32x1000001xf32, #tpu.memory_space<hbm>> -> memref<32x512xf32, #tpu.memory_space<hbm>>
        tpu.enqueue_dma source(%dma_start3A_281 : memref<32x512xf32, #tpu.memory_space<hbm>>) target(%arg6 : memref<32x512xf32, #tpu.memory_space<vmem>>) target_semaphore(%arg12 : memref<!tpu.dma_semaphore, #tpu.memory_space<semaphore_mem>>)
      } else {
      }
      %mul3A_183 = arith.constant 4 : i32
      %mul3A_184 = arith.muli %mul3A_183, %scan3A_96 : i32
      %add3A_185 = arith.constant 2 : i32
      %add3A_186 = arith.addi %mul3A_184, %add3A_185 : i32
      %mul3A_187 = arith.constant 32 : i32
      %mul3A_188 = arith.muli %mul3A_187, %add3A_186 : i32
      %add3A_189 = arith.addi %add3A, %mul3A_188 : i32
      %mul3A_190 = arith.constant 512 : i32
      %mul3A_191 = arith.muli %add3A_189, %mul3A_190 : i32
      %multiple_of3A_192 = tpu.assume_multiple %mul3A_191, 128 : i32
      %dma_wait3A_193 = arith.constant 0 : i32
      %dma_wait3A_194 = tpu.memref_slice %arg2[%dma_wait3A_193, %multiple_of3A_192] : memref<32x1000001xf32, #tpu.memory_space<hbm>> -> memref<32x512xf32, #tpu.memory_space<hbm>>
      %dma_wait3A_195 = arith.constant 0 : i32
      %dma_wait3A_196 = tpu.memref_slice %arg2[%dma_wait3A_195, %multiple_of3A_192] : memref<32x1000001xf32, #tpu.memory_space<hbm>> -> memref<32x512xf32, #tpu.memory_space<hbm>>
      tpu.wait_dma2 semaphore(%arg13 : memref<!tpu.dma_semaphore, #tpu.memory_space<semaphore_mem>>) src(%dma_wait3A_196 : memref<32x512xf32, #tpu.memory_space<hbm>>) dst(%arg7 : memref<32x512xf32, #tpu.memory_space<vmem>>)
      %ge3A_197 = arith.constant 2 : i32
      %ge3A_198 = arith.cmpi sge, %add3A_186, %ge3A_197 : i32
      %convert_element_type3A_199 = arith.extui %ge3A_198 : i1 to i32
      %cond3A_200 = arith.constant 0 : i32
      %cond3A_201 = arith.cmpi ne, %convert_element_type3A_199, %cond3A_200 : i32
      scf.if %cond3A_201 {
        %sub3A = arith.constant 2 : i32
        %sub3A_270 = arith.subi %add3A_186, %sub3A : i32
        %mul3A_271 = arith.constant 32 : i32
        %mul3A_272 = arith.muli %mul3A_271, %sub3A_270 : i32
        %add3A_273 = arith.addi %add3A, %mul3A_272 : i32
        %mul3A_274 = arith.constant 128 : i32
        %mul3A_275 = arith.muli %add3A_273, %mul3A_274 : i32
        %multiple_of3A_276 = tpu.assume_multiple %mul3A_275, 128 : i32
        %dma_wait3A_277 = arith.constant 0 : i32
        %dma_wait3A_278 = tpu.memref_slice %arg4[%multiple_of3A_276, %dma_wait3A_277] : memref<250008x128xf32, #tpu.memory_space<hbm>> -> memref<128x128xf32, #tpu.memory_space<hbm>>
        %dma_wait3A_279 = arith.constant 0 : i32
        %dma_wait3A_280 = tpu.memref_slice %arg4[%multiple_of3A_276, %dma_wait3A_279] : memref<250008x128xf32, #tpu.memory_space<hbm>> -> memref<128x128xf32, #tpu.memory_space<hbm>>
        tpu.wait_dma2 semaphore(%arg15 : memref<!tpu.dma_semaphore, #tpu.memory_space<semaphore_mem>>) src(%arg9 : memref<128x128xf32, #tpu.memory_space<vmem>>) dst(%dma_wait3A_280 : memref<128x128xf32, #tpu.memory_space<hbm>>)
      } else {
      }
      %iota3A_202 = tpu.iota {dimensions = array<i32: 0>} : vector<16xi32>
      %add3A_203 = arith.constant 16 : i32
      %add3A_204 = vector.broadcast %add3A_203 : i32 to vector<16xi32>
      %add3A_205 = arith.addi %iota3A_202, %add3A_204 : vector<16xi32>
      %parallel_loop3A_206 = arith.constant 0 : i32
      %parallel_loop3A_207 = arith.constant 128 : i32
      %parallel_loop3A_208 = arith.constant 1 : i32
      scf.for %parallel_loop3A_270 = %parallel_loop3A_206 to %parallel_loop3A_207 step %parallel_loop3A_208  : i32 {
        %parallel_loop3A_271 = arith.constant 0 : i32
        %parallel_loop3A_272 = vector.broadcast %parallel_loop3A_271 : i32 to vector<16xi32>
        %parallel_loop3A_273 = arith.constant 4 : i32
        %parallel_loop3A_274 = arith.muli %parallel_loop3A_273, %parallel_loop3A_270 : i32
        %parallel_loop3A_275 = vector.broadcast %parallel_loop3A_274 : i32 to vector<16xi32>
        %parallel_loop3A_276 = arith.addi %parallel_loop3A_272, %parallel_loop3A_275 : vector<16xi32>
        %parallel_loop3A_277 = arith.constant 511 : i32
        %parallel_loop3A_278 = vector.broadcast %parallel_loop3A_277 : i32 to vector<16xi32>
        %parallel_loop3A_279 = arith.minsi %parallel_loop3A_276, %parallel_loop3A_278 : vector<16xi32>
        %parallel_loop3A_280 = tpu.vector_load_idx %arg7[%iota3A_202, %parallel_loop3A_279] : memref<32x512xf32, #tpu.memory_space<vmem>>[vector<16xi32>, vector<16xi32>], vector<16xf32>,
        %parallel_loop3A_281 = arith.constant 0 : i32
        %parallel_loop3A_282 = vector.broadcast %parallel_loop3A_281 : i32 to vector<16xi32>
        %parallel_loop3A_283 = arith.constant 4 : i32
        %parallel_loop3A_284 = arith.muli %parallel_loop3A_283, %parallel_loop3A_270 : i32
        %parallel_loop3A_285 = vector.broadcast %parallel_loop3A_284 : i32 to vector<16xi32>
        %parallel_loop3A_286 = arith.addi %parallel_loop3A_282, %parallel_loop3A_285 : vector<16xi32>
        %parallel_loop3A_287 = arith.constant 511 : i32
        %parallel_loop3A_288 = vector.broadcast %parallel_loop3A_287 : i32 to vector<16xi32>
        %parallel_loop3A_289 = arith.minsi %parallel_loop3A_286, %parallel_loop3A_288 : vector<16xi32>
        %parallel_loop3A_290 = tpu.vector_load_idx %arg7[%add3A_205, %parallel_loop3A_289] : memref<32x512xf32, #tpu.memory_space<vmem>>[vector<16xi32>, vector<16xi32>], vector<16xf32>,
        %parallel_loop3A_291 = arith.constant 1 : i32
        %parallel_loop3A_292 = vector.broadcast %parallel_loop3A_291 : i32 to vector<16xi32>
        %parallel_loop3A_293 = arith.constant 4 : i32
        %parallel_loop3A_294 = arith.muli %parallel_loop3A_293, %parallel_loop3A_270 : i32
        %parallel_loop3A_295 = vector.broadcast %parallel_loop3A_294 : i32 to vector<16xi32>
        %parallel_loop3A_296 = arith.addi %parallel_loop3A_292, %parallel_loop3A_295 : vector<16xi32>
        %parallel_loop3A_297 = arith.constant 511 : i32
        %parallel_loop3A_298 = vector.broadcast %parallel_loop3A_297 : i32 to vector<16xi32>
        %parallel_loop3A_299 = arith.minsi %parallel_loop3A_296, %parallel_loop3A_298 : vector<16xi32>
        %parallel_loop3A_300 = tpu.vector_load_idx %arg7[%iota3A_202, %parallel_loop3A_299] : memref<32x512xf32, #tpu.memory_space<vmem>>[vector<16xi32>, vector<16xi32>], vector<16xf32>,
        %parallel_loop3A_301 = arith.constant 1 : i32
        %parallel_loop3A_302 = vector.broadcast %parallel_loop3A_301 : i32 to vector<16xi32>
        %parallel_loop3A_303 = arith.constant 4 : i32
        %parallel_loop3A_304 = arith.muli %parallel_loop3A_303, %parallel_loop3A_270 : i32
        %parallel_loop3A_305 = vector.broadcast %parallel_loop3A_304 : i32 to vector<16xi32>
        %parallel_loop3A_306 = arith.addi %parallel_loop3A_302, %parallel_loop3A_305 : vector<16xi32>
        %parallel_loop3A_307 = arith.constant 511 : i32
        %parallel_loop3A_308 = vector.broadcast %parallel_loop3A_307 : i32 to vector<16xi32>
        %parallel_loop3A_309 = arith.minsi %parallel_loop3A_306, %parallel_loop3A_308 : vector<16xi32>
        %parallel_loop3A_310 = tpu.vector_load_idx %arg7[%add3A_205, %parallel_loop3A_309] : memref<32x512xf32, #tpu.memory_space<vmem>>[vector<16xi32>, vector<16xi32>], vector<16xf32>,
        %parallel_loop3A_311 = arith.constant 2 : i32
        %parallel_loop3A_312 = vector.broadcast %parallel_loop3A_311 : i32 to vector<16xi32>
        %parallel_loop3A_313 = arith.constant 4 : i32
        %parallel_loop3A_314 = arith.muli %parallel_loop3A_313, %parallel_loop3A_270 : i32
        %parallel_loop3A_315 = vector.broadcast %parallel_loop3A_314 : i32 to vector<16xi32>
        %parallel_loop3A_316 = arith.addi %parallel_loop3A_312, %parallel_loop3A_315 : vector<16xi32>
        %parallel_loop3A_317 = arith.constant 511 : i32
        %parallel_loop3A_318 = vector.broadcast %parallel_loop3A_317 : i32 to vector<16xi32>
        %parallel_loop3A_319 = arith.minsi %parallel_loop3A_316, %parallel_loop3A_318 : vector<16xi32>
        %parallel_loop3A_320 = tpu.vector_load_idx %arg7[%iota3A_202, %parallel_loop3A_319] : memref<32x512xf32, #tpu.memory_space<vmem>>[vector<16xi32>, vector<16xi32>], vector<16xf32>,
        %parallel_loop3A_321 = arith.constant 2 : i32
        %parallel_loop3A_322 = vector.broadcast %parallel_loop3A_321 : i32 to vector<16xi32>
        %parallel_loop3A_323 = arith.constant 4 : i32
        %parallel_loop3A_324 = arith.muli %parallel_loop3A_323, %parallel_loop3A_270 : i32
        %parallel_loop3A_325 = vector.broadcast %parallel_loop3A_324 : i32 to vector<16xi32>
        %parallel_loop3A_326 = arith.addi %parallel_loop3A_322, %parallel_loop3A_325 : vector<16xi32>
        %parallel_loop3A_327 = arith.constant 511 : i32
        %parallel_loop3A_328 = vector.broadcast %parallel_loop3A_327 : i32 to vector<16xi32>
        %parallel_loop3A_329 = arith.minsi %parallel_loop3A_326, %parallel_loop3A_328 : vector<16xi32>
        %parallel_loop3A_330 = tpu.vector_load_idx %arg7[%add3A_205, %parallel_loop3A_329] : memref<32x512xf32, #tpu.memory_space<vmem>>[vector<16xi32>, vector<16xi32>], vector<16xf32>,
        %parallel_loop3A_331 = arith.constant 3 : i32
        %parallel_loop3A_332 = vector.broadcast %parallel_loop3A_331 : i32 to vector<16xi32>
        %parallel_loop3A_333 = arith.constant 4 : i32
        %parallel_loop3A_334 = arith.muli %parallel_loop3A_333, %parallel_loop3A_270 : i32
        %parallel_loop3A_335 = vector.broadcast %parallel_loop3A_334 : i32 to vector<16xi32>
        %parallel_loop3A_336 = arith.addi %parallel_loop3A_332, %parallel_loop3A_335 : vector<16xi32>
        %parallel_loop3A_337 = arith.constant 511 : i32
        %parallel_loop3A_338 = vector.broadcast %parallel_loop3A_337 : i32 to vector<16xi32>
        %parallel_loop3A_339 = arith.minsi %parallel_loop3A_336, %parallel_loop3A_338 : vector<16xi32>
        %parallel_loop3A_340 = tpu.vector_load_idx %arg7[%iota3A_202, %parallel_loop3A_339] : memref<32x512xf32, #tpu.memory_space<vmem>>[vector<16xi32>, vector<16xi32>], vector<16xf32>,
        %parallel_loop3A_341 = arith.constant 3 : i32
        %parallel_loop3A_342 = vector.broadcast %parallel_loop3A_341 : i32 to vector<16xi32>
        %parallel_loop3A_343 = arith.constant 4 : i32
        %parallel_loop3A_344 = arith.muli %parallel_loop3A_343, %parallel_loop3A_270 : i32
        %parallel_loop3A_345 = vector.broadcast %parallel_loop3A_344 : i32 to vector<16xi32>
        %parallel_loop3A_346 = arith.addi %parallel_loop3A_342, %parallel_loop3A_345 : vector<16xi32>
        %parallel_loop3A_347 = arith.constant 511 : i32
        %parallel_loop3A_348 = vector.broadcast %parallel_loop3A_347 : i32 to vector<16xi32>
        %parallel_loop3A_349 = arith.minsi %parallel_loop3A_346, %parallel_loop3A_348 : vector<16xi32>
        %parallel_loop3A_350 = tpu.vector_load_idx %arg7[%add3A_205, %parallel_loop3A_349] : memref<32x512xf32, #tpu.memory_space<vmem>>[vector<16xi32>, vector<16xi32>], vector<16xf32>,
        %parallel_loop3A_351 = arith.index_cast %parallel_loop3A_270 : i32 to index
        %parallel_loop3A_352 = arith.constant 0 : index
        %parallel_loop3A_353 = tpu.vector_load %arg9[%parallel_loop3A_351, %parallel_loop3A_352] {strides = array<i32>} : memref<128x128xf32, #tpu.memory_space<vmem>>, vector<16xf32>,
        tpu.vector_store %arg9[%parallel_loop3A_351, %parallel_loop3A_352], %parallel_loop3A_280 {strides = array<i32>} : memref<128x128xf32, #tpu.memory_space<vmem>>, vector<16xf32>,
        %parallel_loop3A_354 = arith.index_cast %parallel_loop3A_270 : i32 to index
        %parallel_loop3A_355 = arith.constant 16 : index
        %parallel_loop3A_356 = tpu.vector_load %arg9[%parallel_loop3A_354, %parallel_loop3A_355] {strides = array<i32>} : memref<128x128xf32, #tpu.memory_space<vmem>>, vector<16xf32>,
        tpu.vector_store %arg9[%parallel_loop3A_354, %parallel_loop3A_355], %parallel_loop3A_290 {strides = array<i32>} : memref<128x128xf32, #tpu.memory_space<vmem>>, vector<16xf32>,
        %parallel_loop3A_357 = arith.index_cast %parallel_loop3A_270 : i32 to index
        %parallel_loop3A_358 = arith.constant 32 : index
        %parallel_loop3A_359 = tpu.vector_load %arg9[%parallel_loop3A_357, %parallel_loop3A_358] {strides = array<i32>} : memref<128x128xf32, #tpu.memory_space<vmem>>, vector<16xf32>,
        tpu.vector_store %arg9[%parallel_loop3A_357, %parallel_loop3A_358], %parallel_loop3A_300 {strides = array<i32>} : memref<128x128xf32, #tpu.memory_space<vmem>>, vector<16xf32>,
        %parallel_loop3A_360 = arith.index_cast %parallel_loop3A_270 : i32 to index
        %parallel_loop3A_361 = arith.constant 48 : index
        %parallel_loop3A_362 = tpu.vector_load %arg9[%parallel_loop3A_360, %parallel_loop3A_361] {strides = array<i32>} : memref<128x128xf32, #tpu.memory_space<vmem>>, vector<16xf32>,
        tpu.vector_store %arg9[%parallel_loop3A_360, %parallel_loop3A_361], %parallel_loop3A_310 {strides = array<i32>} : memref<128x128xf32, #tpu.memory_space<vmem>>, vector<16xf32>,
        %parallel_loop3A_363 = arith.index_cast %parallel_loop3A_270 : i32 to index
        %parallel_loop3A_364 = arith.constant 64 : index
        %parallel_loop3A_365 = tpu.vector_load %arg9[%parallel_loop3A_363, %parallel_loop3A_364] {strides = array<i32>} : memref<128x128xf32, #tpu.memory_space<vmem>>, vector<16xf32>,
        tpu.vector_store %arg9[%parallel_loop3A_363, %parallel_loop3A_364], %parallel_loop3A_320 {strides = array<i32>} : memref<128x128xf32, #tpu.memory_space<vmem>>, vector<16xf32>,
        %parallel_loop3A_366 = arith.index_cast %parallel_loop3A_270 : i32 to index
        %parallel_loop3A_367 = arith.constant 80 : index
        %parallel_loop3A_368 = tpu.vector_load %arg9[%parallel_loop3A_366, %parallel_loop3A_367] {strides = array<i32>} : memref<128x128xf32, #tpu.memory_space<vmem>>, vector<16xf32>,
        tpu.vector_store %arg9[%parallel_loop3A_366, %parallel_loop3A_367], %parallel_loop3A_330 {strides = array<i32>} : memref<128x128xf32, #tpu.memory_space<vmem>>, vector<16xf32>,
        %parallel_loop3A_369 = arith.index_cast %parallel_loop3A_270 : i32 to index
        %parallel_loop3A_370 = arith.constant 96 : index
        %parallel_loop3A_371 = tpu.vector_load %arg9[%parallel_loop3A_369, %parallel_loop3A_370] {strides = array<i32>} : memref<128x128xf32, #tpu.memory_space<vmem>>, vector<16xf32>,
        tpu.vector_store %arg9[%parallel_loop3A_369, %parallel_loop3A_370], %parallel_loop3A_340 {strides = array<i32>} : memref<128x128xf32, #tpu.memory_space<vmem>>, vector<16xf32>,
        %parallel_loop3A_372 = arith.index_cast %parallel_loop3A_270 : i32 to index
        %parallel_loop3A_373 = arith.constant 112 : index
        %parallel_loop3A_374 = tpu.vector_load %arg9[%parallel_loop3A_372, %parallel_loop3A_373] {strides = array<i32>} : memref<128x128xf32, #tpu.memory_space<vmem>>, vector<16xf32>,
        tpu.vector_store %arg9[%parallel_loop3A_372, %parallel_loop3A_373], %parallel_loop3A_350 {strides = array<i32>} : memref<128x128xf32, #tpu.memory_space<vmem>>, vector<16xf32>,
      } {sc.loop_unroll_factor = 4 : i64, sc.parallel_access}
      %mul3A_209 = arith.constant 32 : i32
      %mul3A_210 = arith.muli %mul3A_209, %add3A_186 : i32
      %add3A_211 = arith.addi %add3A, %mul3A_210 : i32
      %mul3A_212 = arith.constant 128 : i32
      %mul3A_213 = arith.muli %add3A_211, %mul3A_212 : i32
      %multiple_of3A_214 = tpu.assume_multiple %mul3A_213, 128 : i32
      %dma_start3A_215 = arith.constant 0 : i32
      %dma_start3A_216 = tpu.memref_slice %arg4[%multiple_of3A_214, %dma_start3A_215] : memref<250008x128xf32, #tpu.memory_space<hbm>> -> memref<128x128xf32, #tpu.memory_space<hbm>>
      %dma_start3A_217 = arith.constant 0 : i32
      %dma_start3A_218 = tpu.memref_slice %arg4[%multiple_of3A_214, %dma_start3A_217] : memref<250008x128xf32, #tpu.memory_space<hbm>> -> memref<128x128xf32, #tpu.memory_space<hbm>>
      tpu.enqueue_dma source(%arg9 : memref<128x128xf32, #tpu.memory_space<vmem>>) target(%dma_start3A_218 : memref<128x128xf32, #tpu.memory_space<hbm>>) target_semaphore(%arg15 : memref<!tpu.dma_semaphore, #tpu.memory_space<semaphore_mem>>)
      %add3A_219 = arith.constant 4 : i32
      %add3A_220 = arith.addi %add3A_186, %add3A_219 : i32
      %lt3A_221 = arith.constant 61 : i32
      %lt3A_222 = arith.cmpi slt, %add3A_220, %lt3A_221 : i32
      %convert_element_type3A_223 = arith.extui %lt3A_222 : i1 to i32
      %cond3A_224 = arith.constant 0 : i32
      %cond3A_225 = arith.cmpi ne, %convert_element_type3A_223, %cond3A_224 : i32
      scf.if %cond3A_225 {
        %add3A_270 = arith.constant 4 : i32
        %add3A_271 = arith.addi %add3A_186, %add3A_270 : i32
        %mul3A_272 = arith.constant 32 : i32
        %mul3A_273 = arith.muli %mul3A_272, %add3A_271 : i32
        %add3A_274 = arith.addi %add3A, %mul3A_273 : i32
        %mul3A_275 = arith.constant 512 : i32
        %mul3A_276 = arith.muli %add3A_274, %mul3A_275 : i32
        %multiple_of3A_277 = tpu.assume_multiple %mul3A_276, 128 : i32
        %dma_start3A_278 = arith.constant 0 : i32
        %dma_start3A_279 = tpu.memref_slice %arg2[%dma_start3A_278, %multiple_of3A_277] : memref<32x1000001xf32, #tpu.memory_space<hbm>> -> memref<32x512xf32, #tpu.memory_space<hbm>>
        %dma_start3A_280 = arith.constant 0 : i32
        %dma_start3A_281 = tpu.memref_slice %arg2[%dma_start3A_280, %multiple_of3A_277] : memref<32x1000001xf32, #tpu.memory_space<hbm>> -> memref<32x512xf32, #tpu.memory_space<hbm>>
        tpu.enqueue_dma source(%dma_start3A_281 : memref<32x512xf32, #tpu.memory_space<hbm>>) target(%arg7 : memref<32x512xf32, #tpu.memory_space<vmem>>) target_semaphore(%arg13 : memref<!tpu.dma_semaphore, #tpu.memory_space<semaphore_mem>>)
      } else {
      }
      %mul3A_226 = arith.constant 4 : i32
      %mul3A_227 = arith.muli %mul3A_226, %scan3A_96 : i32
      %add3A_228 = arith.constant 3 : i32
      %add3A_229 = arith.addi %mul3A_227, %add3A_228 : i32
      %mul3A_230 = arith.constant 32 : i32
      %mul3A_231 = arith.muli %mul3A_230, %add3A_229 : i32
      %add3A_232 = arith.addi %add3A, %mul3A_231 : i32
      %mul3A_233 = arith.constant 512 : i32
      %mul3A_234 = arith.muli %add3A_232, %mul3A_233 : i32
      %multiple_of3A_235 = tpu.assume_multiple %mul3A_234, 128 : i32
      %dma_wait3A_236 = arith.constant 0 : i32
      %dma_wait3A_237 = tpu.memref_slice %arg2[%dma_wait3A_236, %multiple_of3A_235] : memref<32x1000001xf32, #tpu.memory_space<hbm>> -> memref<32x512xf32, #tpu.memory_space<hbm>>
      %dma_wait3A_238 = arith.constant 0 : i32
      %dma_wait3A_239 = tpu.memref_slice %arg2[%dma_wait3A_238, %multiple_of3A_235] : memref<32x1000001xf32, #tpu.memory_space<hbm>> -> memref<32x512xf32, #tpu.memory_space<hbm>>
      tpu.wait_dma2 semaphore(%arg14 : memref<!tpu.dma_semaphore, #tpu.memory_space<semaphore_mem>>) src(%dma_wait3A_239 : memref<32x512xf32, #tpu.memory_space<hbm>>) dst(%arg8 : memref<32x512xf32, #tpu.memory_space<vmem>>)
      %ge3A_240 = arith.constant 2 : i32
      %ge3A_241 = arith.cmpi sge, %add3A_229, %ge3A_240 : i32
      %convert_element_type3A_242 = arith.extui %ge3A_241 : i1 to i32
      %cond3A_243 = arith.constant 0 : i32
      %cond3A_244 = arith.cmpi ne, %convert_element_type3A_242, %cond3A_243 : i32
      scf.if %cond3A_244 {
        %sub3A = arith.constant 2 : i32
        %sub3A_270 = arith.subi %add3A_229, %sub3A : i32
        %mul3A_271 = arith.constant 32 : i32
        %mul3A_272 = arith.muli %mul3A_271, %sub3A_270 : i32
        %add3A_273 = arith.addi %add3A, %mul3A_272 : i32
        %mul3A_274 = arith.constant 128 : i32
        %mul3A_275 = arith.muli %add3A_273, %mul3A_274 : i32
        %multiple_of3A_276 = tpu.assume_multiple %mul3A_275, 128 : i32
        %dma_wait3A_277 = arith.constant 0 : i32
        %dma_wait3A_278 = tpu.memref_slice %arg4[%multiple_of3A_276, %dma_wait3A_277] : memref<250008x128xf32, #tpu.memory_space<hbm>> -> memref<128x128xf32, #tpu.memory_space<hbm>>
        %dma_wait3A_279 = arith.constant 0 : i32
        %dma_wait3A_280 = tpu.memref_slice %arg4[%multiple_of3A_276, %dma_wait3A_279] : memref<250008x128xf32, #tpu.memory_space<hbm>> -> memref<128x128xf32, #tpu.memory_space<hbm>>
        tpu.wait_dma2 semaphore(%arg16 : memref<!tpu.dma_semaphore, #tpu.memory_space<semaphore_mem>>) src(%arg10 : memref<128x128xf32, #tpu.memory_space<vmem>>) dst(%dma_wait3A_280 : memref<128x128xf32, #tpu.memory_space<hbm>>)
      } else {
      }
      %iota3A_245 = tpu.iota {dimensions = array<i32: 0>} : vector<16xi32>
      %add3A_246 = arith.constant 16 : i32
      %add3A_247 = vector.broadcast %add3A_246 : i32 to vector<16xi32>
      %add3A_248 = arith.addi %iota3A_245, %add3A_247 : vector<16xi32>
      %parallel_loop3A_249 = arith.constant 0 : i32
      %parallel_loop3A_250 = arith.constant 128 : i32
      %parallel_loop3A_251 = arith.constant 1 : i32
      scf.for %parallel_loop3A_270 = %parallel_loop3A_249 to %parallel_loop3A_250 step %parallel_loop3A_251  : i32 {
        %parallel_loop3A_271 = arith.constant 0 : i32
        %parallel_loop3A_272 = vector.broadcast %parallel_loop3A_271 : i32 to vector<16xi32>
        %parallel_loop3A_273 = arith.constant 4 : i32
        %parallel_loop3A_274 = arith.muli %parallel_loop3A_273, %parallel_loop3A_270 : i32
        %parallel_loop3A_275 = vector.broadcast %parallel_loop3A_274 : i32 to vector<16xi32>
        %parallel_loop3A_276 = arith.addi %parallel_loop3A_272, %parallel_loop3A_275 : vector<16xi32>
        %parallel_loop3A_277 = arith.constant 511 : i32
        %parallel_loop3A_278 = vector.broadcast %parallel_loop3A_277 : i32 to vector<16xi32>
        %parallel_loop3A_279 = arith.minsi %parallel_loop3A_276, %parallel_loop3A_278 : vector<16xi32>
        %parallel_loop3A_280 = tpu.vector_load_idx %arg8[%iota3A_245, %parallel_loop3A_279] : memref<32x512xf32, #tpu.memory_space<vmem>>[vector<16xi32>, vector<16xi32>], vector<16xf32>,
        %parallel_loop3A_281 = arith.constant 0 : i32
        %parallel_loop3A_282 = vector.broadcast %parallel_loop3A_281 : i32 to vector<16xi32>
        %parallel_loop3A_283 = arith.constant 4 : i32
        %parallel_loop3A_284 = arith.muli %parallel_loop3A_283, %parallel_loop3A_270 : i32
        %parallel_loop3A_285 = vector.broadcast %parallel_loop3A_284 : i32 to vector<16xi32>
        %parallel_loop3A_286 = arith.addi %parallel_loop3A_282, %parallel_loop3A_285 : vector<16xi32>
        %parallel_loop3A_287 = arith.constant 511 : i32
        %parallel_loop3A_288 = vector.broadcast %parallel_loop3A_287 : i32 to vector<16xi32>
        %parallel_loop3A_289 = arith.minsi %parallel_loop3A_286, %parallel_loop3A_288 : vector<16xi32>
        %parallel_loop3A_290 = tpu.vector_load_idx %arg8[%add3A_248, %parallel_loop3A_289] : memref<32x512xf32, #tpu.memory_space<vmem>>[vector<16xi32>, vector<16xi32>], vector<16xf32>,
        %parallel_loop3A_291 = arith.constant 1 : i32
        %parallel_loop3A_292 = vector.broadcast %parallel_loop3A_291 : i32 to vector<16xi32>
        %parallel_loop3A_293 = arith.constant 4 : i32
        %parallel_loop3A_294 = arith.muli %parallel_loop3A_293, %parallel_loop3A_270 : i32
        %parallel_loop3A_295 = vector.broadcast %parallel_loop3A_294 : i32 to vector<16xi32>
        %parallel_loop3A_296 = arith.addi %parallel_loop3A_292, %parallel_loop3A_295 : vector<16xi32>
        %parallel_loop3A_297 = arith.constant 511 : i32
        %parallel_loop3A_298 = vector.broadcast %parallel_loop3A_297 : i32 to vector<16xi32>
        %parallel_loop3A_299 = arith.minsi %parallel_loop3A_296, %parallel_loop3A_298 : vector<16xi32>
        %parallel_loop3A_300 = tpu.vector_load_idx %arg8[%iota3A_245, %parallel_loop3A_299] : memref<32x512xf32, #tpu.memory_space<vmem>>[vector<16xi32>, vector<16xi32>], vector<16xf32>,
        %parallel_loop3A_301 = arith.constant 1 : i32
        %parallel_loop3A_302 = vector.broadcast %parallel_loop3A_301 : i32 to vector<16xi32>
        %parallel_loop3A_303 = arith.constant 4 : i32
        %parallel_loop3A_304 = arith.muli %parallel_loop3A_303, %parallel_loop3A_270 : i32
        %parallel_loop3A_305 = vector.broadcast %parallel_loop3A_304 : i32 to vector<16xi32>
        %parallel_loop3A_306 = arith.addi %parallel_loop3A_302, %parallel_loop3A_305 : vector<16xi32>
        %parallel_loop3A_307 = arith.constant 511 : i32
        %parallel_loop3A_308 = vector.broadcast %parallel_loop3A_307 : i32 to vector<16xi32>
        %parallel_loop3A_309 = arith.minsi %parallel_loop3A_306, %parallel_loop3A_308 : vector<16xi32>
        %parallel_loop3A_310 = tpu.vector_load_idx %arg8[%add3A_248, %parallel_loop3A_309] : memref<32x512xf32, #tpu.memory_space<vmem>>[vector<16xi32>, vector<16xi32>], vector<16xf32>,
        %parallel_loop3A_311 = arith.constant 2 : i32
        %parallel_loop3A_312 = vector.broadcast %parallel_loop3A_311 : i32 to vector<16xi32>
        %parallel_loop3A_313 = arith.constant 4 : i32
        %parallel_loop3A_314 = arith.muli %parallel_loop3A_313, %parallel_loop3A_270 : i32
        %parallel_loop3A_315 = vector.broadcast %parallel_loop3A_314 : i32 to vector<16xi32>
        %parallel_loop3A_316 = arith.addi %parallel_loop3A_312, %parallel_loop3A_315 : vector<16xi32>
        %parallel_loop3A_317 = arith.constant 511 : i32
        %parallel_loop3A_318 = vector.broadcast %parallel_loop3A_317 : i32 to vector<16xi32>
        %parallel_loop3A_319 = arith.minsi %parallel_loop3A_316, %parallel_loop3A_318 : vector<16xi32>
        %parallel_loop3A_320 = tpu.vector_load_idx %arg8[%iota3A_245, %parallel_loop3A_319] : memref<32x512xf32, #tpu.memory_space<vmem>>[vector<16xi32>, vector<16xi32>], vector<16xf32>,
        %parallel_loop3A_321 = arith.constant 2 : i32
        %parallel_loop3A_322 = vector.broadcast %parallel_loop3A_321 : i32 to vector<16xi32>
        %parallel_loop3A_323 = arith.constant 4 : i32
        %parallel_loop3A_324 = arith.muli %parallel_loop3A_323, %parallel_loop3A_270 : i32
        %parallel_loop3A_325 = vector.broadcast %parallel_loop3A_324 : i32 to vector<16xi32>
        %parallel_loop3A_326 = arith.addi %parallel_loop3A_322, %parallel_loop3A_325 : vector<16xi32>
        %parallel_loop3A_327 = arith.constant 511 : i32
        %parallel_loop3A_328 = vector.broadcast %parallel_loop3A_327 : i32 to vector<16xi32>
        %parallel_loop3A_329 = arith.minsi %parallel_loop3A_326, %parallel_loop3A_328 : vector<16xi32>
        %parallel_loop3A_330 = tpu.vector_load_idx %arg8[%add3A_248, %parallel_loop3A_329] : memref<32x512xf32, #tpu.memory_space<vmem>>[vector<16xi32>, vector<16xi32>], vector<16xf32>,
        %parallel_loop3A_331 = arith.constant 3 : i32
        %parallel_loop3A_332 = vector.broadcast %parallel_loop3A_331 : i32 to vector<16xi32>
        %parallel_loop3A_333 = arith.constant 4 : i32
        %parallel_loop3A_334 = arith.muli %parallel_loop3A_333, %parallel_loop3A_270 : i32
        %parallel_loop3A_335 = vector.broadcast %parallel_loop3A_334 : i32 to vector<16xi32>
        %parallel_loop3A_336 = arith.addi %parallel_loop3A_332, %parallel_loop3A_335 : vector<16xi32>
        %parallel_loop3A_337 = arith.constant 511 : i32
        %parallel_loop3A_338 = vector.broadcast %parallel_loop3A_337 : i32 to vector<16xi32>
        %parallel_loop3A_339 = arith.minsi %parallel_loop3A_336, %parallel_loop3A_338 : vector<16xi32>
        %parallel_loop3A_340 = tpu.vector_load_idx %arg8[%iota3A_245, %parallel_loop3A_339] : memref<32x512xf32, #tpu.memory_space<vmem>>[vector<16xi32>, vector<16xi32>], vector<16xf32>,
        %parallel_loop3A_341 = arith.constant 3 : i32
        %parallel_loop3A_342 = vector.broadcast %parallel_loop3A_341 : i32 to vector<16xi32>
        %parallel_loop3A_343 = arith.constant 4 : i32
        %parallel_loop3A_344 = arith.muli %parallel_loop3A_343, %parallel_loop3A_270 : i32
        %parallel_loop3A_345 = vector.broadcast %parallel_loop3A_344 : i32 to vector<16xi32>
        %parallel_loop3A_346 = arith.addi %parallel_loop3A_342, %parallel_loop3A_345 : vector<16xi32>
        %parallel_loop3A_347 = arith.constant 511 : i32
        %parallel_loop3A_348 = vector.broadcast %parallel_loop3A_347 : i32 to vector<16xi32>
        %parallel_loop3A_349 = arith.minsi %parallel_loop3A_346, %parallel_loop3A_348 : vector<16xi32>
        %parallel_loop3A_350 = tpu.vector_load_idx %arg8[%add3A_248, %parallel_loop3A_349] : memref<32x512xf32, #tpu.memory_space<vmem>>[vector<16xi32>, vector<16xi32>], vector<16xf32>,
        %parallel_loop3A_351 = arith.index_cast %parallel_loop3A_270 : i32 to index
        %parallel_loop3A_352 = arith.constant 0 : index
        %parallel_loop3A_353 = tpu.vector_load %arg10[%parallel_loop3A_351, %parallel_loop3A_352] {strides = array<i32>} : memref<128x128xf32, #tpu.memory_space<vmem>>, vector<16xf32>,
        tpu.vector_store %arg10[%parallel_loop3A_351, %parallel_loop3A_352], %parallel_loop3A_280 {strides = array<i32>} : memref<128x128xf32, #tpu.memory_space<vmem>>, vector<16xf32>,
        %parallel_loop3A_354 = arith.index_cast %parallel_loop3A_270 : i32 to index
        %parallel_loop3A_355 = arith.constant 16 : index
        %parallel_loop3A_356 = tpu.vector_load %arg10[%parallel_loop3A_354, %parallel_loop3A_355] {strides = array<i32>} : memref<128x128xf32, #tpu.memory_space<vmem>>, vector<16xf32>,
        tpu.vector_store %arg10[%parallel_loop3A_354, %parallel_loop3A_355], %parallel_loop3A_290 {strides = array<i32>} : memref<128x128xf32, #tpu.memory_space<vmem>>, vector<16xf32>,
        %parallel_loop3A_357 = arith.index_cast %parallel_loop3A_270 : i32 to index
        %parallel_loop3A_358 = arith.constant 32 : index
        %parallel_loop3A_359 = tpu.vector_load %arg10[%parallel_loop3A_357, %parallel_loop3A_358] {strides = array<i32>} : memref<128x128xf32, #tpu.memory_space<vmem>>, vector<16xf32>,
        tpu.vector_store %arg10[%parallel_loop3A_357, %parallel_loop3A_358], %parallel_loop3A_300 {strides = array<i32>} : memref<128x128xf32, #tpu.memory_space<vmem>>, vector<16xf32>,
        %parallel_loop3A_360 = arith.index_cast %parallel_loop3A_270 : i32 to index
        %parallel_loop3A_361 = arith.constant 48 : index
        %parallel_loop3A_362 = tpu.vector_load %arg10[%parallel_loop3A_360, %parallel_loop3A_361] {strides = array<i32>} : memref<128x128xf32, #tpu.memory_space<vmem>>, vector<16xf32>,
        tpu.vector_store %arg10[%parallel_loop3A_360, %parallel_loop3A_361], %parallel_loop3A_310 {strides = array<i32>} : memref<128x128xf32, #tpu.memory_space<vmem>>, vector<16xf32>,
        %parallel_loop3A_363 = arith.index_cast %parallel_loop3A_270 : i32 to index
        %parallel_loop3A_364 = arith.constant 64 : index
        %parallel_loop3A_365 = tpu.vector_load %arg10[%parallel_loop3A_363, %parallel_loop3A_364] {strides = array<i32>} : memref<128x128xf32, #tpu.memory_space<vmem>>, vector<16xf32>,
        tpu.vector_store %arg10[%parallel_loop3A_363, %parallel_loop3A_364], %parallel_loop3A_320 {strides = array<i32>} : memref<128x128xf32, #tpu.memory_space<vmem>>, vector<16xf32>,
        %parallel_loop3A_366 = arith.index_cast %parallel_loop3A_270 : i32 to index
        %parallel_loop3A_367 = arith.constant 80 : index
        %parallel_loop3A_368 = tpu.vector_load %arg10[%parallel_loop3A_366, %parallel_loop3A_367] {strides = array<i32>} : memref<128x128xf32, #tpu.memory_space<vmem>>, vector<16xf32>,
        tpu.vector_store %arg10[%parallel_loop3A_366, %parallel_loop3A_367], %parallel_loop3A_330 {strides = array<i32>} : memref<128x128xf32, #tpu.memory_space<vmem>>, vector<16xf32>,
        %parallel_loop3A_369 = arith.index_cast %parallel_loop3A_270 : i32 to index
        %parallel_loop3A_370 = arith.constant 96 : index
        %parallel_loop3A_371 = tpu.vector_load %arg10[%parallel_loop3A_369, %parallel_loop3A_370] {strides = array<i32>} : memref<128x128xf32, #tpu.memory_space<vmem>>, vector<16xf32>,
        tpu.vector_store %arg10[%parallel_loop3A_369, %parallel_loop3A_370], %parallel_loop3A_340 {strides = array<i32>} : memref<128x128xf32, #tpu.memory_space<vmem>>, vector<16xf32>,
        %parallel_loop3A_372 = arith.index_cast %parallel_loop3A_270 : i32 to index
        %parallel_loop3A_373 = arith.constant 112 : index
        %parallel_loop3A_374 = tpu.vector_load %arg10[%parallel_loop3A_372, %parallel_loop3A_373] {strides = array<i32>} : memref<128x128xf32, #tpu.memory_space<vmem>>, vector<16xf32>,
        tpu.vector_store %arg10[%parallel_loop3A_372, %parallel_loop3A_373], %parallel_loop3A_350 {strides = array<i32>} : memref<128x128xf32, #tpu.memory_space<vmem>>, vector<16xf32>,
      } {sc.loop_unroll_factor = 4 : i64, sc.parallel_access}
      %mul3A_252 = arith.constant 32 : i32
      %mul3A_253 = arith.muli %mul3A_252, %add3A_229 : i32
      %add3A_254 = arith.addi %add3A, %mul3A_253 : i32
      %mul3A_255 = arith.constant 128 : i32
      %mul3A_256 = arith.muli %add3A_254, %mul3A_255 : i32
      %multiple_of3A_257 = tpu.assume_multiple %mul3A_256, 128 : i32
      %dma_start3A_258 = arith.constant 0 : i32
      %dma_start3A_259 = tpu.memref_slice %arg4[%multiple_of3A_257, %dma_start3A_258] : memref<250008x128xf32, #tpu.memory_space<hbm>> -> memref<128x128xf32, #tpu.memory_space<hbm>>
      %dma_start3A_260 = arith.constant 0 : i32
      %dma_start3A_261 = tpu.memref_slice %arg4[%multiple_of3A_257, %dma_start3A_260] : memref<250008x128xf32, #tpu.memory_space<hbm>> -> memref<128x128xf32, #tpu.memory_space<hbm>>
      tpu.enqueue_dma source(%arg10 : memref<128x128xf32, #tpu.memory_space<vmem>>) target(%dma_start3A_261 : memref<128x128xf32, #tpu.memory_space<hbm>>) target_semaphore(%arg16 : memref<!tpu.dma_semaphore, #tpu.memory_space<semaphore_mem>>)
      %add3A_262 = arith.constant 4 : i32
      %add3A_263 = arith.addi %add3A_229, %add3A_262 : i32
      %lt3A_264 = arith.constant 61 : i32
      %lt3A_265 = arith.cmpi slt, %add3A_263, %lt3A_264 : i32
      %convert_element_type3A_266 = arith.extui %lt3A_265 : i1 to i32
      %cond3A_267 = arith.constant 0 : i32
      %cond3A_268 = arith.cmpi ne, %convert_element_type3A_266, %cond3A_267 : i32
      scf.if %cond3A_268 {
        %add3A_270 = arith.constant 4 : i32
        %add3A_271 = arith.addi %add3A_229, %add3A_270 : i32
        %mul3A_272 = arith.constant 32 : i32
        %mul3A_273 = arith.muli %mul3A_272, %add3A_271 : i32
        %add3A_274 = arith.addi %add3A, %mul3A_273 : i32
        %mul3A_275 = arith.constant 512 : i32
        %mul3A_276 = arith.muli %add3A_274, %mul3A_275 : i32
        %multiple_of3A_277 = tpu.assume_multiple %mul3A_276, 128 : i32
        %dma_start3A_278 = arith.constant 0 : i32
        %dma_start3A_279 = tpu.memref_slice %arg2[%dma_start3A_278, %multiple_of3A_277] : memref<32x1000001xf32, #tpu.memory_space<hbm>> -> memref<32x512xf32, #tpu.memory_space<hbm>>
        %dma_start3A_280 = arith.constant 0 : i32
        %dma_start3A_281 = tpu.memref_slice %arg2[%dma_start3A_280, %multiple_of3A_277] : memref<32x1000001xf32, #tpu.memory_space<hbm>> -> memref<32x512xf32, #tpu.memory_space<hbm>>
        tpu.enqueue_dma source(%dma_start3A_281 : memref<32x512xf32, #tpu.memory_space<hbm>>) target(%arg8 : memref<32x512xf32, #tpu.memory_space<vmem>>) target_semaphore(%arg14 : memref<!tpu.dma_semaphore, #tpu.memory_space<semaphore_mem>>)
      } else {
      }
      %scan3A_269 = arith.constant 0 : i32
      scf.yield %scan3A_269 : i32
    }
    %scan3A_40 = arith.constant 15 : i32
    %add3A_41 = arith.constant 1920 : i32
    %add3A_42 = arith.addi %add3A, %add3A_41 : i32
    %mul3A_43 = arith.constant 512 : i32
    %mul3A_44 = arith.muli %add3A_42, %mul3A_43 : i32
    %multiple_of3A_45 = tpu.assume_multiple %mul3A_44, 128 : i32
    %dma_wait3A = arith.constant 0 : i32
    %dma_wait3A_46 = tpu.memref_slice %arg2[%dma_wait3A, %multiple_of3A_45] : memref<32x1000001xf32, #tpu.memory_space<hbm>> -> memref<32x512xf32, #tpu.memory_space<hbm>>
    %dma_wait3A_47 = arith.constant 0 : i32
    %dma_wait3A_48 = tpu.memref_slice %arg2[%dma_wait3A_47, %multiple_of3A_45] : memref<32x1000001xf32, #tpu.memory_space<hbm>> -> memref<32x512xf32, #tpu.memory_space<hbm>>
    tpu.wait_dma2 semaphore(%arg11 : memref<!tpu.dma_semaphore, #tpu.memory_space<semaphore_mem>>) src(%dma_wait3A_48 : memref<32x512xf32, #tpu.memory_space<hbm>>) dst(%arg5 : memref<32x512xf32, #tpu.memory_space<vmem>>)
    %add3A_49 = arith.constant 1856 : i32
    %add3A_50 = arith.addi %add3A, %add3A_49 : i32
    %mul3A_51 = arith.constant 128 : i32
    %mul3A_52 = arith.muli %add3A_50, %mul3A_51 : i32
    %multiple_of3A_53 = tpu.assume_multiple %mul3A_52, 128 : i32
    %dma_wait3A_54 = arith.constant 0 : i32
    %dma_wait3A_55 = tpu.memref_slice %arg4[%multiple_of3A_53, %dma_wait3A_54] : memref<250008x128xf32, #tpu.memory_space<hbm>> -> memref<128x128xf32, #tpu.memory_space<hbm>>
    %dma_wait3A_56 = arith.constant 0 : i32
    %dma_wait3A_57 = tpu.memref_slice %arg4[%multiple_of3A_53, %dma_wait3A_56] : memref<250008x128xf32, #tpu.memory_space<hbm>> -> memref<128x128xf32, #tpu.memory_space<hbm>>
    tpu.wait_dma2 semaphore(%arg15 : memref<!tpu.dma_semaphore, #tpu.memory_space<semaphore_mem>>) src(%arg9 : memref<128x128xf32, #tpu.memory_space<vmem>>) dst(%dma_wait3A_57 : memref<128x128xf32, #tpu.memory_space<hbm>>)
    %iota3A = tpu.iota {dimensions = array<i32: 0>} : vector<16xi32>
    %add3A_58 = arith.constant 16 : i32
    %add3A_59 = vector.broadcast %add3A_58 : i32 to vector<16xi32>
    %add3A_60 = arith.addi %iota3A, %add3A_59 : vector<16xi32>
    %parallel_loop3A = arith.constant 0 : i32
    %parallel_loop3A_61 = arith.constant 128 : i32
    %parallel_loop3A_62 = arith.constant 1 : i32
    scf.for %parallel_loop3A_96 = %parallel_loop3A to %parallel_loop3A_61 step %parallel_loop3A_62  : i32 {
      %parallel_loop3A_97 = arith.constant 0 : i32
      %parallel_loop3A_98 = vector.broadcast %parallel_loop3A_97 : i32 to vector<16xi32>
      %parallel_loop3A_99 = arith.constant 4 : i32
      %parallel_loop3A_100 = arith.muli %parallel_loop3A_99, %parallel_loop3A_96 : i32
      %parallel_loop3A_101 = vector.broadcast %parallel_loop3A_100 : i32 to vector<16xi32>
      %parallel_loop3A_102 = arith.addi %parallel_loop3A_98, %parallel_loop3A_101 : vector<16xi32>
      %parallel_loop3A_103 = arith.constant 511 : i32
      %parallel_loop3A_104 = vector.broadcast %parallel_loop3A_103 : i32 to vector<16xi32>
      %parallel_loop3A_105 = arith.minsi %parallel_loop3A_102, %parallel_loop3A_104 : vector<16xi32>
      %parallel_loop3A_106 = tpu.vector_load_idx %arg5[%iota3A, %parallel_loop3A_105] : memref<32x512xf32, #tpu.memory_space<vmem>>[vector<16xi32>, vector<16xi32>], vector<16xf32>,
      %parallel_loop3A_107 = arith.constant 0 : i32
      %parallel_loop3A_108 = vector.broadcast %parallel_loop3A_107 : i32 to vector<16xi32>
      %parallel_loop3A_109 = arith.constant 4 : i32
      %parallel_loop3A_110 = arith.muli %parallel_loop3A_109, %parallel_loop3A_96 : i32
      %parallel_loop3A_111 = vector.broadcast %parallel_loop3A_110 : i32 to vector<16xi32>
      %parallel_loop3A_112 = arith.addi %parallel_loop3A_108, %parallel_loop3A_111 : vector<16xi32>
      %parallel_loop3A_113 = arith.constant 511 : i32
      %parallel_loop3A_114 = vector.broadcast %parallel_loop3A_113 : i32 to vector<16xi32>
      %parallel_loop3A_115 = arith.minsi %parallel_loop3A_112, %parallel_loop3A_114 : vector<16xi32>
      %parallel_loop3A_116 = tpu.vector_load_idx %arg5[%add3A_60, %parallel_loop3A_115] : memref<32x512xf32, #tpu.memory_space<vmem>>[vector<16xi32>, vector<16xi32>], vector<16xf32>,
      %parallel_loop3A_117 = arith.constant 1 : i32
      %parallel_loop3A_118 = vector.broadcast %parallel_loop3A_117 : i32 to vector<16xi32>
      %parallel_loop3A_119 = arith.constant 4 : i32
      %parallel_loop3A_120 = arith.muli %parallel_loop3A_119, %parallel_loop3A_96 : i32
      %parallel_loop3A_121 = vector.broadcast %parallel_loop3A_120 : i32 to vector<16xi32>
      %parallel_loop3A_122 = arith.addi %parallel_loop3A_118, %parallel_loop3A_121 : vector<16xi32>
      %parallel_loop3A_123 = arith.constant 511 : i32
      %parallel_loop3A_124 = vector.broadcast %parallel_loop3A_123 : i32 to vector<16xi32>
      %parallel_loop3A_125 = arith.minsi %parallel_loop3A_122, %parallel_loop3A_124 : vector<16xi32>
      %parallel_loop3A_126 = tpu.vector_load_idx %arg5[%iota3A, %parallel_loop3A_125] : memref<32x512xf32, #tpu.memory_space<vmem>>[vector<16xi32>, vector<16xi32>], vector<16xf32>,
      %parallel_loop3A_127 = arith.constant 1 : i32
      %parallel_loop3A_128 = vector.broadcast %parallel_loop3A_127 : i32 to vector<16xi32>
      %parallel_loop3A_129 = arith.constant 4 : i32
      %parallel_loop3A_130 = arith.muli %parallel_loop3A_129, %parallel_loop3A_96 : i32
      %parallel_loop3A_131 = vector.broadcast %parallel_loop3A_130 : i32 to vector<16xi32>
      %parallel_loop3A_132 = arith.addi %parallel_loop3A_128, %parallel_loop3A_131 : vector<16xi32>
      %parallel_loop3A_133 = arith.constant 511 : i32
      %parallel_loop3A_134 = vector.broadcast %parallel_loop3A_133 : i32 to vector<16xi32>
      %parallel_loop3A_135 = arith.minsi %parallel_loop3A_132, %parallel_loop3A_134 : vector<16xi32>
      %parallel_loop3A_136 = tpu.vector_load_idx %arg5[%add3A_60, %parallel_loop3A_135] : memref<32x512xf32, #tpu.memory_space<vmem>>[vector<16xi32>, vector<16xi32>], vector<16xf32>,
      %parallel_loop3A_137 = arith.constant 2 : i32
      %parallel_loop3A_138 = vector.broadcast %parallel_loop3A_137 : i32 to vector<16xi32>
      %parallel_loop3A_139 = arith.constant 4 : i32
      %parallel_loop3A_140 = arith.muli %parallel_loop3A_139, %parallel_loop3A_96 : i32
      %parallel_loop3A_141 = vector.broadcast %parallel_loop3A_140 : i32 to vector<16xi32>
      %parallel_loop3A_142 = arith.addi %parallel_loop3A_138, %parallel_loop3A_141 : vector<16xi32>
      %parallel_loop3A_143 = arith.constant 511 : i32
      %parallel_loop3A_144 = vector.broadcast %parallel_loop3A_143 : i32 to vector<16xi32>
      %parallel_loop3A_145 = arith.minsi %parallel_loop3A_142, %parallel_loop3A_144 : vector<16xi32>
      %parallel_loop3A_146 = tpu.vector_load_idx %arg5[%iota3A, %parallel_loop3A_145] : memref<32x512xf32, #tpu.memory_space<vmem>>[vector<16xi32>, vector<16xi32>], vector<16xf32>,
      %parallel_loop3A_147 = arith.constant 2 : i32
      %parallel_loop3A_148 = vector.broadcast %parallel_loop3A_147 : i32 to vector<16xi32>
      %parallel_loop3A_149 = arith.constant 4 : i32
      %parallel_loop3A_150 = arith.muli %parallel_loop3A_149, %parallel_loop3A_96 : i32
      %parallel_loop3A_151 = vector.broadcast %parallel_loop3A_150 : i32 to vector<16xi32>
      %parallel_loop3A_152 = arith.addi %parallel_loop3A_148, %parallel_loop3A_151 : vector<16xi32>
      %parallel_loop3A_153 = arith.constant 511 : i32
      %parallel_loop3A_154 = vector.broadcast %parallel_loop3A_153 : i32 to vector<16xi32>
      %parallel_loop3A_155 = arith.minsi %parallel_loop3A_152, %parallel_loop3A_154 : vector<16xi32>
      %parallel_loop3A_156 = tpu.vector_load_idx %arg5[%add3A_60, %parallel_loop3A_155] : memref<32x512xf32, #tpu.memory_space<vmem>>[vector<16xi32>, vector<16xi32>], vector<16xf32>,
      %parallel_loop3A_157 = arith.constant 3 : i32
      %parallel_loop3A_158 = vector.broadcast %parallel_loop3A_157 : i32 to vector<16xi32>
      %parallel_loop3A_159 = arith.constant 4 : i32
      %parallel_loop3A_160 = arith.muli %parallel_loop3A_159, %parallel_loop3A_96 : i32
      %parallel_loop3A_161 = vector.broadcast %parallel_loop3A_160 : i32 to vector<16xi32>
      %parallel_loop3A_162 = arith.addi %parallel_loop3A_158, %parallel_loop3A_161 : vector<16xi32>
      %parallel_loop3A_163 = arith.constant 511 : i32
      %parallel_loop3A_164 = vector.broadcast %parallel_loop3A_163 : i32 to vector<16xi32>
      %parallel_loop3A_165 = arith.minsi %parallel_loop3A_162, %parallel_loop3A_164 : vector<16xi32>
      %parallel_loop3A_166 = tpu.vector_load_idx %arg5[%iota3A, %parallel_loop3A_165] : memref<32x512xf32, #tpu.memory_space<vmem>>[vector<16xi32>, vector<16xi32>], vector<16xf32>,
      %parallel_loop3A_167 = arith.constant 3 : i32
      %parallel_loop3A_168 = vector.broadcast %parallel_loop3A_167 : i32 to vector<16xi32>
      %parallel_loop3A_169 = arith.constant 4 : i32
      %parallel_loop3A_170 = arith.muli %parallel_loop3A_169, %parallel_loop3A_96 : i32
      %parallel_loop3A_171 = vector.broadcast %parallel_loop3A_170 : i32 to vector<16xi32>
      %parallel_loop3A_172 = arith.addi %parallel_loop3A_168, %parallel_loop3A_171 : vector<16xi32>
      %parallel_loop3A_173 = arith.constant 511 : i32
      %parallel_loop3A_174 = vector.broadcast %parallel_loop3A_173 : i32 to vector<16xi32>
      %parallel_loop3A_175 = arith.minsi %parallel_loop3A_172, %parallel_loop3A_174 : vector<16xi32>
      %parallel_loop3A_176 = tpu.vector_load_idx %arg5[%add3A_60, %parallel_loop3A_175] : memref<32x512xf32, #tpu.memory_space<vmem>>[vector<16xi32>, vector<16xi32>], vector<16xf32>,
      %parallel_loop3A_177 = arith.index_cast %parallel_loop3A_96 : i32 to index
      %parallel_loop3A_178 = arith.constant 0 : index
      %parallel_loop3A_179 = tpu.vector_load %arg9[%parallel_loop3A_177, %parallel_loop3A_178] {strides = array<i32>} : memref<128x128xf32, #tpu.memory_space<vmem>>, vector<16xf32>,
      tpu.vector_store %arg9[%parallel_loop3A_177, %parallel_loop3A_178], %parallel_loop3A_106 {strides = array<i32>} : memref<128x128xf32, #tpu.memory_space<vmem>>, vector<16xf32>,
      %parallel_loop3A_180 = arith.index_cast %parallel_loop3A_96 : i32 to index
      %parallel_loop3A_181 = arith.constant 16 : index
      %parallel_loop3A_182 = tpu.vector_load %arg9[%parallel_loop3A_180, %parallel_loop3A_181] {strides = array<i32>} : memref<128x128xf32, #tpu.memory_space<vmem>>, vector<16xf32>,
      tpu.vector_store %arg9[%parallel_loop3A_180, %parallel_loop3A_181], %parallel_loop3A_116 {strides = array<i32>} : memref<128x128xf32, #tpu.memory_space<vmem>>, vector<16xf32>,
      %parallel_loop3A_183 = arith.index_cast %parallel_loop3A_96 : i32 to index
      %parallel_loop3A_184 = arith.constant 32 : index
      %parallel_loop3A_185 = tpu.vector_load %arg9[%parallel_loop3A_183, %parallel_loop3A_184] {strides = array<i32>} : memref<128x128xf32, #tpu.memory_space<vmem>>, vector<16xf32>,
      tpu.vector_store %arg9[%parallel_loop3A_183, %parallel_loop3A_184], %parallel_loop3A_126 {strides = array<i32>} : memref<128x128xf32, #tpu.memory_space<vmem>>, vector<16xf32>,
      %parallel_loop3A_186 = arith.index_cast %parallel_loop3A_96 : i32 to index
      %parallel_loop3A_187 = arith.constant 48 : index
      %parallel_loop3A_188 = tpu.vector_load %arg9[%parallel_loop3A_186, %parallel_loop3A_187] {strides = array<i32>} : memref<128x128xf32, #tpu.memory_space<vmem>>, vector<16xf32>,
      tpu.vector_store %arg9[%parallel_loop3A_186, %parallel_loop3A_187], %parallel_loop3A_136 {strides = array<i32>} : memref<128x128xf32, #tpu.memory_space<vmem>>, vector<16xf32>,
      %parallel_loop3A_189 = arith.index_cast %parallel_loop3A_96 : i32 to index
      %parallel_loop3A_190 = arith.constant 64 : index
      %parallel_loop3A_191 = tpu.vector_load %arg9[%parallel_loop3A_189, %parallel_loop3A_190] {strides = array<i32>} : memref<128x128xf32, #tpu.memory_space<vmem>>, vector<16xf32>,
      tpu.vector_store %arg9[%parallel_loop3A_189, %parallel_loop3A_190], %parallel_loop3A_146 {strides = array<i32>} : memref<128x128xf32, #tpu.memory_space<vmem>>, vector<16xf32>,
      %parallel_loop3A_192 = arith.index_cast %parallel_loop3A_96 : i32 to index
      %parallel_loop3A_193 = arith.constant 80 : index
      %parallel_loop3A_194 = tpu.vector_load %arg9[%parallel_loop3A_192, %parallel_loop3A_193] {strides = array<i32>} : memref<128x128xf32, #tpu.memory_space<vmem>>, vector<16xf32>,
      tpu.vector_store %arg9[%parallel_loop3A_192, %parallel_loop3A_193], %parallel_loop3A_156 {strides = array<i32>} : memref<128x128xf32, #tpu.memory_space<vmem>>, vector<16xf32>,
      %parallel_loop3A_195 = arith.index_cast %parallel_loop3A_96 : i32 to index
      %parallel_loop3A_196 = arith.constant 96 : index
      %parallel_loop3A_197 = tpu.vector_load %arg9[%parallel_loop3A_195, %parallel_loop3A_196] {strides = array<i32>} : memref<128x128xf32, #tpu.memory_space<vmem>>, vector<16xf32>,
      tpu.vector_store %arg9[%parallel_loop3A_195, %parallel_loop3A_196], %parallel_loop3A_166 {strides = array<i32>} : memref<128x128xf32, #tpu.memory_space<vmem>>, vector<16xf32>,
      %parallel_loop3A_198 = arith.index_cast %parallel_loop3A_96 : i32 to index
      %parallel_loop3A_199 = arith.constant 112 : index
      %parallel_loop3A_200 = tpu.vector_load %arg9[%parallel_loop3A_198, %parallel_loop3A_199] {strides = array<i32>} : memref<128x128xf32, #tpu.memory_space<vmem>>, vector<16xf32>,
      tpu.vector_store %arg9[%parallel_loop3A_198, %parallel_loop3A_199], %parallel_loop3A_176 {strides = array<i32>} : memref<128x128xf32, #tpu.memory_space<vmem>>, vector<16xf32>,
    } {sc.loop_unroll_factor = 4 : i64, sc.parallel_access}
    %add3A_63 = arith.constant 1920 : i32
    %add3A_64 = arith.addi %add3A, %add3A_63 : i32
    %mul3A_65 = arith.constant 128 : i32
    %mul3A_66 = arith.muli %add3A_64, %mul3A_65 : i32
    %multiple_of3A_67 = tpu.assume_multiple %mul3A_66, 128 : i32
    %dma_start3A_68 = arith.constant 0 : i32
    %dma_start3A_69 = tpu.memref_slice %arg4[%multiple_of3A_67, %dma_start3A_68] : memref<250008x128xf32, #tpu.memory_space<hbm>> -> memref<128x128xf32, #tpu.memory_space<hbm>>
    %dma_start3A_70 = arith.constant 0 : i32
    %dma_start3A_71 = tpu.memref_slice %arg4[%multiple_of3A_67, %dma_start3A_70] : memref<250008x128xf32, #tpu.memory_space<hbm>> -> memref<128x128xf32, #tpu.memory_space<hbm>>
    tpu.enqueue_dma source(%arg9 : memref<128x128xf32, #tpu.memory_space<vmem>>) target(%dma_start3A_71 : memref<128x128xf32, #tpu.memory_space<hbm>>) target_semaphore(%arg15 : memref<!tpu.dma_semaphore, #tpu.memory_space<semaphore_mem>>)
    %add3A_72 = arith.constant 1888 : i32
    %add3A_73 = arith.addi %add3A, %add3A_72 : i32
    %mul3A_74 = arith.constant 128 : i32
    %mul3A_75 = arith.muli %add3A_73, %mul3A_74 : i32
    %multiple_of3A_76 = tpu.assume_multiple %mul3A_75, 128 : i32
    %dma_wait3A_77 = arith.constant 0 : i32
    %dma_wait3A_78 = tpu.memref_slice %arg4[%multiple_of3A_76, %dma_wait3A_77] : memref<250008x128xf32, #tpu.memory_space<hbm>> -> memref<128x128xf32, #tpu.memory_space<hbm>>
    %dma_wait3A_79 = arith.constant 0 : i32
    %dma_wait3A_80 = tpu.memref_slice %arg4[%multiple_of3A_76, %dma_wait3A_79] : memref<250008x128xf32, #tpu.memory_space<hbm>> -> memref<128x128xf32, #tpu.memory_space<hbm>>
    tpu.wait_dma2 semaphore(%arg16 : memref<!tpu.dma_semaphore, #tpu.memory_space<semaphore_mem>>) src(%arg10 : memref<128x128xf32, #tpu.memory_space<vmem>>) dst(%dma_wait3A_80 : memref<128x128xf32, #tpu.memory_space<hbm>>)
    %add3A_81 = arith.constant 1920 : i32
    %add3A_82 = arith.addi %add3A, %add3A_81 : i32
    %mul3A_83 = arith.constant 128 : i32
    %mul3A_84 = arith.muli %add3A_82, %mul3A_83 : i32
    %multiple_of3A_85 = tpu.assume_multiple %mul3A_84, 128 : i32
    %dma_wait3A_86 = arith.constant 0 : i32
    %dma_wait3A_87 = tpu.memref_slice %arg4[%multiple_of3A_85, %dma_wait3A_86] : memref<250008x128xf32, #tpu.memory_space<hbm>> -> memref<128x128xf32, #tpu.memory_space<hbm>>
    %dma_wait3A_88 = arith.constant 0 : i32
    %dma_wait3A_89 = tpu.memref_slice %arg4[%multiple_of3A_85, %dma_wait3A_88] : memref<250008x128xf32, #tpu.memory_space<hbm>> -> memref<128x128xf32, #tpu.memory_space<hbm>>
    tpu.wait_dma2 semaphore(%arg15 : memref<!tpu.dma_semaphore, #tpu.memory_space<semaphore_mem>>) src(%arg9 : memref<128x128xf32, #tpu.memory_space<vmem>>) dst(%dma_wait3A_89 : memref<128x128xf32, #tpu.memory_space<hbm>>)
    %lt3A = arith.constant 1 : i32
    %lt3A_90 = arith.cmpi slt, %add3A, %lt3A : i32
    %convert_element_type3A = arith.extui %lt3A_90 : i1 to i32
    %cond3A = arith.constant 0 : i32
    %cond3A_91 = arith.cmpi ne, %convert_element_type3A, %cond3A : i32
    scf.if %cond3A_91 {
      %add3A_96 = arith.constant 1952 : i32
      %add3A_97 = arith.addi %add3A_96, %add3A : i32
      %mul3A_98 = arith.constant 512 : i32
      %mul3A_99 = arith.muli %add3A_97, %mul3A_98 : i32
      %multiple_of3A_100 = tpu.assume_multiple %mul3A_99, 128 : i32
      %dma_start3A_101 = arith.constant 0 : i32
      %dma_start3A_102 = tpu.memref_slice %arg2[%dma_start3A_101, %multiple_of3A_100] : memref<32x1000001xf32, #tpu.memory_space<hbm>> -> memref<32x512xf32, #tpu.memory_space<hbm>>
      %dma_start3A_103 = arith.constant 0 : i32
      %dma_start3A_104 = tpu.memref_slice %arg2[%dma_start3A_103, %multiple_of3A_100] : memref<32x1000001xf32, #tpu.memory_space<hbm>> -> memref<32x512xf32, #tpu.memory_space<hbm>>
      tpu.enqueue_dma source(%dma_start3A_104 : memref<32x512xf32, #tpu.memory_space<hbm>>) target(%arg5 : memref<32x512xf32, #tpu.memory_space<vmem>>) target_semaphore(%arg11 : memref<!tpu.dma_semaphore, #tpu.memory_space<semaphore_mem>>)
      %dma_wait3A_105 = arith.constant 0 : i32
      %dma_wait3A_106 = tpu.memref_slice %arg2[%dma_wait3A_105, %multiple_of3A_100] : memref<32x1000001xf32, #tpu.memory_space<hbm>> -> memref<32x512xf32, #tpu.memory_space<hbm>>
      %dma_wait3A_107 = arith.constant 0 : i32
      %dma_wait3A_108 = tpu.memref_slice %arg2[%dma_wait3A_107, %multiple_of3A_100] : memref<32x1000001xf32, #tpu.memory_space<hbm>> -> memref<32x512xf32, #tpu.memory_space<hbm>>
      tpu.wait_dma2 semaphore(%arg11 : memref<!tpu.dma_semaphore, #tpu.memory_space<semaphore_mem>>) src(%dma_wait3A_108 : memref<32x512xf32, #tpu.memory_space<hbm>>) dst(%arg5 : memref<32x512xf32, #tpu.memory_space<vmem>>)
      %iota3A_109 = tpu.iota {dimensions = array<i32: 0>} : vector<16xi32>
      %add3A_110 = arith.constant 16 : i32
      %add3A_111 = vector.broadcast %add3A_110 : i32 to vector<16xi32>
      %add3A_112 = arith.addi %iota3A_109, %add3A_111 : vector<16xi32>
      %parallel_loop3A_113 = arith.constant 0 : i32
      %parallel_loop3A_114 = arith.constant 128 : i32
      %parallel_loop3A_115 = arith.constant 1 : i32
      scf.for %parallel_loop3A_128 = %parallel_loop3A_113 to %parallel_loop3A_114 step %parallel_loop3A_115  : i32 {
        %parallel_loop3A_129 = arith.constant 0 : i32
        %parallel_loop3A_130 = vector.broadcast %parallel_loop3A_129 : i32 to vector<16xi32>
        %parallel_loop3A_131 = arith.constant 4 : i32
        %parallel_loop3A_132 = arith.muli %parallel_loop3A_131, %parallel_loop3A_128 : i32
        %parallel_loop3A_133 = vector.broadcast %parallel_loop3A_132 : i32 to vector<16xi32>
        %parallel_loop3A_134 = arith.addi %parallel_loop3A_130, %parallel_loop3A_133 : vector<16xi32>
        %parallel_loop3A_135 = arith.constant 511 : i32
        %parallel_loop3A_136 = vector.broadcast %parallel_loop3A_135 : i32 to vector<16xi32>
        %parallel_loop3A_137 = arith.minsi %parallel_loop3A_134, %parallel_loop3A_136 : vector<16xi32>
        %parallel_loop3A_138 = tpu.vector_load_idx %arg5[%iota3A_109, %parallel_loop3A_137] : memref<32x512xf32, #tpu.memory_space<vmem>>[vector<16xi32>, vector<16xi32>], vector<16xf32>,
        %parallel_loop3A_139 = arith.constant 0 : i32
        %parallel_loop3A_140 = vector.broadcast %parallel_loop3A_139 : i32 to vector<16xi32>
        %parallel_loop3A_141 = arith.constant 4 : i32
        %parallel_loop3A_142 = arith.muli %parallel_loop3A_141, %parallel_loop3A_128 : i32
        %parallel_loop3A_143 = vector.broadcast %parallel_loop3A_142 : i32 to vector<16xi32>
        %parallel_loop3A_144 = arith.addi %parallel_loop3A_140, %parallel_loop3A_143 : vector<16xi32>
        %parallel_loop3A_145 = arith.constant 511 : i32
        %parallel_loop3A_146 = vector.broadcast %parallel_loop3A_145 : i32 to vector<16xi32>
        %parallel_loop3A_147 = arith.minsi %parallel_loop3A_144, %parallel_loop3A_146 : vector<16xi32>
        %parallel_loop3A_148 = tpu.vector_load_idx %arg5[%add3A_112, %parallel_loop3A_147] : memref<32x512xf32, #tpu.memory_space<vmem>>[vector<16xi32>, vector<16xi32>], vector<16xf32>,
        %parallel_loop3A_149 = arith.constant 1 : i32
        %parallel_loop3A_150 = vector.broadcast %parallel_loop3A_149 : i32 to vector<16xi32>
        %parallel_loop3A_151 = arith.constant 4 : i32
        %parallel_loop3A_152 = arith.muli %parallel_loop3A_151, %parallel_loop3A_128 : i32
        %parallel_loop3A_153 = vector.broadcast %parallel_loop3A_152 : i32 to vector<16xi32>
        %parallel_loop3A_154 = arith.addi %parallel_loop3A_150, %parallel_loop3A_153 : vector<16xi32>
        %parallel_loop3A_155 = arith.constant 511 : i32
        %parallel_loop3A_156 = vector.broadcast %parallel_loop3A_155 : i32 to vector<16xi32>
        %parallel_loop3A_157 = arith.minsi %parallel_loop3A_154, %parallel_loop3A_156 : vector<16xi32>
        %parallel_loop3A_158 = tpu.vector_load_idx %arg5[%iota3A_109, %parallel_loop3A_157] : memref<32x512xf32, #tpu.memory_space<vmem>>[vector<16xi32>, vector<16xi32>], vector<16xf32>,
        %parallel_loop3A_159 = arith.constant 1 : i32
        %parallel_loop3A_160 = vector.broadcast %parallel_loop3A_159 : i32 to vector<16xi32>
        %parallel_loop3A_161 = arith.constant 4 : i32
        %parallel_loop3A_162 = arith.muli %parallel_loop3A_161, %parallel_loop3A_128 : i32
        %parallel_loop3A_163 = vector.broadcast %parallel_loop3A_162 : i32 to vector<16xi32>
        %parallel_loop3A_164 = arith.addi %parallel_loop3A_160, %parallel_loop3A_163 : vector<16xi32>
        %parallel_loop3A_165 = arith.constant 511 : i32
        %parallel_loop3A_166 = vector.broadcast %parallel_loop3A_165 : i32 to vector<16xi32>
        %parallel_loop3A_167 = arith.minsi %parallel_loop3A_164, %parallel_loop3A_166 : vector<16xi32>
        %parallel_loop3A_168 = tpu.vector_load_idx %arg5[%add3A_112, %parallel_loop3A_167] : memref<32x512xf32, #tpu.memory_space<vmem>>[vector<16xi32>, vector<16xi32>], vector<16xf32>,
        %parallel_loop3A_169 = arith.constant 2 : i32
        %parallel_loop3A_170 = vector.broadcast %parallel_loop3A_169 : i32 to vector<16xi32>
        %parallel_loop3A_171 = arith.constant 4 : i32
        %parallel_loop3A_172 = arith.muli %parallel_loop3A_171, %parallel_loop3A_128 : i32
        %parallel_loop3A_173 = vector.broadcast %parallel_loop3A_172 : i32 to vector<16xi32>
        %parallel_loop3A_174 = arith.addi %parallel_loop3A_170, %parallel_loop3A_173 : vector<16xi32>
        %parallel_loop3A_175 = arith.constant 511 : i32
        %parallel_loop3A_176 = vector.broadcast %parallel_loop3A_175 : i32 to vector<16xi32>
        %parallel_loop3A_177 = arith.minsi %parallel_loop3A_174, %parallel_loop3A_176 : vector<16xi32>
        %parallel_loop3A_178 = tpu.vector_load_idx %arg5[%iota3A_109, %parallel_loop3A_177] : memref<32x512xf32, #tpu.memory_space<vmem>>[vector<16xi32>, vector<16xi32>], vector<16xf32>,
        %parallel_loop3A_179 = arith.constant 2 : i32
        %parallel_loop3A_180 = vector.broadcast %parallel_loop3A_179 : i32 to vector<16xi32>
        %parallel_loop3A_181 = arith.constant 4 : i32
        %parallel_loop3A_182 = arith.muli %parallel_loop3A_181, %parallel_loop3A_128 : i32
        %parallel_loop3A_183 = vector.broadcast %parallel_loop3A_182 : i32 to vector<16xi32>
        %parallel_loop3A_184 = arith.addi %parallel_loop3A_180, %parallel_loop3A_183 : vector<16xi32>
        %parallel_loop3A_185 = arith.constant 511 : i32
        %parallel_loop3A_186 = vector.broadcast %parallel_loop3A_185 : i32 to vector<16xi32>
        %parallel_loop3A_187 = arith.minsi %parallel_loop3A_184, %parallel_loop3A_186 : vector<16xi32>
        %parallel_loop3A_188 = tpu.vector_load_idx %arg5[%add3A_112, %parallel_loop3A_187] : memref<32x512xf32, #tpu.memory_space<vmem>>[vector<16xi32>, vector<16xi32>], vector<16xf32>,
        %parallel_loop3A_189 = arith.constant 3 : i32
        %parallel_loop3A_190 = vector.broadcast %parallel_loop3A_189 : i32 to vector<16xi32>
        %parallel_loop3A_191 = arith.constant 4 : i32
        %parallel_loop3A_192 = arith.muli %parallel_loop3A_191, %parallel_loop3A_128 : i32
        %parallel_loop3A_193 = vector.broadcast %parallel_loop3A_192 : i32 to vector<16xi32>
        %parallel_loop3A_194 = arith.addi %parallel_loop3A_190, %parallel_loop3A_193 : vector<16xi32>
        %parallel_loop3A_195 = arith.constant 511 : i32
        %parallel_loop3A_196 = vector.broadcast %parallel_loop3A_195 : i32 to vector<16xi32>
        %parallel_loop3A_197 = arith.minsi %parallel_loop3A_194, %parallel_loop3A_196 : vector<16xi32>
        %parallel_loop3A_198 = tpu.vector_load_idx %arg5[%iota3A_109, %parallel_loop3A_197] : memref<32x512xf32, #tpu.memory_space<vmem>>[vector<16xi32>, vector<16xi32>], vector<16xf32>,
        %parallel_loop3A_199 = arith.constant 3 : i32
        %parallel_loop3A_200 = vector.broadcast %parallel_loop3A_199 : i32 to vector<16xi32>
        %parallel_loop3A_201 = arith.constant 4 : i32
        %parallel_loop3A_202 = arith.muli %parallel_loop3A_201, %parallel_loop3A_128 : i32
        %parallel_loop3A_203 = vector.broadcast %parallel_loop3A_202 : i32 to vector<16xi32>
        %parallel_loop3A_204 = arith.addi %parallel_loop3A_200, %parallel_loop3A_203 : vector<16xi32>
        %parallel_loop3A_205 = arith.constant 511 : i32
        %parallel_loop3A_206 = vector.broadcast %parallel_loop3A_205 : i32 to vector<16xi32>
        %parallel_loop3A_207 = arith.minsi %parallel_loop3A_204, %parallel_loop3A_206 : vector<16xi32>
        %parallel_loop3A_208 = tpu.vector_load_idx %arg5[%add3A_112, %parallel_loop3A_207] : memref<32x512xf32, #tpu.memory_space<vmem>>[vector<16xi32>, vector<16xi32>], vector<16xf32>,
        %parallel_loop3A_209 = arith.index_cast %parallel_loop3A_128 : i32 to index
        %parallel_loop3A_210 = arith.constant 0 : index
        %parallel_loop3A_211 = tpu.vector_load %arg9[%parallel_loop3A_209, %parallel_loop3A_210] {strides = array<i32>} : memref<128x128xf32, #tpu.memory_space<vmem>>, vector<16xf32>,
        tpu.vector_store %arg9[%parallel_loop3A_209, %parallel_loop3A_210], %parallel_loop3A_138 {strides = array<i32>} : memref<128x128xf32, #tpu.memory_space<vmem>>, vector<16xf32>,
        %parallel_loop3A_212 = arith.index_cast %parallel_loop3A_128 : i32 to index
        %parallel_loop3A_213 = arith.constant 16 : index
        %parallel_loop3A_214 = tpu.vector_load %arg9[%parallel_loop3A_212, %parallel_loop3A_213] {strides = array<i32>} : memref<128x128xf32, #tpu.memory_space<vmem>>, vector<16xf32>,
        tpu.vector_store %arg9[%parallel_loop3A_212, %parallel_loop3A_213], %parallel_loop3A_148 {strides = array<i32>} : memref<128x128xf32, #tpu.memory_space<vmem>>, vector<16xf32>,
        %parallel_loop3A_215 = arith.index_cast %parallel_loop3A_128 : i32 to index
        %parallel_loop3A_216 = arith.constant 32 : index
        %parallel_loop3A_217 = tpu.vector_load %arg9[%parallel_loop3A_215, %parallel_loop3A_216] {strides = array<i32>} : memref<128x128xf32, #tpu.memory_space<vmem>>, vector<16xf32>,
        tpu.vector_store %arg9[%parallel_loop3A_215, %parallel_loop3A_216], %parallel_loop3A_158 {strides = array<i32>} : memref<128x128xf32, #tpu.memory_space<vmem>>, vector<16xf32>,
        %parallel_loop3A_218 = arith.index_cast %parallel_loop3A_128 : i32 to index
        %parallel_loop3A_219 = arith.constant 48 : index
        %parallel_loop3A_220 = tpu.vector_load %arg9[%parallel_loop3A_218, %parallel_loop3A_219] {strides = array<i32>} : memref<128x128xf32, #tpu.memory_space<vmem>>, vector<16xf32>,
        tpu.vector_store %arg9[%parallel_loop3A_218, %parallel_loop3A_219], %parallel_loop3A_168 {strides = array<i32>} : memref<128x128xf32, #tpu.memory_space<vmem>>, vector<16xf32>,
        %parallel_loop3A_221 = arith.index_cast %parallel_loop3A_128 : i32 to index
        %parallel_loop3A_222 = arith.constant 64 : index
        %parallel_loop3A_223 = tpu.vector_load %arg9[%parallel_loop3A_221, %parallel_loop3A_222] {strides = array<i32>} : memref<128x128xf32, #tpu.memory_space<vmem>>, vector<16xf32>,
        tpu.vector_store %arg9[%parallel_loop3A_221, %parallel_loop3A_222], %parallel_loop3A_178 {strides = array<i32>} : memref<128x128xf32, #tpu.memory_space<vmem>>, vector<16xf32>,
        %parallel_loop3A_224 = arith.index_cast %parallel_loop3A_128 : i32 to index
        %parallel_loop3A_225 = arith.constant 80 : index
        %parallel_loop3A_226 = tpu.vector_load %arg9[%parallel_loop3A_224, %parallel_loop3A_225] {strides = array<i32>} : memref<128x128xf32, #tpu.memory_space<vmem>>, vector<16xf32>,
        tpu.vector_store %arg9[%parallel_loop3A_224, %parallel_loop3A_225], %parallel_loop3A_188 {strides = array<i32>} : memref<128x128xf32, #tpu.memory_space<vmem>>, vector<16xf32>,
        %parallel_loop3A_227 = arith.index_cast %parallel_loop3A_128 : i32 to index
        %parallel_loop3A_228 = arith.constant 96 : index
        %parallel_loop3A_229 = tpu.vector_load %arg9[%parallel_loop3A_227, %parallel_loop3A_228] {strides = array<i32>} : memref<128x128xf32, #tpu.memory_space<vmem>>, vector<16xf32>,
        tpu.vector_store %arg9[%parallel_loop3A_227, %parallel_loop3A_228], %parallel_loop3A_198 {strides = array<i32>} : memref<128x128xf32, #tpu.memory_space<vmem>>, vector<16xf32>,
        %parallel_loop3A_230 = arith.index_cast %parallel_loop3A_128 : i32 to index
        %parallel_loop3A_231 = arith.constant 112 : index
        %parallel_loop3A_232 = tpu.vector_load %arg9[%parallel_loop3A_230, %parallel_loop3A_231] {strides = array<i32>} : memref<128x128xf32, #tpu.memory_space<vmem>>, vector<16xf32>,
        tpu.vector_store %arg9[%parallel_loop3A_230, %parallel_loop3A_231], %parallel_loop3A_208 {strides = array<i32>} : memref<128x128xf32, #tpu.memory_space<vmem>>, vector<16xf32>,
      } {sc.loop_unroll_factor = 4 : i64, sc.parallel_access}
      %add3A_116 = arith.constant 1952 : i32
      %add3A_117 = arith.addi %add3A_116, %add3A : i32
      %mul3A_118 = arith.constant 128 : i32
      %mul3A_119 = arith.muli %add3A_117, %mul3A_118 : i32
      %dma_start3A_120 = arith.constant 0 : i32
      %dma_start3A_121 = tpu.memref_slice %arg4[%mul3A_119, %dma_start3A_120] : memref<250008x128xf32, #tpu.memory_space<hbm>> -> memref<128x128xf32, #tpu.memory_space<hbm>>
      %dma_start3A_122 = arith.constant 0 : i32
      %dma_start3A_123 = tpu.memref_slice %arg4[%mul3A_119, %dma_start3A_122] : memref<250008x128xf32, #tpu.memory_space<hbm>> -> memref<128x128xf32, #tpu.memory_space<hbm>>
      tpu.enqueue_dma source(%arg9 : memref<128x128xf32, #tpu.memory_space<vmem>>) target(%dma_start3A_123 : memref<128x128xf32, #tpu.memory_space<hbm>>) target_semaphore(%arg15 : memref<!tpu.dma_semaphore, #tpu.memory_space<semaphore_mem>>)
      %dma_wait3A_124 = arith.constant 0 : i32
      %dma_wait3A_125 = tpu.memref_slice %arg4[%mul3A_119, %dma_wait3A_124] : memref<250008x128xf32, #tpu.memory_space<hbm>> -> memref<128x128xf32, #tpu.memory_space<hbm>>
      %dma_wait3A_126 = arith.constant 0 : i32
      %dma_wait3A_127 = tpu.memref_slice %arg4[%mul3A_119, %dma_wait3A_126] : memref<250008x128xf32, #tpu.memory_space<hbm>> -> memref<128x128xf32, #tpu.memory_space<hbm>>
      tpu.wait_dma2 semaphore(%arg15 : memref<!tpu.dma_semaphore, #tpu.memory_space<semaphore_mem>>) src(%arg9 : memref<128x128xf32, #tpu.memory_space<vmem>>) dst(%dma_wait3A_127 : memref<128x128xf32, #tpu.memory_space<hbm>>)
    } else {
    }
    %eq3A = arith.constant 1 : i32
    %eq3A_92 = arith.cmpi eq, %add3A, %eq3A : i32
    %convert_element_type3A_93 = arith.extui %eq3A_92 : i1 to i32
    %cond3A_94 = arith.constant 0 : i32
    %cond3A_95 = arith.cmpi ne, %convert_element_type3A_93, %cond3A_94 : i32
    scf.if %cond3A_95 {
      %dma_start3A_96 = arith.constant 0 : i32
      %dma_start3A_97 = arith.constant 0 : i32
      %dma_start3A_98 = tpu.memref_slice %arg5[%dma_start3A_96, %dma_start3A_97] : memref<32x512xf32, #tpu.memory_space<vmem>> -> memref<32x128xf32, #tpu.memory_space<vmem>>
      %dma_start3A_99 = arith.constant 0 : i32
      %dma_start3A_100 = arith.constant 0 : i32
      %dma_start3A_101 = tpu.memref_slice %arg5[%dma_start3A_99, %dma_start3A_100] : memref<32x512xf32, #tpu.memory_space<vmem>> -> memref<32x128xf32, #tpu.memory_space<vmem>>
      tpu.enqueue_dma source(%arg3 : memref<32x128xf32, #tpu.memory_space<hbm>>) target(%dma_start3A_101 : memref<32x128xf32, #tpu.memory_space<vmem>>) target_semaphore(%arg11 : memref<!tpu.dma_semaphore, #tpu.memory_space<semaphore_mem>>)
      %dma_wait3A_102 = arith.constant 0 : i32
      %dma_wait3A_103 = arith.constant 0 : i32
      %dma_wait3A_104 = tpu.memref_slice %arg5[%dma_wait3A_102, %dma_wait3A_103] : memref<32x512xf32, #tpu.memory_space<vmem>> -> memref<32x128xf32, #tpu.memory_space<vmem>>
      %dma_wait3A_105 = arith.constant 0 : i32
      %dma_wait3A_106 = arith.constant 0 : i32
      %dma_wait3A_107 = tpu.memref_slice %arg5[%dma_wait3A_105, %dma_wait3A_106] : memref<32x512xf32, #tpu.memory_space<vmem>> -> memref<32x128xf32, #tpu.memory_space<vmem>>
      tpu.wait_dma2 semaphore(%arg11 : memref<!tpu.dma_semaphore, #tpu.memory_space<semaphore_mem>>) src(%arg3 : memref<32x128xf32, #tpu.memory_space<hbm>>) dst(%dma_wait3A_107 : memref<32x128xf32, #tpu.memory_space<vmem>>)
      %iota3A_108 = tpu.iota {dimensions = array<i32: 0>} : vector<16xi32>
      %add3A_109 = arith.constant 16 : i32
      %add3A_110 = vector.broadcast %add3A_109 : i32 to vector<16xi32>
      %add3A_111 = arith.addi %iota3A_108, %add3A_110 : vector<16xi32>
      %parallel_loop3A_112 = arith.constant 0 : i32
      %parallel_loop3A_113 = arith.constant 24 : i32
      %parallel_loop3A_114 = arith.constant 1 : i32
      scf.for %parallel_loop3A_139 = %parallel_loop3A_112 to %parallel_loop3A_113 step %parallel_loop3A_114  : i32 {
        %parallel_loop3A_140 = arith.constant 0 : i32
        %parallel_loop3A_141 = vector.broadcast %parallel_loop3A_140 : i32 to vector<16xi32>
        %parallel_loop3A_142 = arith.constant 4 : i32
        %parallel_loop3A_143 = arith.muli %parallel_loop3A_142, %parallel_loop3A_139 : i32
        %parallel_loop3A_144 = vector.broadcast %parallel_loop3A_143 : i32 to vector<16xi32>
        %parallel_loop3A_145 = arith.addi %parallel_loop3A_141, %parallel_loop3A_144 : vector<16xi32>
        %parallel_loop3A_146 = arith.constant 127 : i32
        %parallel_loop3A_147 = vector.broadcast %parallel_loop3A_146 : i32 to vector<16xi32>
        %parallel_loop3A_148 = arith.minsi %parallel_loop3A_145, %parallel_loop3A_147 : vector<16xi32>
        %parallel_loop3A_149 = tpu.vector_load_idx %arg5[%iota3A_108, %parallel_loop3A_148] : memref<32x512xf32, #tpu.memory_space<vmem>>[vector<16xi32>, vector<16xi32>], vector<16xf32>,
        %parallel_loop3A_150 = arith.constant 0 : i32
        %parallel_loop3A_151 = vector.broadcast %parallel_loop3A_150 : i32 to vector<16xi32>
        %parallel_loop3A_152 = arith.constant 4 : i32
        %parallel_loop3A_153 = arith.muli %parallel_loop3A_152, %parallel_loop3A_139 : i32
        %parallel_loop3A_154 = vector.broadcast %parallel_loop3A_153 : i32 to vector<16xi32>
        %parallel_loop3A_155 = arith.addi %parallel_loop3A_151, %parallel_loop3A_154 : vector<16xi32>
        %parallel_loop3A_156 = arith.constant 127 : i32
        %parallel_loop3A_157 = vector.broadcast %parallel_loop3A_156 : i32 to vector<16xi32>
        %parallel_loop3A_158 = arith.minsi %parallel_loop3A_155, %parallel_loop3A_157 : vector<16xi32>
        %parallel_loop3A_159 = tpu.vector_load_idx %arg5[%add3A_111, %parallel_loop3A_158] : memref<32x512xf32, #tpu.memory_space<vmem>>[vector<16xi32>, vector<16xi32>], vector<16xf32>,
        %parallel_loop3A_160 = arith.constant 1 : i32
        %parallel_loop3A_161 = vector.broadcast %parallel_loop3A_160 : i32 to vector<16xi32>
        %parallel_loop3A_162 = arith.constant 4 : i32
        %parallel_loop3A_163 = arith.muli %parallel_loop3A_162, %parallel_loop3A_139 : i32
        %parallel_loop3A_164 = vector.broadcast %parallel_loop3A_163 : i32 to vector<16xi32>
        %parallel_loop3A_165 = arith.addi %parallel_loop3A_161, %parallel_loop3A_164 : vector<16xi32>
        %parallel_loop3A_166 = arith.constant 127 : i32
        %parallel_loop3A_167 = vector.broadcast %parallel_loop3A_166 : i32 to vector<16xi32>
        %parallel_loop3A_168 = arith.minsi %parallel_loop3A_165, %parallel_loop3A_167 : vector<16xi32>
        %parallel_loop3A_169 = tpu.vector_load_idx %arg5[%iota3A_108, %parallel_loop3A_168] : memref<32x512xf32, #tpu.memory_space<vmem>>[vector<16xi32>, vector<16xi32>], vector<16xf32>,
        %parallel_loop3A_170 = arith.constant 1 : i32
        %parallel_loop3A_171 = vector.broadcast %parallel_loop3A_170 : i32 to vector<16xi32>
        %parallel_loop3A_172 = arith.constant 4 : i32
        %parallel_loop3A_173 = arith.muli %parallel_loop3A_172, %parallel_loop3A_139 : i32
        %parallel_loop3A_174 = vector.broadcast %parallel_loop3A_173 : i32 to vector<16xi32>
        %parallel_loop3A_175 = arith.addi %parallel_loop3A_171, %parallel_loop3A_174 : vector<16xi32>
        %parallel_loop3A_176 = arith.constant 127 : i32
        %parallel_loop3A_177 = vector.broadcast %parallel_loop3A_176 : i32 to vector<16xi32>
        %parallel_loop3A_178 = arith.minsi %parallel_loop3A_175, %parallel_loop3A_177 : vector<16xi32>
        %parallel_loop3A_179 = tpu.vector_load_idx %arg5[%add3A_111, %parallel_loop3A_178] : memref<32x512xf32, #tpu.memory_space<vmem>>[vector<16xi32>, vector<16xi32>], vector<16xf32>,
        %parallel_loop3A_180 = arith.constant 2 : i32
        %parallel_loop3A_181 = vector.broadcast %parallel_loop3A_180 : i32 to vector<16xi32>
        %parallel_loop3A_182 = arith.constant 4 : i32
        %parallel_loop3A_183 = arith.muli %parallel_loop3A_182, %parallel_loop3A_139 : i32
        %parallel_loop3A_184 = vector.broadcast %parallel_loop3A_183 : i32 to vector<16xi32>
        %parallel_loop3A_185 = arith.addi %parallel_loop3A_181, %parallel_loop3A_184 : vector<16xi32>
        %parallel_loop3A_186 = arith.constant 127 : i32
        %parallel_loop3A_187 = vector.broadcast %parallel_loop3A_186 : i32 to vector<16xi32>
        %parallel_loop3A_188 = arith.minsi %parallel_loop3A_185, %parallel_loop3A_187 : vector<16xi32>
        %parallel_loop3A_189 = tpu.vector_load_idx %arg5[%iota3A_108, %parallel_loop3A_188] : memref<32x512xf32, #tpu.memory_space<vmem>>[vector<16xi32>, vector<16xi32>], vector<16xf32>,
        %parallel_loop3A_190 = arith.constant 2 : i32
        %parallel_loop3A_191 = vector.broadcast %parallel_loop3A_190 : i32 to vector<16xi32>
        %parallel_loop3A_192 = arith.constant 4 : i32
        %parallel_loop3A_193 = arith.muli %parallel_loop3A_192, %parallel_loop3A_139 : i32
        %parallel_loop3A_194 = vector.broadcast %parallel_loop3A_193 : i32 to vector<16xi32>
        %parallel_loop3A_195 = arith.addi %parallel_loop3A_191, %parallel_loop3A_194 : vector<16xi32>
        %parallel_loop3A_196 = arith.constant 127 : i32
        %parallel_loop3A_197 = vector.broadcast %parallel_loop3A_196 : i32 to vector<16xi32>
        %parallel_loop3A_198 = arith.minsi %parallel_loop3A_195, %parallel_loop3A_197 : vector<16xi32>
        %parallel_loop3A_199 = tpu.vector_load_idx %arg5[%add3A_111, %parallel_loop3A_198] : memref<32x512xf32, #tpu.memory_space<vmem>>[vector<16xi32>, vector<16xi32>], vector<16xf32>,
        %parallel_loop3A_200 = arith.constant 3 : i32
        %parallel_loop3A_201 = vector.broadcast %parallel_loop3A_200 : i32 to vector<16xi32>
        %parallel_loop3A_202 = arith.constant 4 : i32
        %parallel_loop3A_203 = arith.muli %parallel_loop3A_202, %parallel_loop3A_139 : i32
        %parallel_loop3A_204 = vector.broadcast %parallel_loop3A_203 : i32 to vector<16xi32>
        %parallel_loop3A_205 = arith.addi %parallel_loop3A_201, %parallel_loop3A_204 : vector<16xi32>
        %parallel_loop3A_206 = arith.constant 127 : i32
        %parallel_loop3A_207 = vector.broadcast %parallel_loop3A_206 : i32 to vector<16xi32>
        %parallel_loop3A_208 = arith.minsi %parallel_loop3A_205, %parallel_loop3A_207 : vector<16xi32>
        %parallel_loop3A_209 = tpu.vector_load_idx %arg5[%iota3A_108, %parallel_loop3A_208] : memref<32x512xf32, #tpu.memory_space<vmem>>[vector<16xi32>, vector<16xi32>], vector<16xf32>,
        %parallel_loop3A_210 = arith.constant 3 : i32
        %parallel_loop3A_211 = vector.broadcast %parallel_loop3A_210 : i32 to vector<16xi32>
        %parallel_loop3A_212 = arith.constant 4 : i32
        %parallel_loop3A_213 = arith.muli %parallel_loop3A_212, %parallel_loop3A_139 : i32
        %parallel_loop3A_214 = vector.broadcast %parallel_loop3A_213 : i32 to vector<16xi32>
        %parallel_loop3A_215 = arith.addi %parallel_loop3A_211, %parallel_loop3A_214 : vector<16xi32>
        %parallel_loop3A_216 = arith.constant 127 : i32
        %parallel_loop3A_217 = vector.broadcast %parallel_loop3A_216 : i32 to vector<16xi32>
        %parallel_loop3A_218 = arith.minsi %parallel_loop3A_215, %parallel_loop3A_217 : vector<16xi32>
        %parallel_loop3A_219 = tpu.vector_load_idx %arg5[%add3A_111, %parallel_loop3A_218] : memref<32x512xf32, #tpu.memory_space<vmem>>[vector<16xi32>, vector<16xi32>], vector<16xf32>,
        %parallel_loop3A_220 = arith.index_cast %parallel_loop3A_139 : i32 to index
        %parallel_loop3A_221 = arith.constant 0 : index
        %parallel_loop3A_222 = tpu.vector_load %arg9[%parallel_loop3A_220, %parallel_loop3A_221] {strides = array<i32>} : memref<128x128xf32, #tpu.memory_space<vmem>>, vector<16xf32>,
        tpu.vector_store %arg9[%parallel_loop3A_220, %parallel_loop3A_221], %parallel_loop3A_149 {strides = array<i32>} : memref<128x128xf32, #tpu.memory_space<vmem>>, vector<16xf32>,
        %parallel_loop3A_223 = arith.index_cast %parallel_loop3A_139 : i32 to index
        %parallel_loop3A_224 = arith.constant 16 : index
        %parallel_loop3A_225 = tpu.vector_load %arg9[%parallel_loop3A_223, %parallel_loop3A_224] {strides = array<i32>} : memref<128x128xf32, #tpu.memory_space<vmem>>, vector<16xf32>,
        tpu.vector_store %arg9[%parallel_loop3A_223, %parallel_loop3A_224], %parallel_loop3A_159 {strides = array<i32>} : memref<128x128xf32, #tpu.memory_space<vmem>>, vector<16xf32>,
        %parallel_loop3A_226 = arith.index_cast %parallel_loop3A_139 : i32 to index
        %parallel_loop3A_227 = arith.constant 32 : index
        %parallel_loop3A_228 = tpu.vector_load %arg9[%parallel_loop3A_226, %parallel_loop3A_227] {strides = array<i32>} : memref<128x128xf32, #tpu.memory_space<vmem>>, vector<16xf32>,
        tpu.vector_store %arg9[%parallel_loop3A_226, %parallel_loop3A_227], %parallel_loop3A_169 {strides = array<i32>} : memref<128x128xf32, #tpu.memory_space<vmem>>, vector<16xf32>,
        %parallel_loop3A_229 = arith.index_cast %parallel_loop3A_139 : i32 to index
        %parallel_loop3A_230 = arith.constant 48 : index
        %parallel_loop3A_231 = tpu.vector_load %arg9[%parallel_loop3A_229, %parallel_loop3A_230] {strides = array<i32>} : memref<128x128xf32, #tpu.memory_space<vmem>>, vector<16xf32>,
        tpu.vector_store %arg9[%parallel_loop3A_229, %parallel_loop3A_230], %parallel_loop3A_179 {strides = array<i32>} : memref<128x128xf32, #tpu.memory_space<vmem>>, vector<16xf32>,
        %parallel_loop3A_232 = arith.index_cast %parallel_loop3A_139 : i32 to index
        %parallel_loop3A_233 = arith.constant 64 : index
        %parallel_loop3A_234 = tpu.vector_load %arg9[%parallel_loop3A_232, %parallel_loop3A_233] {strides = array<i32>} : memref<128x128xf32, #tpu.memory_space<vmem>>, vector<16xf32>,
        tpu.vector_store %arg9[%parallel_loop3A_232, %parallel_loop3A_233], %parallel_loop3A_189 {strides = array<i32>} : memref<128x128xf32, #tpu.memory_space<vmem>>, vector<16xf32>,
        %parallel_loop3A_235 = arith.index_cast %parallel_loop3A_139 : i32 to index
        %parallel_loop3A_236 = arith.constant 80 : index
        %parallel_loop3A_237 = tpu.vector_load %arg9[%parallel_loop3A_235, %parallel_loop3A_236] {strides = array<i32>} : memref<128x128xf32, #tpu.memory_space<vmem>>, vector<16xf32>,
        tpu.vector_store %arg9[%parallel_loop3A_235, %parallel_loop3A_236], %parallel_loop3A_199 {strides = array<i32>} : memref<128x128xf32, #tpu.memory_space<vmem>>, vector<16xf32>,
        %parallel_loop3A_238 = arith.index_cast %parallel_loop3A_139 : i32 to index
        %parallel_loop3A_239 = arith.constant 96 : index
        %parallel_loop3A_240 = tpu.vector_load %arg9[%parallel_loop3A_238, %parallel_loop3A_239] {strides = array<i32>} : memref<128x128xf32, #tpu.memory_space<vmem>>, vector<16xf32>,
        tpu.vector_store %arg9[%parallel_loop3A_238, %parallel_loop3A_239], %parallel_loop3A_209 {strides = array<i32>} : memref<128x128xf32, #tpu.memory_space<vmem>>, vector<16xf32>,
        %parallel_loop3A_241 = arith.index_cast %parallel_loop3A_139 : i32 to index
        %parallel_loop3A_242 = arith.constant 112 : index
        %parallel_loop3A_243 = tpu.vector_load %arg9[%parallel_loop3A_241, %parallel_loop3A_242] {strides = array<i32>} : memref<128x128xf32, #tpu.memory_space<vmem>>, vector<16xf32>,
        tpu.vector_store %arg9[%parallel_loop3A_241, %parallel_loop3A_242], %parallel_loop3A_219 {strides = array<i32>} : memref<128x128xf32, #tpu.memory_space<vmem>>, vector<16xf32>,
      } {sc.loop_unroll_factor = 4 : i64, sc.parallel_access}
      %dma_start3A_115 = arith.constant 0 : i32
      %dma_start3A_116 = arith.constant 0 : i32
      %dma_start3A_117 = tpu.memref_slice %arg9[%dma_start3A_115, %dma_start3A_116] : memref<128x128xf32, #tpu.memory_space<vmem>> -> memref<24x128xf32, #tpu.memory_space<vmem>>
      %dma_start3A_118 = arith.constant 249984 : i32
      %dma_start3A_119 = arith.constant 0 : i32
      %dma_start3A_120 = tpu.memref_slice %arg4[%dma_start3A_118, %dma_start3A_119] : memref<250008x128xf32, #tpu.memory_space<hbm>> -> memref<24x128xf32, #tpu.memory_space<hbm>>
      %dma_start3A_121 = arith.constant 249984 : i32
      %dma_start3A_122 = arith.constant 0 : i32
      %dma_start3A_123 = tpu.memref_slice %arg4[%dma_start3A_121, %dma_start3A_122] : memref<250008x128xf32, #tpu.memory_space<hbm>> -> memref<24x128xf32, #tpu.memory_space<hbm>>
      %dma_start3A_124 = arith.constant 0 : i32
      %dma_start3A_125 = arith.constant 0 : i32
      %dma_start3A_126 = tpu.memref_slice %arg9[%dma_start3A_124, %dma_start3A_125] : memref<128x128xf32, #tpu.memory_space<vmem>> -> memref<24x128xf32, #tpu.memory_space<vmem>>
      tpu.enqueue_dma source(%dma_start3A_126 : memref<24x128xf32, #tpu.memory_space<vmem>>) target(%dma_start3A_123 : memref<24x128xf32, #tpu.memory_space<hbm>>) target_semaphore(%arg15 : memref<!tpu.dma_semaphore, #tpu.memory_space<semaphore_mem>>)
      %dma_wait3A_127 = arith.constant 0 : i32
      %dma_wait3A_128 = arith.constant 0 : i32
      %dma_wait3A_129 = tpu.memref_slice %arg9[%dma_wait3A_127, %dma_wait3A_128] : memref<128x128xf32, #tpu.memory_space<vmem>> -> memref<24x128xf32, #tpu.memory_space<vmem>>
      %dma_wait3A_130 = arith.constant 249984 : i32
      %dma_wait3A_131 = arith.constant 0 : i32
      %dma_wait3A_132 = tpu.memref_slice %arg4[%dma_wait3A_130, %dma_wait3A_131] : memref<250008x128xf32, #tpu.memory_space<hbm>> -> memref<24x128xf32, #tpu.memory_space<hbm>>
      %dma_wait3A_133 = arith.constant 249984 : i32
      %dma_wait3A_134 = arith.constant 0 : i32
      %dma_wait3A_135 = tpu.memref_slice %arg4[%dma_wait3A_133, %dma_wait3A_134] : memref<250008x128xf32, #tpu.memory_space<hbm>> -> memref<24x128xf32, #tpu.memory_space<hbm>>
      %dma_wait3A_136 = arith.constant 0 : i32
      %dma_wait3A_137 = arith.constant 0 : i32
      %dma_wait3A_138 = tpu.memref_slice %arg9[%dma_wait3A_136, %dma_wait3A_137] : memref<128x128xf32, #tpu.memory_space<vmem>> -> memref<24x128xf32, #tpu.memory_space<vmem>>
      tpu.wait_dma2 semaphore(%arg15 : memref<!tpu.dma_semaphore, #tpu.memory_space<semaphore_mem>>) src(%dma_wait3A_138 : memref<24x128xf32, #tpu.memory_space<vmem>>) dst(%dma_wait3A_135 : memref<24x128xf32, #tpu.memory_space<hbm>>)
    } else {
    }
    return
  }
}

</mosaic_0001>

<sc_bundles>
// kernel: _relayout.3.cloned.1.call-start
scs
__scs_entry_jumppad:
0x0: {  	(pc) =	sbr.rel $0x88, $3  }
0x1: {  	(tag) =	ssettag $0x0;
	lr =	simm.s32 $0x1  }
0x2: {  	[smem:$0x3F9F] =	sst lr;
	_ =	strace $0xD0000000  }
0x3: {  	_ = 	snop  }
0x4: {  	_ = 	snop  }
0x5: {  	_ = 	snop  }
0x6: {  	_ = 	snop  }
0x7: {  	_ = 	snop  }
__scs_overlays_trampoline_lowered:
0x8: {  	[smem:$0x3FAE] =	sst s0  }
0x9: {  	[smem:$0x3FAF] =	sst s1  }
0xa: {  	[smem:$0x3FB0] =	sst s2  }
0xb: {  	[smem:$0x3FB1] =	sst s3  }
0xc: {  	[smem:$0x3FB2] =	sst s4  }
0xd: {  	[smem:$0x3FB3] =	sst s5  }
0xe: {  	[smem:$0x3FB4] =	sst s6  }
0xf: {  	[smem:$0x3FB5] =	sst s7  }
0x10: {  	[smem:$0x3FB6] =	sst s8  }
0x11: {  	[smem:$0x3FB7] =	sst s9;
	s0 =	simm.s32 @!p0 $0x0  }
0x12: {  	s1 =	sld [smem:$0x3F9D];
	s0 =	simm.s32 @p0 $0x1  }
0x13: {  	[smem:$0x3FB8] =	sst s0;
	s0 =	simm.s32 @!p1 $0x0  }
0x14: {  	s2 =	sld [smem:$0x3F9C];
	s0 =	simm.s32 @p1 $0x1  }
0x15: {  	[smem:$0x3FB9] =	sst s0;
	s0 =	simm.s32 @!p2 $0x0  }
0x16: {  	s3 =	sld [smem:$0x3FDB];
	s0 =	simm.s32 @p2 $0x1  }
0x17: {  	s4 =	simm.s32 $0x1BF5;
	[smem:$0x3FBB] =	sst s0  }
0x18: {  	s0 =	sld [smem:$0x3F9E];
	_ =	swait.ge [sflag:s4], $0x0  }
0x19: {  	s7 =	sld [smem:$0x3F9F]  }
0x1a: {  	s8 =	sadd.s32 $0xFFFFE003, lr  }
0x1b: {  	s9 =	sadd.s32 $0xFFFFFEF7, lr;
	s5 =	simm.s32 $0xFFFFFFFF;
	p2 =	slt.u32 s8, $0xFFFFF086  }
0x1c: {  	p1 =	slt.u32 s9, $0xF7A;
	s5 =	simm.s32 @!p2 $0x0  }
0x1d: {  	s5 =	simm.s32 @p1 $0x1;
	p0 =	seq.s32 s7, s2  }
0x1e: {  	s7 =	smul.u32 @!p0 $0xF7A, s2;
	p2 =	seq.s32 @!p0 s5, $0x0  }
0x1f: {  	s9 =	smul.u32 $0xF7A, s1;
	s8 =	simm.s32 @!p0 $0x1BF5;
	p2 =	por !p2, p0  }
0x20: {  	[sflag:s8] =	ssyncset.s32 @!p0 $0xFFFFF086;
	s6 =	sadd.s32 @!p0 s3, s7;
	s7 =	simm.s32 @!p0 $0x108  }
0x21: {  	s3 =	sadd.s32 s3, s9;
	s6 =	sadd.s32 @!p0 $0x88, s6;
	s7 =	simm.s32 @p2 $0x1082  }
0x22: {  	[simem:s7], [sflag:s8] =	dma.local @!p0 [hbm:s6], $0xF7A  }
0x23: {  	s9 =	sor.u32 $0xD0000000, s2;
	s6 =	simm.s32 $0x108;
	_ =	swait.ge @!p0 [sflag:s8], $0x0  }
0x24: {  	s3 =	sadd.s32 $0x88, s3;
	s6 =	simm.s32 @!p1 $0x1082;
	[sflag:s4] =	ssyncset.s32 $0xFFFFF086  }
0x25: {  	[simem:s6], [sflag:s4] =	dma.local [hbm:s3], $0xF7A  }
0x26: {  	[smem:$0x3F9F] =	sst s1;
	(tag) =	ssettag s2;
	_ =	strace s9  }
0x27: {  	s1 =	sld [smem:$0x3FAF]  }
0x28: {  	s2 =	sld [smem:$0x3FB0]  }
0x29: {  	s4 =	sld [smem:$0x3FB2]  }
0x2a: {  	p0 =	seq.s32 s5, $0x0;
	s5 =	sld [smem:$0x3FB3]  }
0x2b: {  	s6 =	sld [smem:$0x3FB4]  }
0x2c: {  	s7 =	sld [smem:$0x3FB5]  }
0x2d: {  	s3 =	simm.s32 $0x108;
	s8 =	sld [smem:$0x3FB6]  }
0x2e: {  	s3 =	simm.s32 @!p0 $0x1082;
	s9 =	sld [smem:$0x3FB7]  }
0x2f: {  	lr =	sadd.s32 s0, s3;
	s0 =	sld [smem:$0x3FAE]  }
0x30: {  	s3 =	sld [smem:$0x3FB1]  }
0x31: {  	[smem:$0x3FBA] =	sst s10  }
0x32: {  	s10 =	sld [smem:$0x3FB8];
	_ =	sdelay $0x3  }
0x33: {  	p0 =	seq.s32 s10, $0x1;
	s10 =	sld [smem:$0x3FBA];
	_ =	sdelay $0x3  }
0x34: {  	[smem:$0x3FBA] =	sst s10  }
0x35: {  	s10 =	sld [smem:$0x3FB9];
	_ =	sdelay $0x3  }
0x36: {  	p1 =	seq.s32 s10, $0x1;
	s10 =	sld [smem:$0x3FBA];
	_ =	sdelay $0x3  }
0x37: {  	[smem:$0x3FBA] =	sst s10  }
0x38: {  	s10 =	sld [smem:$0x3FBB]  }
0x39: {  	_ = 	snop;
	(pc) =	sbr.ind lr, $3  }
0x3a: {  	_ = 	snop  }
0x3b: {  	_ = 	snop  }
0x3c: {  	p2 =	seq.s32 s10, $0x1;
	s10 =	sld [smem:$0x3FBA]  }
0x3d: {  	_ =	shalt  }
0x3e: {  	_ =	shalt  }
0x3f: {  	_ =	shalt  }
0x40: {  	_ =	shalt  }
0x41: {  	_ =	shalt  }
0x42: {  	_ =	shalt  }
0x43: {  	_ =	shalt  }
0x44: {  	_ =	shalt  }
0x45: {  	_ =	shalt  }
0x46: {  	_ =	shalt  }
0x47: {  	_ =	shalt  }
0x48: {  	_ =	shalt  }
0x49: {  	_ =	shalt  }
0x4a: {  	_ =	shalt  }
0x4b: {  	_ =	shalt  }
0x4c: {  	_ =	shalt  }
0x4d: {  	_ =	shalt  }
0x4e: {  	_ =	shalt  }
0x4f: {  	_ =	shalt  }
0x50: {  	_ =	shalt  }
0x51: {  	_ =	shalt  }
0x52: {  	_ =	shalt  }
0x53: {  	_ =	shalt  }
0x54: {  	_ =	shalt  }
0x55: {  	_ =	shalt  }
0x56: {  	_ =	shalt  }
0x57: {  	_ =	shalt  }
0x58: {  	_ =	shalt  }
0x59: {  	_ =	shalt  }
0x5a: {  	_ =	shalt  }
0x5b: {  	_ =	shalt  }
0x5c: {  	_ =	shalt  }
0x5d: {  	_ =	shalt  }
0x5e: {  	_ =	shalt  }
0x5f: {  	_ =	shalt  }
0x60: {  	_ =	shalt  }
0x61: {  	_ =	shalt  }
0x62: {  	_ =	shalt  }
0x63: {  	_ =	shalt  }
0x64: {  	_ =	shalt  }
0x65: {  	_ =	shalt  }
0x66: {  	_ =	shalt  }
0x67: {  	_ =	shalt  }
0x68: {  	_ =	shalt  }
0x69: {  	_ =	shalt  }
0x6a: {  	_ =	shalt  }
0x6b: {  	_ =	shalt  }
0x6c: {  	_ =	shalt  }
0x6d: {  	_ =	shalt  }
0x6e: {  	_ =	shalt  }
0x6f: {  	_ =	shalt  }
0x70: {  	_ =	shalt  }
0x71: {  	_ =	shalt  }
0x72: {  	_ =	shalt  }
0x73: {  	_ =	shalt  }
0x74: {  	_ =	shalt  }
0x75: {  	_ =	shalt  }
0x76: {  	_ =	shalt  }
0x77: {  	_ =	shalt  }
0x78: {  	_ =	shalt  }
0x79: {  	_ =	shalt  }
0x7a: {  	_ =	shalt  }
0x7b: {  	_ =	shalt  }
0x7c: {  	_ =	shalt  }
0x7d: {  	_ =	shalt  }
0x7e: {  	_ =	shalt  }
0x7f: {  	_ =	shalt  }
0x80: {  	_ =	shalt  }
0x81: {  	_ =	shalt  }
0x82: {  	_ =	shalt  }
0x83: {  	_ =	shalt  }
0x84: {  	_ =	shalt  }
0x85: {  	_ =	shalt  }
0x86: {  	_ =	shalt  }
0x87: {  	_ =	shalt  }
.Lfunc_end0:
.L_simem_size_0:
called_computation_lowered:
.L_overlay_start_0:
0x88: {  	s2 =	sld [smem:$0x3FD9]  }
0x89: {  	s3 =	sld [smem:$0x3FFE];
	_ =	sdelay $0x1  }
0x8a: {  	s1 =	srdreg.scid  }
0x8b: {  	s0 =	sand.u32 $0x1, s1  }
0x8c: {  	s18 =	sshll.u32 s0, $0xA;
	s2 =	sadd.s32 s3, s2  }
0x8d: {  	s2 =	sadd.s32 s2, s18  }
0x8e: {  	[smem:$0x3FC6] =	sst s2  }
0x8f: {  	_ = 	snop  }
0x90: {  	s2 =	sld [smem:$0x3FC9]  }
0x91: {  	s19 =	sld [smem:$0x3FC8]  }
0x92: {  	s4 =	sld [smem:$0x3FD0];
	(tm) =	ssettm $0x1  }
0x93: {  	s5 =	sld [smem:$0x3FFB];
	_ =	sdelay $0x3  }
0x94: {  	_ =	strace s5  }
0x95: {  	s5 =	sld [smem:$0x3FFC];
	_ =	sdelay $0x3  }
0x96: {  	_ =	strace s5  }
0x97: {  	s5 =	sld [smem:$0x3FFD];
	_ =	sdelay $0x3  }
0x98: {  	_ =	strace s5  }
0x99: {  	_ =	strace $0x8FFFFFFF  }
0x9a: {  	s20 =	sld [smem:$0x3FDB];
	_ =	sdelay $0x1  }
0x9b: {  	s6 =	simm.s32 $_scs_section_size  }
0x9c: {  	s7 =	simm.s32 $_size__tile_overlayer_lowered;
	s8 =	simm.s32 $_tile_overlayer_lowered  }
0x9d: {  	s23 =	simm.s32 $0x1BFF;
	s22 =	sshll.u32 s8, $0x1;
	s5 =	sadd.s32 s6, s20  }
0x9e: {  	s9 =	simm.s32 $0x0;
	s21 =	sshll.u32 s7, $0x1;
	s7 =	sadd.s32 s22, s5  }
0x9f: {  	[timem:s9], [sflag:s23] =	dma.local [hbm:s7], s21  }
0xa0: {  	_ =	swait.ge [sflag:s23], s21  }
0xa1: {  	s6 =	ssub.s32 $0x0, s21;
	[sflag:s23] =	ssyncset.done $0x0  }
0xa2: {  	[sflag:s23] =	ssyncadd.s32 s6;
	_ =	sdelay $0x1  }
0xa3: {  	s24 =	simm.s32 $0x1B8B  }
0xa4: {  	_ =	swait.ge [sflag:s24], $0x1  }
0xa5: {  	[sflag:s24] =	ssyncset.done $0x0  }
0xa6: {  	s25 =	simm.s32 $0x1B8E;
	[sflag:s24] =	ssyncadd.s32 $0xFFFFFFFF  }
0xa7: {  	s26 =	simm.s32 $execute0_lowered;
	[smem:$0x3FD2] =	sst s25  }
0xa8: {  	s6 =	sshll.u32 s26, $0x1;
	_ =	strace $0x80000046;
	[dreg:$0x1] =	wrdreg $0xFFFFFFFF  }
0xa9: {  	s28 =	simm.s32 $_size_execute0_lowered;
	s5 =	sadd.s32 s5, s6;
	[dreg:$0x0] =	wrdreg $0x0  }
0xaa: {  	s6 =	sshll.u32 s28, $0x1;
	[dreg:$0x2] =	wrdreg s5  }
0xab: {  	[dreg:$0x3] =	wrdreg s6  }
0xac: {  	[dreg:$0x4] =	wrdreg $0xC0  }
0xad: {  	_ =	task [dreg:s9], $0x5FFFF  }
0xae: {  	[dreg:$0x1] =	wrdreg $0xFFFFFFFF  }
0xaf: {  	[dreg:$0x0] =	wrdreg $0x60  }
0xb0: {  	[dreg:$0x2] =	wrdreg s2  }
0xb1: {  	[dreg:$0x3] =	wrdreg s19  }
0xb2: {  	[dreg:$0x4] =	wrdreg s4  }
0xb3: {  	[dreg:$0x5] =	wrdreg $0x9  }
0xb4: {  	_ =	task.clear_ibuf [dreg:s9], $0x6FFFF;
	_ =	strace $0x90000046  }
0xb5: {  	s29 =	simm.s32 $0x9;
	_ =	strace $0x80000048  }
0xb6: {  	_ =	swait.ge [sflag:s29], $0x1  }
0xb7: {  	[sflag:s29] =	ssyncadd.s32 $0xFFFFFFFF  }
0xb8: {  	_ =	strace $0x90000048  }
0xb9: {  	_ =	sfence  }
0xba: {  	s30 =	sld [smem:$0x0];
	_ =	sdelay $0x2  }
0xbb: {  	s31 =	sshll.u32 s1, $0xD;
	s1 =	sshrl.u32 s1, $0x2  }
0xbc: {  	s3 =	sand.u32 $0x4000, s31;
	s1 =	sadd.s32 s1, s30  }
0xbd: {  	s0 =	sor.u32 s3, s0;
	s1 =	sshll.u32 s1, $0x11  }
0xbe: {  	s0 =	sor.u32 s1, s0  }
0xbf: {  	s0 =	sadd.s32 $0x8F2B, s0  }
0xc0: {  	[sflag:s0] =	ssyncadd.remote.s32 $0x1  }
0xc1: {  	_ =	sfence.sel $0xFFFF  }
0xc2: {  	[dreg:$0x0] =	wrdreg $0xFFFFFFFF;
	(pc) =	sbr.abs _section_cstart, $3  }
0xc3: {  	[dreg:$0x1] =	wrdreg $0xFFFFFFFF  }
0xc4: {  	_ =	task.clear_ibuf [dreg:s9], $0x2FFFF;
	_ =	strace $0x9FFFFFFF  }
0xc5: {  	(tm) =	ssettm $0x7FFFFFFF  }
tec
execute0_lowered:
.L_overlay_start_1:
0x0: {  	(tag) =	ssettag $0x1  }
0x1: {  	v0 =	vimm.s32 $0x1380;
	vm14 =	vcmask $0x300  }
0x2: {  	v1 =	vimm.s32 $0x3380;
	vm13 =	vcmask $0x704;
	vm12 =	vcmask $0xB08  }
0x3: {  	vm11 =	vcmask $0xF0C;
	vm10 =	vcmask $0x1310;
	vm9 =	vcmask $0x1714  }
0x4: {  	vm8 =	vcmask $0x1B18;
	vm7 =	vcmask $0x1F1C;
	vm6 =	vcmask $0x2320  }
0x5: {  	vm5 =	vcmask $0x2724;
	vm4 =	vcmask $0x2B28;
	vm3 =	vcmask $0x2F2C  }
0x6: {  	vm2 =	vcmask $0x3330;
	vm1 =	vcmask $0x3734;
	vm0 =	vcmask $0x3B38  }
0x7: {  	v2 =	vimm.s32 $0x1381;
	v3 =	vimm.s32 $0x3381;
	v4 =	vimm.s32 $0x1382  }
0x8: {  	v5 =	vimm.s32 $0x3382;
	v6 =	vimm.s32 $0x1383;
	v7 =	vimm.s32 $0x3383  }
0x9: {  	v0 =	vsel vm14, $0x0, v0;
	v1 =	vsel vm14, $0x2000, v1;
	v2 =	vsel vm14, $0x1, v2  }
0xa: {  	v3 =	vsel vm14, $0x2001, v3;
	v4 =	vsel vm14, $0x2, v4;
	v5 =	vsel vm14, $0x2002, v5  }
0xb: {  	v6 =	vsel vm14, $0x3, v6;
	v7 =	vsel vm14, $0x2003, v7;
	v0 =	vsel vm13, $0x80, v0  }
0xc: {  	v1 =	vsel vm13, $0x2080, v1;
	v2 =	vsel vm13, $0x81, v2;
	v3 =	vsel vm13, $0x2081, v3  }
0xd: {  	v4 =	vsel vm13, $0x82, v4;
	v5 =	vsel vm13, $0x2082, v5;
	v6 =	vsel vm13, $0x83, v6  }
0xe: {  	v7 =	vsel vm13, $0x2083, v7;
	v0 =	vsel vm12, $0x100, v0;
	v1 =	vsel vm12, $0x2100, v1  }
0xf: {  	v2 =	vsel vm12, $0x101, v2;
	v3 =	vsel vm12, $0x2101, v3;
	v4 =	vsel vm12, $0x102, v4  }
0x10: {  	v5 =	vsel vm12, $0x2102, v5;
	v6 =	vsel vm12, $0x103, v6;
	v7 =	vsel vm12, $0x2103, v7  }
0x11: {  	v0 =	vsel vm11, $0x180, v0;
	v1 =	vsel vm11, $0x2180, v1;
	v2 =	vsel vm11, $0x181, v2  }
0x12: {  	v3 =	vsel vm11, $0x2181, v3;
	v4 =	vsel vm11, $0x182, v4;
	v5 =	vsel vm11, $0x2182, v5  }
0x13: {  	v6 =	vsel vm11, $0x183, v6;
	v7 =	vsel vm11, $0x2183, v7;
	v0 =	vsel vm10, $0x200, v0  }
0x14: {  	v1 =	vsel vm10, $0x2200, v1;
	v2 =	vsel vm10, $0x201, v2;
	v3 =	vsel vm10, $0x2201, v3  }
0x15: {  	v4 =	vsel vm10, $0x202, v4;
	v5 =	vsel vm10, $0x2202, v5;
	v6 =	vsel vm10, $0x203, v6  }
0x16: {  	v7 =	vsel vm10, $0x2203, v7;
	v0 =	vsel vm9, $0x280, v0;
	v1 =	vsel vm9, $0x2280, v1  }
0x17: {  	v2 =	vsel vm9, $0x281, v2;
	v3 =	vsel vm9, $0x2281, v3;
	v4 =	vsel vm9, $0x282, v4  }
0x18: {  	v5 =	vsel vm9, $0x2282, v5;
	v6 =	vsel vm9, $0x283, v6;
	v7 =	vsel vm9, $0x2283, v7  }
0x19: {  	v0 =	vsel vm8, $0x300, v0;
	v1 =	vsel vm8, $0x2300, v1;
	v2 =	vsel vm8, $0x301, v2  }
0x1a: {  	v3 =	vsel vm8, $0x2301, v3;
	v4 =	vsel vm8, $0x302, v4;
	v5 =	vsel vm8, $0x2302, v5  }
0x1b: {  	s0 =	rddreg [dreg:$0x0];
	v6 =	vsel vm8, $0x303, v6;
	v7 =	vsel vm8, $0x2303, v7;
	v0 =	vsel vm7, $0x380, v0  }
0x1c: {  	s7 =	rddreg [dreg:$0x1];
	s1 =	srdreg.scid;
	v1 =	vsel vm7, $0x2380, v1;
	v2 =	vsel vm7, $0x381, v2;
	v3 =	vsel vm7, $0x2381, v3  }
0x1d: {  	s2 =	stileid.u32;
	s3 =	rddreg [dreg:$0x2];
	v4 =	vsel vm7, $0x382, v4;
	v5 =	vsel vm7, $0x2382, v5;
	v6 =	vsel vm7, $0x383, v6  }
0x1e: {  	s4 =	simm.s32 $0x0;
	s28 =	simm.s32 $0xC000;
	s29 =	simm.s32 $0x1;
	v7 =	vsel vm7, $0x2383, v7;
	v0 =	vsel vm6, $0x1000, v0;
	v1 =	vsel vm6, $0x3000, v1  }
0x1f: {  	s30 =	simm.s32 $0x10000;
	s31 =	simm.s32 $0x2;
	s16 =	simm.s32 $0x4;
	v2 =	vsel vm6, $0x1001, v2;
	v3 =	vsel vm6, $0x3001, v3;
	v4 =	vsel vm6, $0x1002, v4  }
0x20: {  	s17 =	simm.s32 $0x6;
	s18 =	simm.s32 $0x0;
	s1 =	sand.u32 $0x1, s1;
	v5 =	vsel vm6, $0x3002, v5;
	v6 =	vsel vm6, $0x1003, v6;
	v7 =	vsel vm6, $0x3003, v7  }
0x21: {  	s2 =	sshll.u32 s2, $0x1;
	[smem:$0x7FF] =	sst s4;
	s21 =	sadd.s32 $0x3D0800, s3;
	v0 =	vsel vm5, $0x1080, v0;
	v1 =	vsel vm5, $0x3080, v1;
	v2 =	vsel vm5, $0x1081, v2  }
0x22: {  	s22 =	sadd.s32 $0x3D0000, s3;
	_ =	strace $0x80000047;
	[dreg:$0x9] =	wrdreg s21;
	v3 =	vsel vm5, $0x3081, v3;
	v4 =	vsel vm5, $0x1082, v4;
	v5 =	vsel vm5, $0x3082, v5  }
0x23: {  	s24 =	sadd.s32 $0x80, s7;
	s25 =	sadd.s32 $0x100, s7;
	[dreg:$0xb] =	wrdreg s22;
	v6 =	vsel vm5, $0x1083, v6;
	v7 =	vsel vm5, $0x3083, v7;
	v0 =	vsel vm4, $0x1100, v0  }
0x24: {  	s26 =	sadd.s32 $0x180, s7;
	s2 =	sor.u32 s1, s2;
	[dreg:$0xd] =	wrdreg s24;
	v1 =	vsel vm4, $0x3100, v1;
	v2 =	vsel vm4, $0x1101, v2;
	v3 =	vsel vm4, $0x3101, v3  }
0x25: {  	s1 =	ssub.s32 $0x2, s1;
	[dreg:$0xe] =	wrdreg s25;
	s24 =	simm.s32 $0x7A1400;
	v4 =	vsel vm4, $0x1102, v4;
	v5 =	vsel vm4, $0x3102, v5;
	v6 =	vsel vm4, $0x1103, v6  }
0x26: {  	[dreg:$0xf] =	wrdreg s26;
	s25 =	simm.s32 $0x4000;
	s26 =	simm.s32 $0x8000;
	v7 =	vsel vm4, $0x3103, v7;
	v0 =	vsel vm3, $0x1180, v0;
	v1 =	vsel vm3, $0x3180, v1  }
0x27: {  	s5 =	sshll.u32 s2, $0x9;
	s6 =	sshrl.u32 s1, $0x1;
	p0 =	seq.s32 s2, $0x0;
	v2 =	vsel vm3, $0x1181, v2;
	v3 =	vsel vm3, $0x3181, v3;
	v4 =	vsel vm3, $0x1182, v4  }
0x28: {  	p1 =	sne.s32 s2, $0x1;
	s5 =	sadd.s32 s0, s5;
	s1 =	ssub.s32 s1, s6;
	v5 =	vsel vm3, $0x3182, v5;
	v6 =	vsel vm3, $0x1183, v6;
	v7 =	vsel vm3, $0x3183, v7  }
0x29: {  	s0 =	sadd.s32 $0xF4000, s0;
	s8 =	sadd.s32 $0x4000, s5;
	s19 =	sadd.s32 $0x8000, s5;
	v0 =	vsel vm2, $0x1200, v0;
	v1 =	vsel vm2, $0x3200, v1;
	v2 =	vsel vm2, $0x1201, v2  }
0x2a: {  	s9 =	sadd.s32 $0xC000, s5;
	s11 =	sadd.s32 $0x10000, s5;
	[dreg:$0x4] =	wrdreg s5;
	v3 =	vsel vm2, $0x3201, v3;
	v4 =	vsel vm2, $0x1202, v4;
	v5 =	vsel vm2, $0x3202, v5  }
0x2b: {  	s12 =	sadd.s32 $0x14000, s5;
	s13 =	sadd.s32 $0x18000, s5;
	[dreg:$0xa] =	wrdreg s0;
	v6 =	vsel vm2, $0x1203, v6;
	v7 =	vsel vm2, $0x3203, v7;
	v0 =	vsel vm1, $0x1280, v0  }
.Ltmp0:
0x2c: {  	s14 =	sadd.s32 $0x1C000, s5;
	[dreg:$0x5] =	wrdreg s8;
	v1 =	vsel vm1, $0x3280, v1;
	v2 =	vsel vm1, $0x1281, v2;
	v3 =	vsel vm1, $0x3281, v3;
	(pc) =	sbr.rel .LBB2_1-.Ltmp0, $4  }
0x2d: {  	s23 =	smax.u32 s1, $0x1;
	[dreg:$0x6] =	wrdreg s19;
	s8 =	sshll.u32 s2, $0xB;
	v4 =	vsel vm1, $0x1282, v4;
	v5 =	vsel vm1, $0x3282, v5;
	v6 =	vsel vm1, $0x1283, v6  }
0x2e: {  	s1 =	simm.s32 $0x3;
	[dreg:$0x7] =	wrdreg s9;
	s10 =	sadd.s32 s3, s8;
	v7 =	vsel vm1, $0x3283, v7;
	v0 =	vsel vm0, $0x1300, v0;
	v1 =	vsel vm0, $0x3300, v1  }
0x2f: {  	s0 =	simm.s32 $0x5;
	[dreg:$0xc] =	wrdreg s23;
	s20 =	sadd.s32 $0x3C0000, s10;
	v2 =	vsel vm0, $0x1301, v2;
	v3 =	vsel vm0, $0x3301, v3;
	v4 =	vsel vm0, $0x1302, v4  }
0x30: {  	s23 =	simm.s32 $0x1000;
	s2 =	simm.s32 $0x14000;
	[dreg:$0x8] =	wrdreg s20;
	v5 =	vsel vm0, $0x3302, v5;
	v6 =	vsel vm0, $0x1303, v6;
	v7 =	vsel vm0, $0x3303, v7  }
.LBB2_22:
0x31: {  	s18 =	sadd.s32 $0x1, s18;
	s5 =	rddreg [dreg:$0xc]  }
0x32: {  	p2 =	sne.s32 s18, s5  }
.Ltmp1:
0x33: {  	_ = 	snop;
	(pc) =	sbr.rel @!p2 .LBB2_23-.Ltmp1, $1  }
0x34: {  	_ =	sdelay $0x3  }
.LBB2_1:
0x35: {  	s5 =	rddreg [dreg:$0x4]  }
0x36: {  	[tilespmem:s4], [sflag:$0x1] =	stream.strided.gather [hbm4b:s5+s23], $0x4000, s24, s23, $0x38;
	[tilespmem:$0x18000] =	vst v63  }
0x37: {  	s20 =	rddreg [dreg:$0x5]  }
0x38: {  	[tilespmem:s25], [sflag:$0x2] =	stream.strided.gather [hbm4b:s20+s23], $0x4000, s24, s23, $0x38;
	[tilespmem:$0x18000] =	vst v63  }
0x39: {  	s21 =	rddreg [dreg:$0x6]  }
0x3a: {  	[tilespmem:s26], [sflag:$0x3] =	stream.strided.gather [hbm4b:s21+s23], $0x4000, s24, s23, $0x38;
	[tilespmem:$0x18000] =	vst v63  }
0x3b: {  	s22 =	rddreg [dreg:$0x7];
	s20 =	simm.s32 $0x0  }
0x3c: {  	[tilespmem:s28], [sflag:$0x4] =	stream.strided.gather [hbm4b:s22+s23], $0x4000, s24, s23, $0x38;
	[tilespmem:$0x18000] =	vst v63  }
.LBB2_2:
0x3d: {  	s6 =	simm.s32 $0x4  }
0x3e: {  	v8 =	vmov s6  }
0x3f: {  	v9 =	vshll.u32 v8, $0x3  }
0x40: {  	v9 =	vand.u32 $0xC00, v9  }
0x41: {  	_ =	swait.ge [sflag:s29], $0x4000;
	s21 =	simm.s32 $0xC;
	v12 =	vand.u32 $0x74, v8;
	v17 =	vor.u32 v1, v9  }
0x42: {  	p2 =	seq.s32 s20, $0x0;
	s19 =	simm.s32 $0x0;
	[sflag:s29] =	ssyncset.done $0x0;
	v15 =	vmov s21;
	v13 =	vor.u32 v0, v9;
	v8 =	vor.u32 v12, v17  }
0x43: {  	s7 =	simm.s32 @!p2 $0x5;
	[sflag:s29] =	ssyncadd.s32 $0xFFFFC000;
	v11 =	vor.u32 $0x1, v12;
	v9 =	vmov s19;
	v10 =	vor.u32 v12, v13  }
0x44: {  	v25 =	vand.u32 $0x7C, v15;
	_ =	swait.ge @!p2 [sflag:s7], $0x4000;
	v14 =	vshll.u32 v9, $0x3;
	v16 =	vor.u32 v11, v13  }
0x45: {  	[sflag:s7] =	ssyncset.done @!p2 $0x0;
	v20 =	vand.u32 $0x70, v9;
	v18 =	vor.u32 v11, v17;
	v9 =	vor.u32 $0x2, v12  }
0x46: {  	v33 =	vor.u32 $0x3, v12;
	[sflag:s7] =	ssyncadd.s32 @!p2 $0xFFFFC000;
	v11 =	vshll.u32 v15, $0x3;
	v21 =	vor.u32 v9, v13  }
0x47: {  	v19 =	vor.u32 $0x2, v20;
	v14 =	vand.u32 $0xC00, v14;
	v23 =	vor.u32 v9, v17;
	v8 =	vld.idx.msk [tilespmem:v8+s4+$0x0], $0xffff  }
0x48: {  	v24 =	vand.u32 $0xC00, v11;
	v13 =	vor.u32 v33, v13;
	v22 =	vor.u32 v0, v14;
	v9 =	vld.idx.msk [tilespmem:v10+s4+$0x0], $0xffff  }
0x49: {  	v28 =	vor.u32 $0x2, v25;
	v40 =	vor.u32 v0, v24;
	v26 =	vor.u32 v19, v22;
	v11 =	vld.idx.msk [tilespmem:v16+s4+$0x0], $0xffff  }
0x4a: {  	v29 =	vor.u32 v1, v14;
	v14 =	vor.u32 v28, v40;
	v18 =	vld.idx.msk [tilespmem:v18+s4+$0x0], $0xffff  }
0x4b: {  	v36 =	vor.u32 $0x3, v25;
	v16 =	vor.u32 v20, v22;
	v10 =	vld.idx.msk [tilespmem:v21+s4+$0x0], $0xffff  }
0x4c: {  	v31 =	vor.u32 $0x1, v20;
	v38 =	vor.u32 v1, v24;
	v27 =	vor.u32 v36, v40;
	v15 =	vld.idx.msk [tilespmem:v23+s4+$0x0], $0xffff  }
0x4d: {  	s22 =	simm.s32 $0x8;
	v12 =	vor.u32 v20, v29;
	v34 =	vor.u32 v31, v22;
	v43 =	vor.u32 v31, v29;
	v31 =	vld.idx.msk [tilespmem:v13+s4+$0x0], $0xffff  }
0x4e: {  	v35 =	vor.u32 v25, v38;
	v23 =	vmov s22;
	v21 =	vld.idx.msk [tilespmem:v26+s4+$0x0], $0xffff  }
0x4f: {  	v46 =	vor.u32 $0x3, v20;
	v26 =	vor.u32 v19, v29;
	v19 =	vshll.u32 v23, $0x3;
	v14 =	vld.idx.msk [tilespmem:v14+s4+$0x0], $0xffff  }
0x50: {  	v48 =	vor.u32 v46, v22;
	v23 =	vand.u32 $0x78, v23;
	v30 =	vld.idx.msk [tilespmem:v16+s4+$0x0], $0xffff;
	v16 =	vand.u32 $0xC00, v19  }
0x51: {  	v24 =	vor.u32 $0x3, v23;
	v19 =	vld.idx.msk [tilespmem:v27+s4+$0x0], $0xffff;
	v39 =	vor.u32 v1, v16  }
0x52: {  	v27 =	vld.idx.msk [tilespmem:v12+s4+$0x0], $0xffff;
	v37 =	vor.u32 v0, v16;
	v16 =	vor.u32 v24, v39  }
0x53: {  	v22 =	vor.u32 v33, v17;
	v63 =	vor.u32 $0x2, v23;
	v12 =	vld.idx.msk [tilespmem:v35+s4+$0x0], $0xffff;
	v41 =	vor.u32 v24, v37  }
0x54: {  	v44 =	vor.u32 $0x1, v23;
	v24 =	vld.idx.msk [tilespmem:v34+s4+$0x0], $0xffff;
	v45 =	vor.u32 v63, v37;
	v49 =	vor.u32 v23, v39  }
0x55: {  	v33 =	vor.u32 v44, v39;
	v34 =	vor.u32 v63, v39;
	v39 =	vor.u32 v28, v38;
	v28 =	vld.idx.msk [tilespmem:v48+s4+$0x0], $0xffff  }
0x56: {  	v47 =	vor.u32 v44, v37;
	v32 =	vld.idx.msk [tilespmem:v26+s4+$0x0], $0xffff  }
0x57: {  	v42 =	vor.u32 $0x1, v25;
	v13 =	vld.idx.msk [tilespmem:v16+s4+$0x0], $0xffff  }
0x58: {  	v26 =	vor.u32 v42, v38;
	v16 =	vld.idx.msk [tilespmem:v41+s4+$0x0], $0xffff  }
0x59: {  	v23 =	vor.u32 v23, v37;
	v37 =	vor.u32 v46, v29;
	v41 =	vld.idx.msk [tilespmem:v43+s4+$0x0], $0xffff  }
0x5a: {  	v38 =	vor.u32 v36, v38;
	v36 =	vor.u32 v25, v40;
	v40 =	vor.u32 v42, v40;
	v20 =	vld.idx.msk [tilespmem:v45+s4+$0x0], $0xffff  }
0x5b: {  	v29 =	vld.idx.msk [tilespmem:v47+s4+$0x0], $0xffff  }
0x5c: {  	s9 =	simm.s32 $0x10300;
	s21 =	sshll.u32 s20, $0x10;
	v17 =	vld.idx.msk [tilespmem:v49+s4+$0x0], $0xffff  }
0x5d: {  	s6 =	simm.s32 $0x10100;
	s7 =	simm.s32 $0x10;
	s22 =	simm.s32 $0x0;
	v35 =	vld.idx.msk [tilespmem:v26+s4+$0x0], $0xffff  }
.LBB2_3:
0x5e: {  	v26 =	vmov s7;
	s15 =	sadd.s32 $0x4, s7;
	s19 =	sadd.s32 $0xC, s7;
	s22 =	sadd.s32 $0x4, s22;
	v37 =	vld.idx.msk [tilespmem:v37+s4+$0x0], $0xffff  }
0x5f: {  	v42 =	vshll.u32 v26, $0x3;
	v43 =	vmov s15;
	v44 =	vmov s19;
	p3 =	slt.u32 s22, $0x7C;
	[tilespmem:s6+$0xFFFFFF00] =	vst v30;
	v25 =	vld.idx.msk [tilespmem:v40+s4+$0x0], $0xffff  }
0x60: {  	v30 =	vand.u32 $0x70, v26;
	v40 =	vand.u32 $0x74, v43;
	v26 =	vshll.u32 v43, $0x3;
	[tilespmem:s6+$0xFFFFFF30] =	vst v41;
	v41 =	vld.idx.msk [tilespmem:v33+s4+$0x0], $0xffff  }
0x61: {  	v33 =	vor.u32 $0x2, v30;
	v45 =	vshll.u32 v44, $0x3;
	v43 =	vand.u32 $0xC00, v26;
	[tilespmem:s6+$0xFFFFFF40] =	vst v21;
	v26 =	vld.idx.msk [tilespmem:v34+s4+$0x0], $0xffff  }
0x62: {  	v21 =	vor.u32 v0, v43;
	v34 =	vor.u32 v1, v43;
	v43 =	vor.u32 $0x3, v40;
	[tilespmem:s6+$0xFFFFFF60] =	vst v28;
	v28 =	vld.idx.msk [tilespmem:v39+s4+$0x0], $0xffff  }
0x63: {  	v44 =	vand.u32 $0x7C, v44;
	v39 =	vor.u32 v40, v21;
	v46 =	vor.u32 v40, v34;
	[tilespmem:s6+$0xFFFFFF50] =	vst v32;
	v47 =	vld.idx.msk [tilespmem:v38+s4+$0x0], $0xffff  }
0x64: {  	v32 =	vand.u32 $0xC00, v42;
	v38 =	vor.u32 $0x1, v40;
	v42 =	vor.u32 $0x2, v44;
	[tilespmem:s6+$0xFFFFFF10] =	vst v27;
	v48 =	vld.idx.msk [tilespmem:v36+s4+$0x0], $0xffff  }
0x65: {  	v27 =	vor.u32 v38, v21;
	v36 =	vand.u32 $0xC00, v45;
	v45 =	vor.u32 $0x3, v44;
	v49 =	vld.idx.msk [tilespmem:v22+s4+$0x0], $0xffff;
	[tilespmem:s6+$0xB0] =	vst v35  }
0x66: {  	s15 =	sadd.s32 $0x8, s7;
	v35 =	vor.u32 v0, v32;
	v22 =	vor.u32 v38, v34;
	v38 =	vor.u32 $0x2, v40;
	[tilespmem:s6+$0xFFFFFFE0] =	vst v31;
	v23 =	vld.idx.msk [tilespmem:v23+s4+$0x0], $0xffff  }
0x67: {  	v50 =	vor.u32 $0x1, v44;
	v40 =	vmov s15;
	v31 =	vor.u32 v38, v21;
	[tilespmem:s6+$0xFFFFFF70] =	vst v37  }
0x68: {  	v38 =	vor.u32 v38, v34;
	v51 =	vshll.u32 v40, $0x3;
	v37 =	vor.u32 v33, v35;
	v46 =	vld.idx.msk [tilespmem:v46+s4+$0x0], $0xffff;
	[tilespmem:s6+$0xFFFFFFD0] =	vst v15  }
0x69: {  	v52 =	vor.u32 v43, v21;
	v15 =	vand.u32 $0xC00, v51;
	v51 =	vor.u32 v0, v36;
	v39 =	vld.idx.msk [tilespmem:v39+s4+$0x0], $0xffff;
	[tilespmem:s6+$0xFFFFFF20] =	vst v24  }
0x6a: {  	v24 =	vor.u32 $0x1, v30;
	v54 =	vor.u32 v1, v15;
	v53 =	vld.idx.msk [tilespmem:v27+s4+$0x0], $0xffff;
	v27 =	vor.u32 v0, v15;
	[tilespmem:s6+$0xE0] =	vst v19  }
0x6b: {  	v32 =	vor.u32 v1, v32;
	v19 =	vor.u32 v30, v35;
	v55 =	vld.idx.msk [tilespmem:v22+s4+$0x0], $0xffff;
	[tilespmem:s6+$0xFFFFFFC0] =	vst v10  }
0x6c: {  	v56 =	vor.u32 v24, v35;
	v10 =	vld.idx.msk [tilespmem:v31+s4+$0x0], $0xffff;
	v31 =	vand.u32 $0x78, v40;
	v40 =	vor.u32 v45, v51;
	[tilespmem:s6+$0x20] =	vst v29  }
0x6d: {  	v22 =	vor.u32 v43, v34;
	v34 =	vor.u32 v42, v51;
	v29 =	vor.u32 $0x3, v30;
	v15 =	vld.idx.msk [tilespmem:v38+s4+$0x0], $0xffff;
	[tilespmem:s6+$0xFFFFFFB0] =	vst v18  }
0x6e: {  	v36 =	vor.u32 v1, v36;
	v18 =	vor.u32 v30, v32;
	v38 =	vor.u32 $0x1, v31;
	v21 =	vld.idx.msk [tilespmem:v37+s4+$0x0], $0xffff;
	[tilespmem:s6+$0x0] =	vst v23  }
0x6f: {  	v43 =	vor.u32 v33, v32;
	v57 =	vor.u32 v29, v35;
	v23 =	vor.u32 v31, v27;
	[tilespmem:s6+$0xC0] =	vst v14  }
0x70: {  	v35 =	vor.u32 v50, v36;
	v37 =	vor.u32 v29, v32;
	v29 =	vor.u32 $0x2, v31;
	v30 =	vld.idx.msk [tilespmem:v19+s4+$0x0], $0xffff;
	[tilespmem:s6+$0xFFFFFFA0] =	vst v11  }
0x71: {  	v58 =	vor.u32 v31, v54;
	v33 =	vor.u32 v38, v54;
	v11 =	vor.u32 $0x3, v31;
	v19 =	vld.idx.msk [tilespmem:v40+s4+$0x0], $0xffff;
	[tilespmem:s6+$0xFFFFFF90] =	vst v8  }
0x72: {  	v59 =	vor.u32 v38, v27;
	v60 =	vor.u32 v29, v27;
	v8 =	vmov v46;
	v14 =	vld.idx.msk [tilespmem:v34+s4+$0x0], $0xffff;
	[tilespmem:s6+$0xFFFFFF80] =	vst v9  }
0x73: {  	v62 =	vor.u32 v44, v36;
	v46 =	vor.u32 v24, v32;
	v61 =	vor.u32 v11, v27;
	[tilespmem:s6+$0xFFFFFFF0] =	vst v49  }
0x74: {  	v34 =	vor.u32 v29, v54;
	v29 =	vor.u32 v11, v54;
	v9 =	vmov v39;
	v27 =	vld.idx.msk [tilespmem:v18+s4+$0x0], $0xffff;
	[tilespmem:s6+$0x40] =	vst v20  }
0x75: {  	v38 =	vor.u32 v45, v36;
	v39 =	vor.u32 v42, v36;
	v11 =	vmov v53;
	v32 =	vld.idx.msk [tilespmem:v43+s4+$0x0], $0xffff;
	[tilespmem:s6+$0x30] =	vst v41  }
0x76: {  	v40 =	vor.u32 v50, v51;
	v36 =	vor.u32 v44, v51;
	v18 =	vmov v55;
	v24 =	vld.idx.msk [tilespmem:v56+s4+$0x0], $0xffff;
	[tilespmem:s6+$0x60] =	vst v16  }
0x77: {  	v31 =	vld.idx.msk [tilespmem:v52+s4+$0x0], $0xffff;
	[tilespmem:s6+$0x90] =	vst v12  }
0x78: {  	v12 =	vld.idx.msk [tilespmem:v62+s4+$0x0], $0xffff;
	[tilespmem:s6+$0x80] =	vst v48  }
0x79: {  	[tilespmem:s6+$0x70] =	vst v13;
	v13 =	vld.idx.msk [tilespmem:v29+s4+$0x0], $0xffff  }
0x7a: {  	v16 =	vld.idx.msk [tilespmem:v61+s4+$0x0], $0xffff;
	[tilespmem:s6+$0xF0] =	vst v47  }
0x7b: {  	v35 =	vld.idx.msk [tilespmem:v35+s4+$0x0], $0xffff;
	[tilespmem:s6+$0xA0] =	vst v25  }
.Ltmp2:
0x7c: {  	v41 =	vld.idx.msk [tilespmem:v46+s4+$0x0], $0xffff;
	[tilespmem:s6+$0x50] =	vst v26;
	(pc) =	sbr.rel @p3 .LBB2_3-.Ltmp2, $4  }
0x7d: {  	v20 =	vld.idx.msk [tilespmem:v60+s4+$0x0], $0xffff;
	[tilespmem:s6+$0xD0] =	vst v28  }
0x7e: {  	v29 =	vld.idx.msk [tilespmem:v59+s4+$0x0], $0xffff;
	[tilespmem:s6+$0x10] =	vst v17;
	s6 =	smov.u32 s9  }
0x7f: {  	v28 =	vld.idx.msk [tilespmem:v57+s4+$0x0], $0xffff  }
0x80: {  	s7 =	sadd.s32 $0x10, s7;
	s9 =	sadd.s32 $0x200, s9;
	v17 =	vld.idx.msk [tilespmem:v58+s4+$0x0], $0xffff  }
0x81: {  	_ =	sdelay $0x3  }
0x82: {  	v25 =	vld.idx.msk [tilespmem:v37+s4+$0x0], $0xffff;
	[tilespmem:s6+$0xFFFFFF00] =	vst v30  }
0x83: {  	[tilespmem:s6+$0xFFFFFF30] =	vst v41  }
0x84: {  	[tilespmem:s6+$0xFFFFFF40] =	vst v21  }
0x85: {  	[tilespmem:s6+$0xFFFFFF50] =	vst v32  }
0x86: {  	[tilespmem:s6+$0xFFFFFF10] =	vst v27  }
0x87: {  	v22 =	vld.idx.msk [tilespmem:v22+s4+$0x0], $0xffff;
	[tilespmem:s6+$0xFFFFFFE0] =	vst v31  }
0x88: {  	[tilespmem:s6+$0xFFFFFFD0] =	vst v15  }
0x89: {  	[tilespmem:s6+$0xFFFFFF20] =	vst v24  }
0x8a: {  	[tilespmem:s6+$0xFFFFFFC0] =	vst v10  }
0x8b: {  	[tilespmem:s6+$0xFFFFFFB0] =	vst v18  }
0x8c: {  	v26 =	vld.idx.msk [tilespmem:v40+s4+$0x0], $0xffff;
	[tilespmem:s6+$0xFFFFFFA0] =	vst v11  }
0x8d: {  	v21 =	vld.idx.msk [tilespmem:v39+s4+$0x0], $0xffff;
	[tilespmem:s6+$0xFFFFFF90] =	vst v8  }
0x8e: {  	v27 =	vld.idx.msk [tilespmem:v36+s4+$0x0], $0xffff;
	[tilespmem:s6+$0xFFFFFF80] =	vst v9  }
0x8f: {  	v15 =	vld.idx.msk [tilespmem:v23+s4+$0x0], $0xffff;
	[tilespmem:s6+$0xFFFFFF60] =	vst v28  }
0x90: {  	v28 =	vld.idx.msk [tilespmem:v38+s4+$0x0], $0xffff;
	[tilespmem:s6+$0xB0] =	vst v35  }
0x91: {  	v23 =	vld.idx.msk [tilespmem:v33+s4+$0x0], $0xffff;
	[tilespmem:s6+$0xE0] =	vst v19  }
0x92: {  	v19 =	vld.idx.msk [tilespmem:v34+s4+$0x0], $0xffff;
	[tilespmem:s6+$0x20] =	vst v29  }
0x93: {  	[tilespmem:s6+$0xC0] =	vst v14  }
0x94: {  	[tilespmem:s6+$0x40] =	vst v20  }
0x95: {  	[tilespmem:s6+$0x60] =	vst v16  }
0x96: {  	[tilespmem:s6+$0x90] =	vst v12  }
0x97: {  	[tilespmem:s6+$0x70] =	vst v13  }
0x98: {  	[tilespmem:s6+$0x10] =	vst v17  }
0x99: {  	[tilespmem:s6+$0xFFFFFF70] =	vst v25  }
0x9a: {  	[tilespmem:s6+$0x0] =	vst v15  }
0x9b: {  	[tilespmem:s6+$0xFFFFFFF0] =	vst v22  }
0x9c: {  	[tilespmem:s6+$0x30] =	vst v23  }
0x9d: {  	[tilespmem:s6+$0x80] =	vst v27  }
0x9e: {  	[tilespmem:s6+$0xA0] =	vst v26  }
0x9f: {  	[tilespmem:s6+$0xD0] =	vst v21  }
0xa0: {  	s22 =	sshll.u32 s20, $0x12;
	[tilespmem:s6+$0xF0] =	vst v28  }
0xa1: {  	s7 =	simm.s32 $0x4;
	s5 =	sadd.s32 s22, s10;
	[tilespmem:s6+$0x50] =	vst v19  }
0xa2: {  	v8 =	vmov s7;
	[hbm4b:s5+s4] =	stream.linear.scatter [tilespmem:s30], [sflag:$0x5], $0x4000, $0x38;
	[tilespmem:$0x18000] =	vst v63  }
0xa3: {  	s7 =	sadd.s32 s21, s11;
	v9 =	vshll.u32 v8, $0x3  }
0xa4: {  	v9 =	vand.u32 $0xC00, v9;
	[tilespmem:s4], [sflag:$0x1] =	stream.strided.gather [hbm4b:s7+s23], $0x4000, s24, s23, $0x38;
	[tilespmem:$0x18000] =	vst v63  }
0xa5: {  	s9 =	simm.s32 $0x0;
	v12 =	vand.u32 $0x74, v8;
	v17 =	vor.u32 v1, v9;
	v13 =	vor.u32 v0, v9;
	_ =	swait.ge [sflag:s31], $0x4000  }
0xa6: {  	s15 =	simm.s32 $0xC;
	v9 =	vmov s9;
	v11 =	vor.u32 $0x1, v12;
	v8 =	vor.u32 v12, v17;
	[sflag:s31] =	ssyncset.done $0x0  }
0xa7: {  	v10 =	vor.u32 v12, v13;
	v14 =	vshll.u32 v9, $0x3;
	v15 =	vmov s15;
	s7 =	simm.s32 @!p2 $0x6;
	[sflag:s31] =	ssyncadd.s32 $0xFFFFC000  }
0xa8: {  	v16 =	vor.u32 v11, v13;
	v20 =	vand.u32 $0x70, v9;
	v9 =	vor.u32 $0x2, v12;
	_ =	swait.ge @!p2 [sflag:s7], $0x4000  }
0xa9: {  	v18 =	vor.u32 v11, v17;
	v14 =	vand.u32 $0xC00, v14;
	v21 =	vor.u32 v9, v13;
	[sflag:s7] =	ssyncset.done @!p2 $0x0  }
0xaa: {  	v11 =	vshll.u32 v15, $0x3;
	v23 =	vor.u32 v9, v17;
	v25 =	vand.u32 $0x7C, v15;
	[sflag:s7] =	ssyncadd.s32 @!p2 $0xFFFFC000  }
0xab: {  	v22 =	vor.u32 v0, v14;
	v24 =	vand.u32 $0xC00, v11;
	v19 =	vor.u32 $0x2, v20;
	v8 =	vld.idx.msk [tilespmem:v8+s25+$0x0], $0xffff  }
0xac: {  	v55 =	vor.u32 v0, v24;
	v28 =	vor.u32 $0x2, v25;
	v26 =	vor.u32 v19, v22;
	v9 =	vld.idx.msk [tilespmem:v10+s25+$0x0], $0xffff  }
0xad: {  	v56 =	vor.u32 $0x3, v12;
	v29 =	vor.u32 v1, v14;
	v14 =	vor.u32 v28, v55;
	v11 =	vld.idx.msk [tilespmem:v16+s25+$0x0], $0xffff  }
0xae: {  	v31 =	vor.u32 $0x1, v20;
	v13 =	vor.u32 v56, v13;
	v18 =	vld.idx.msk [tilespmem:v18+s25+$0x0], $0xffff  }
0xaf: {  	v46 =	vor.u32 $0x3, v20;
	v43 =	vor.u32 v31, v29;
	v10 =	vld.idx.msk [tilespmem:v21+s25+$0x0], $0xffff  }
0xb0: {  	v48 =	vor.u32 v46, v22;
	v15 =	vld.idx.msk [tilespmem:v23+s25+$0x0], $0xffff  }
0xb1: {  	v16 =	vor.u32 v20, v22;
	v21 =	vld.idx.msk [tilespmem:v26+s25+$0x0], $0xffff  }
0xb2: {  	v54 =	vor.u32 $0x3, v25;
	v26 =	vor.u32 v19, v29;
	v14 =	vld.idx.msk [tilespmem:v14+s25+$0x0], $0xffff  }
0xb3: {  	s19 =	simm.s32 $0x8;
	v57 =	vor.u32 v31, v22;
	v27 =	vor.u32 v54, v55;
	v31 =	vld.idx.msk [tilespmem:v13+s25+$0x0], $0xffff  }
0xb4: {  	v12 =	vor.u32 v20, v29;
	v58 =	vor.u32 v1, v24;
	v23 =	vmov s19;
	v41 =	vld.idx.msk [tilespmem:v43+s25+$0x0], $0xffff  }
0xb5: {  	v60 =	vor.u32 v25, v58;
	v39 =	vor.u32 v28, v58;
	v28 =	vld.idx.msk [tilespmem:v48+s25+$0x0], $0xffff;
	v19 =	vshll.u32 v23, $0x3  }
0xb6: {  	v42 =	vor.u32 $0x1, v25;
	v23 =	vand.u32 $0x78, v23;
	v30 =	vld.idx.msk [tilespmem:v16+s25+$0x0], $0xffff;
	v16 =	vand.u32 $0xC00, v19  }
0xb7: {  	v24 =	vor.u32 $0x3, v23;
	v32 =	vld.idx.msk [tilespmem:v26+s25+$0x0], $0xffff;
	v26 =	vor.u32 v42, v58;
	v59 =	vor.u32 v1, v16  }
0xb8: {  	v19 =	vld.idx.msk [tilespmem:v27+s25+$0x0], $0xffff;
	v61 =	vor.u32 v0, v16;
	v16 =	vor.u32 v24, v59  }
0xb9: {  	v63 =	vor.u32 $0x2, v23;
	v27 =	vld.idx.msk [tilespmem:v12+s25+$0x0], $0xffff;
	v62 =	vor.u32 v24, v61  }
0xba: {  	v44 =	vor.u32 $0x1, v23;
	v12 =	vld.idx.msk [tilespmem:v60+s25+$0x0], $0xffff;
	v45 =	vor.u32 v63, v61  }
0xbb: {  	v24 =	vld.idx.msk [tilespmem:v57+s25+$0x0], $0xffff;
	v47 =	vor.u32 v44, v61  }
0xbc: {  	v49 =	vor.u32 v23, v59;
	v35 =	vld.idx.msk [tilespmem:v26+s25+$0x0], $0xffff  }
0xbd: {  	v38 =	vor.u32 v46, v29;
	v13 =	vld.idx.msk [tilespmem:v16+s25+$0x0], $0xffff  }
0xbe: {  	v40 =	vor.u32 v42, v55;
	v16 =	vld.idx.msk [tilespmem:v62+s25+$0x0], $0xffff  }
0xbf: {  	v33 =	vor.u32 v44, v59;
	v20 =	vld.idx.msk [tilespmem:v45+s25+$0x0], $0xffff  }
0xc0: {  	s9 =	simm.s32 $0x10;
	v37 =	vor.u32 v54, v58;
	v34 =	vor.u32 v63, v59;
	v29 =	vld.idx.msk [tilespmem:v47+s25+$0x0], $0xffff  }
0xc1: {  	s15 =	simm.s32 $0x14300;
	s6 =	simm.s32 $0x14100;
	v36 =	vor.u32 v25, v55;
	s7 =	simm.s32 $0x0;
	v22 =	vor.u32 v56, v17;
	v23 =	vor.u32 v23, v61;
	v17 =	vld.idx.msk [tilespmem:v49+s25+$0x0], $0xffff  }
.LBB2_5:
0xc2: {  	v26 =	vmov s9;
	s19 =	sadd.s32 $0x4, s9;
	s5 =	sadd.s32 $0xC, s9;
	s7 =	sadd.s32 $0x4, s7;
	v38 =	vld.idx.msk [tilespmem:v38+s25+$0x0], $0xffff  }
0xc3: {  	v42 =	vshll.u32 v26, $0x3;
	v43 =	vmov s19;
	v44 =	vmov s5;
	p2 =	slt.u32 s7, $0x7C;
	[tilespmem:s6+$0xFFFFFF00] =	vst v30;
	v25 =	vld.idx.msk [tilespmem:v40+s25+$0x0], $0xffff  }
0xc4: {  	v30 =	vand.u32 $0x70, v26;
	v40 =	vand.u32 $0x74, v43;
	v26 =	vshll.u32 v43, $0x3;
	[tilespmem:s6+$0xFFFFFF30] =	vst v41;
	v41 =	vld.idx.msk [tilespmem:v33+s25+$0x0], $0xffff  }
0xc5: {  	v33 =	vor.u32 $0x2, v30;
	v45 =	vshll.u32 v44, $0x3;
	v43 =	vand.u32 $0xC00, v26;
	[tilespmem:s6+$0xFFFFFF40] =	vst v21;
	v26 =	vld.idx.msk [tilespmem:v34+s25+$0x0], $0xffff  }
0xc6: {  	v21 =	vor.u32 v0, v43;
	v34 =	vor.u32 v1, v43;
	v43 =	vor.u32 $0x3, v40;
	[tilespmem:s6+$0xFFFFFF60] =	vst v28;
	v28 =	vld.idx.msk [tilespmem:v39+s25+$0x0], $0xffff  }
0xc7: {  	v44 =	vand.u32 $0x7C, v44;
	v39 =	vor.u32 v40, v21;
	v46 =	vor.u32 v40, v34;
	[tilespmem:s6+$0xFFFFFF50] =	vst v32;
	v47 =	vld.idx.msk [tilespmem:v37+s25+$0x0], $0xffff  }
0xc8: {  	v32 =	vand.u32 $0xC00, v42;
	v37 =	vor.u32 $0x1, v40;
	v42 =	vor.u32 $0x2, v44;
	[tilespmem:s6+$0xFFFFFF10] =	vst v27;
	v48 =	vld.idx.msk [tilespmem:v36+s25+$0x0], $0xffff  }
0xc9: {  	v27 =	vor.u32 v37, v21;
	v36 =	vand.u32 $0xC00, v45;
	v45 =	vor.u32 $0x3, v44;
	v49 =	vld.idx.msk [tilespmem:v22+s25+$0x0], $0xffff;
	[tilespmem:s6+$0xB0] =	vst v35  }
0xca: {  	s5 =	sadd.s32 $0x8, s9;
	v35 =	vor.u32 v0, v32;
	v22 =	vor.u32 v37, v34;
	v37 =	vor.u32 $0x2, v40;
	[tilespmem:s6+$0xFFFFFFE0] =	vst v31;
	v23 =	vld.idx.msk [tilespmem:v23+s25+$0x0], $0xffff  }
0xcb: {  	v50 =	vor.u32 $0x1, v44;
	v40 =	vmov s5;
	v31 =	vor.u32 v37, v21;
	[tilespmem:s6+$0xFFFFFF70] =	vst v38  }
0xcc: {  	v37 =	vor.u32 v37, v34;
	v51 =	vshll.u32 v40, $0x3;
	v38 =	vor.u32 v33, v35;
	v46 =	vld.idx.msk [tilespmem:v46+s25+$0x0], $0xffff;
	[tilespmem:s6+$0xFFFFFFD0] =	vst v15  }
0xcd: {  	v52 =	vor.u32 v43, v21;
	v15 =	vand.u32 $0xC00, v51;
	v51 =	vor.u32 v0, v36;
	v39 =	vld.idx.msk [tilespmem:v39+s25+$0x0], $0xffff;
	[tilespmem:s6+$0xFFFFFF20] =	vst v24  }
0xce: {  	v24 =	vor.u32 $0x1, v30;
	v54 =	vor.u32 v1, v15;
	v53 =	vld.idx.msk [tilespmem:v27+s25+$0x0], $0xffff;
	v27 =	vor.u32 v0, v15;
	[tilespmem:s6+$0xE0] =	vst v19  }
0xcf: {  	v32 =	vor.u32 v1, v32;
	v19 =	vor.u32 v30, v35;
	v55 =	vld.idx.msk [tilespmem:v22+s25+$0x0], $0xffff;
	[tilespmem:s6+$0xFFFFFFC0] =	vst v10  }
0xd0: {  	v56 =	vor.u32 v24, v35;
	v10 =	vld.idx.msk [tilespmem:v31+s25+$0x0], $0xffff;
	v31 =	vand.u32 $0x78, v40;
	v40 =	vor.u32 v45, v51;
	[tilespmem:s6+$0x20] =	vst v29  }
0xd1: {  	v22 =	vor.u32 v43, v34;
	v34 =	vor.u32 v42, v51;
	v29 =	vor.u32 $0x3, v30;
	v15 =	vld.idx.msk [tilespmem:v37+s25+$0x0], $0xffff;
	[tilespmem:s6+$0xFFFFFFB0] =	vst v18  }
0xd2: {  	v36 =	vor.u32 v1, v36;
	v18 =	vor.u32 v30, v32;
	v37 =	vor.u32 $0x1, v31;
	v21 =	vld.idx.msk [tilespmem:v38+s25+$0x0], $0xffff;
	[tilespmem:s6+$0x0] =	vst v23  }
0xd3: {  	v43 =	vor.u32 v33, v32;
	v57 =	vor.u32 v29, v35;
	v23 =	vor.u32 v31, v27;
	[tilespmem:s6+$0xC0] =	vst v14  }
0xd4: {  	v35 =	vor.u32 v50, v36;
	v38 =	vor.u32 v29, v32;
	v29 =	vor.u32 $0x2, v31;
	v30 =	vld.idx.msk [tilespmem:v19+s25+$0x0], $0xffff;
	[tilespmem:s6+$0xFFFFFFA0] =	vst v11  }
0xd5: {  	v58 =	vor.u32 v31, v54;
	v33 =	vor.u32 v37, v54;
	v11 =	vor.u32 $0x3, v31;
	v19 =	vld.idx.msk [tilespmem:v40+s25+$0x0], $0xffff;
	[tilespmem:s6+$0xFFFFFF90] =	vst v8  }
0xd6: {  	v59 =	vor.u32 v37, v27;
	v60 =	vor.u32 v29, v27;
	v8 =	vmov v46;
	v14 =	vld.idx.msk [tilespmem:v34+s25+$0x0], $0xffff;
	[tilespmem:s6+$0xFFFFFF80] =	vst v9  }
0xd7: {  	v62 =	vor.u32 v44, v36;
	v46 =	vor.u32 v24, v32;
	v61 =	vor.u32 v11, v27;
	[tilespmem:s6+$0xFFFFFFF0] =	vst v49  }
0xd8: {  	v34 =	vor.u32 v29, v54;
	v29 =	vor.u32 v11, v54;
	v9 =	vmov v39;
	v27 =	vld.idx.msk [tilespmem:v18+s25+$0x0], $0xffff;
	[tilespmem:s6+$0x40] =	vst v20  }
0xd9: {  	v37 =	vor.u32 v45, v36;
	v39 =	vor.u32 v42, v36;
	v11 =	vmov v53;
	v32 =	vld.idx.msk [tilespmem:v43+s25+$0x0], $0xffff;
	[tilespmem:s6+$0x30] =	vst v41  }
0xda: {  	v40 =	vor.u32 v50, v51;
	v36 =	vor.u32 v44, v51;
	v18 =	vmov v55;
	v24 =	vld.idx.msk [tilespmem:v56+s25+$0x0], $0xffff;
	[tilespmem:s6+$0x60] =	vst v16  }
0xdb: {  	v31 =	vld.idx.msk [tilespmem:v52+s25+$0x0], $0xffff;
	[tilespmem:s6+$0x90] =	vst v12  }
0xdc: {  	v12 =	vld.idx.msk [tilespmem:v62+s25+$0x0], $0xffff;
	[tilespmem:s6+$0x80] =	vst v48  }
0xdd: {  	[tilespmem:s6+$0x70] =	vst v13;
	v13 =	vld.idx.msk [tilespmem:v29+s25+$0x0], $0xffff  }
0xde: {  	v16 =	vld.idx.msk [tilespmem:v61+s25+$0x0], $0xffff;
	[tilespmem:s6+$0xF0] =	vst v47  }
0xdf: {  	v35 =	vld.idx.msk [tilespmem:v35+s25+$0x0], $0xffff;
	[tilespmem:s6+$0xA0] =	vst v25  }
.Ltmp3:
0xe0: {  	v41 =	vld.idx.msk [tilespmem:v46+s25+$0x0], $0xffff;
	[tilespmem:s6+$0x50] =	vst v26;
	(pc) =	sbr.rel @p2 .LBB2_5-.Ltmp3, $4  }
0xe1: {  	v20 =	vld.idx.msk [tilespmem:v60+s25+$0x0], $0xffff;
	[tilespmem:s6+$0xD0] =	vst v28  }
0xe2: {  	v29 =	vld.idx.msk [tilespmem:v59+s25+$0x0], $0xffff;
	[tilespmem:s6+$0x10] =	vst v17;
	s6 =	smov.u32 s15  }
0xe3: {  	v28 =	vld.idx.msk [tilespmem:v57+s25+$0x0], $0xffff  }
0xe4: {  	s9 =	sadd.s32 $0x10, s9;
	s15 =	sadd.s32 $0x200, s15;
	v17 =	vld.idx.msk [tilespmem:v58+s25+$0x0], $0xffff  }
0xe5: {  	_ =	sdelay $0x3  }
0xe6: {  	v25 =	vld.idx.msk [tilespmem:v38+s25+$0x0], $0xffff;
	[tilespmem:s6+$0xFFFFFF00] =	vst v30  }
0xe7: {  	[tilespmem:s6+$0xFFFFFF30] =	vst v41  }
0xe8: {  	[tilespmem:s6+$0xFFFFFF40] =	vst v21  }
0xe9: {  	[tilespmem:s6+$0xFFFFFF50] =	vst v32  }
0xea: {  	[tilespmem:s6+$0xFFFFFF10] =	vst v27  }
0xeb: {  	v22 =	vld.idx.msk [tilespmem:v22+s25+$0x0], $0xffff;
	[tilespmem:s6+$0xFFFFFFE0] =	vst v31  }
0xec: {  	[tilespmem:s6+$0xFFFFFFD0] =	vst v15  }
0xed: {  	[tilespmem:s6+$0xFFFFFF20] =	vst v24  }
0xee: {  	[tilespmem:s6+$0xFFFFFFC0] =	vst v10  }
0xef: {  	[tilespmem:s6+$0xFFFFFFB0] =	vst v18  }
0xf0: {  	v26 =	vld.idx.msk [tilespmem:v40+s25+$0x0], $0xffff;
	[tilespmem:s6+$0xFFFFFFA0] =	vst v11  }
0xf1: {  	v21 =	vld.idx.msk [tilespmem:v39+s25+$0x0], $0xffff;
	[tilespmem:s6+$0xFFFFFF90] =	vst v8  }
0xf2: {  	v27 =	vld.idx.msk [tilespmem:v36+s25+$0x0], $0xffff;
	[tilespmem:s6+$0xFFFFFF80] =	vst v9  }
0xf3: {  	v15 =	vld.idx.msk [tilespmem:v23+s25+$0x0], $0xffff;
	[tilespmem:s6+$0xFFFFFF60] =	vst v28  }
0xf4: {  	v28 =	vld.idx.msk [tilespmem:v37+s25+$0x0], $0xffff;
	[tilespmem:s6+$0xB0] =	vst v35  }
0xf5: {  	v23 =	vld.idx.msk [tilespmem:v33+s25+$0x0], $0xffff;
	[tilespmem:s6+$0xE0] =	vst v19  }
0xf6: {  	v19 =	vld.idx.msk [tilespmem:v34+s25+$0x0], $0xffff;
	[tilespmem:s6+$0x20] =	vst v29  }
0xf7: {  	[tilespmem:s6+$0xC0] =	vst v14  }
0xf8: {  	[tilespmem:s6+$0x40] =	vst v20  }
0xf9: {  	[tilespmem:s6+$0x60] =	vst v16  }
0xfa: {  	[tilespmem:s6+$0x90] =	vst v12  }
0xfb: {  	[tilespmem:s6+$0x70] =	vst v13  }
0xfc: {  	[tilespmem:s6+$0x10] =	vst v17  }
0xfd: {  	[tilespmem:s6+$0xFFFFFF70] =	vst v25  }
0xfe: {  	[tilespmem:s6+$0x0] =	vst v15  }
0xff: {  	[tilespmem:s6+$0xFFFFFFF0] =	vst v22  }
0x100: {  	[tilespmem:s6+$0x30] =	vst v23  }
0x101: {  	[tilespmem:s6+$0x80] =	vst v27  }
0x102: {  	[tilespmem:s6+$0xA0] =	vst v26  }
0x103: {  	s5 =	sor.u32 s8, s22;
	[tilespmem:s6+$0xD0] =	vst v21  }
0x104: {  	p2 =	seq.s32 s20, $0xE;
	s7 =	simm.s32 $0x4;
	s22 =	sadd.s32 s5, s3;
	[tilespmem:s6+$0xF0] =	vst v28  }
0x105: {  	v8 =	vmov s7;
	s7 =	simm.s32 @!p2 $0x7A1400;
	s5 =	sadd.s32 $0x10000, s22;
	[tilespmem:s6+$0x50] =	vst v19  }
0x106: {  	[hbm4b:s5+s4] =	stream.linear.scatter [tilespmem:s2], [sflag:$0x6], $0x4000, $0x38;
	[tilespmem:$0x18000] =	vst v63  }
0x107: {  	s9 =	simm.s32 @!p2 $0x4000;
	v9 =	vshll.u32 v8, $0x3;
	s6 =	sadd.s32 @!p2 s21, s12;
	s5 =	simm.s32 @!p2 $0x1000  }
0x108: {  	v9 =	vand.u32 $0xC00, v9;
	[tilespmem:s9], [sflag:$0x2] =	stream.strided.gather @!p2 [hbm4b:s6+s5], $0x4000, s7, s5, $0x38;
	[tilespmem:$0x18000] =	vst v63  }
0x109: {  	v12 =	vand.u32 $0x74, v8;
	v17 =	vor.u32 v1, v9;
	v13 =	vor.u32 v0, v9;
	_ =	swait.ge [sflag:s1], $0x4000  }
0x10a: {  	s15 =	simm.s32 $0xC;
	v11 =	vor.u32 $0x1, v12;
	v56 =	vor.u32 $0x3, v12;
	v8 =	vor.u32 v12, v17;
	[sflag:s1] =	ssyncset.done $0x0  }
0x10b: {  	v10 =	vor.u32 v12, v13;
	v15 =	vmov s15;
	v16 =	vor.u32 v11, v13;
	s9 =	simm.s32 $0x0;
	[sflag:s1] =	ssyncadd.s32 $0xFFFFC000  }
0x10c: {  	v18 =	vor.u32 v11, v17;
	v11 =	vshll.u32 v15, $0x3;
	v9 =	vmov s9;
	_ =	swait.ge [sflag:s0], $0x4000  }
0x10d: {  	v14 =	vshll.u32 v9, $0x3;
	v20 =	vand.u32 $0x70, v9;
	v9 =	vor.u32 $0x2, v12;
	[sflag:s0] =	ssyncset.done $0x0  }
0x10e: {  	v25 =	vand.u32 $0x7C, v15;
	v24 =	vand.u32 $0xC00, v11;
	v21 =	vor.u32 v9, v13;
	[sflag:s0] =	ssyncadd.s32 $0xFFFFC000  }
0x10f: {  	v55 =	vor.u32 v0, v24;
	v28 =	vor.u32 $0x2, v25;
	v23 =	vor.u32 v9, v17;
	v8 =	vld.idx.msk [tilespmem:v8+s26+$0x0], $0xffff  }
0x110: {  	v19 =	vor.u32 $0x2, v20;
	v14 =	vand.u32 $0xC00, v14;
	v13 =	vor.u32 v56, v13;
	v9 =	vld.idx.msk [tilespmem:v10+s26+$0x0], $0xffff  }
0x111: {  	v22 =	vor.u32 v0, v14;
	v29 =	vor.u32 v1, v14;
	v14 =	vor.u32 v28, v55;
	v11 =	vld.idx.msk [tilespmem:v16+s26+$0x0], $0xffff  }
0x112: {  	v31 =	vor.u32 $0x1, v20;
	v26 =	vor.u32 v19, v22;
	v18 =	vld.idx.msk [tilespmem:v18+s26+$0x0], $0xffff  }
0x113: {  	v43 =	vor.u32 v31, v29;
	v10 =	vld.idx.msk [tilespmem:v21+s26+$0x0], $0xffff  }
0x114: {  	v46 =	vor.u32 $0x3, v20;
	v16 =	vor.u32 v20, v22;
	v15 =	vld.idx.msk [tilespmem:v23+s26+$0x0], $0xffff  }
0x115: {  	v54 =	vor.u32 $0x3, v25;
	v57 =	vor.u32 v31, v22;
	v48 =	vor.u32 v46, v22;
	v31 =	vld.idx.msk [tilespmem:v13+s26+$0x0], $0xffff  }
0x116: {  	s19 =	simm.s32 $0x8;
	v27 =	vor.u32 v54, v55;
	v14 =	vld.idx.msk [tilespmem:v14+s26+$0x0], $0xffff  }
0x117: {  	v58 =	vor.u32 v1, v24;
	v12 =	vor.u32 v20, v29;
	v23 =	vmov s19;
	v21 =	vld.idx.msk [tilespmem:v26+s26+$0x0], $0xffff  }
0x118: {  	v60 =	vor.u32 v25, v58;
	v26 =	vor.u32 v19, v29;
	v19 =	vshll.u32 v23, $0x3;
	v41 =	vld.idx.msk [tilespmem:v43+s26+$0x0], $0xffff  }
0x119: {  	v23 =	vand.u32 $0x78, v23;
	v30 =	vld.idx.msk [tilespmem:v16+s26+$0x0], $0xffff;
	v16 =	vand.u32 $0xC00, v19  }
0x11a: {  	v39 =	vor.u32 v28, v58;
	v28 =	vld.idx.msk [tilespmem:v48+s26+$0x0], $0xffff;
	v24 =	vor.u32 $0x3, v23;
	v59 =	vor.u32 v1, v16  }
0x11b: {  	v19 =	vld.idx.msk [tilespmem:v27+s26+$0x0], $0xffff;
	v61 =	vor.u32 v0, v16;
	v16 =	vor.u32 v24, v59  }
0x11c: {  	v63 =	vor.u32 $0x2, v23;
	v27 =	vld.idx.msk [tilespmem:v12+s26+$0x0], $0xffff;
	v62 =	vor.u32 v24, v61  }
0x11d: {  	v44 =	vor.u32 $0x1, v23;
	v12 =	vld.idx.msk [tilespmem:v60+s26+$0x0], $0xffff;
	v45 =	vor.u32 v63, v61  }
0x11e: {  	v24 =	vld.idx.msk [tilespmem:v57+s26+$0x0], $0xffff;
	v47 =	vor.u32 v44, v61  }
0x11f: {  	v42 =	vor.u32 $0x1, v25;
	v49 =	vor.u32 v23, v59;
	v32 =	vld.idx.msk [tilespmem:v26+s26+$0x0], $0xffff  }
0x120: {  	v26 =	vor.u32 v42, v58;
	v13 =	vld.idx.msk [tilespmem:v16+s26+$0x0], $0xffff  }
0x121: {  	v38 =	vor.u32 v46, v29;
	v16 =	vld.idx.msk [tilespmem:v62+s26+$0x0], $0xffff  }
0x122: {  	v40 =	vor.u32 v42, v55;
	v20 =	vld.idx.msk [tilespmem:v45+s26+$0x0], $0xffff  }
0x123: {  	v33 =	vor.u32 v44, v59;
	v29 =	vld.idx.msk [tilespmem:v47+s26+$0x0], $0xffff  }
0x124: {  	s15 =	simm.s32 $0x10300;
	v22 =	vor.u32 v56, v17;
	v34 =	vor.u32 v63, v59;
	v17 =	vld.idx.msk [tilespmem:v49+s26+$0x0], $0xffff  }
0x125: {  	v37 =	vor.u32 v54, v58;
	v36 =	vor.u32 v25, v55;
	s6 =	simm.s32 $0x10100;
	s7 =	simm.s32 $0x0;
	s9 =	simm.s32 $0x10;
	v23 =	vor.u32 v23, v61;
	v35 =	vld.idx.msk [tilespmem:v26+s26+$0x0], $0xffff  }
.LBB2_7:
0x126: {  	v26 =	vmov s9;
	s5 =	sadd.s32 $0x4, s9;
	s19 =	sadd.s32 $0xC, s9;
	s7 =	sadd.s32 $0x4, s7;
	v38 =	vld.idx.msk [tilespmem:v38+s26+$0x0], $0xffff  }
0x127: {  	v42 =	vshll.u32 v26, $0x3;
	v43 =	vmov s5;
	v44 =	vmov s19;
	p3 =	slt.u32 s7, $0x7C;
	[tilespmem:s6+$0xFFFFFF00] =	vst v30;
	v25 =	vld.idx.msk [tilespmem:v40+s26+$0x0], $0xffff  }
0x128: {  	v30 =	vand.u32 $0x70, v26;
	v40 =	vand.u32 $0x74, v43;
	v26 =	vshll.u32 v43, $0x3;
	[tilespmem:s6+$0xFFFFFF30] =	vst v41;
	v41 =	vld.idx.msk [tilespmem:v33+s26+$0x0], $0xffff  }
0x129: {  	v33 =	vor.u32 $0x2, v30;
	v45 =	vshll.u32 v44, $0x3;
	v43 =	vand.u32 $0xC00, v26;
	[tilespmem:s6+$0xFFFFFF40] =	vst v21;
	v26 =	vld.idx.msk [tilespmem:v34+s26+$0x0], $0xffff  }
0x12a: {  	v21 =	vor.u32 v0, v43;
	v34 =	vor.u32 v1, v43;
	v43 =	vor.u32 $0x3, v40;
	[tilespmem:s6+$0xFFFFFF60] =	vst v28;
	v28 =	vld.idx.msk [tilespmem:v39+s26+$0x0], $0xffff  }
0x12b: {  	v44 =	vand.u32 $0x7C, v44;
	v39 =	vor.u32 v40, v21;
	v46 =	vor.u32 v40, v34;
	[tilespmem:s6+$0xFFFFFF50] =	vst v32;
	v47 =	vld.idx.msk [tilespmem:v37+s26+$0x0], $0xffff  }
0x12c: {  	v32 =	vand.u32 $0xC00, v42;
	v37 =	vor.u32 $0x1, v40;
	v42 =	vor.u32 $0x2, v44;
	[tilespmem:s6+$0xFFFFFF10] =	vst v27;
	v48 =	vld.idx.msk [tilespmem:v36+s26+$0x0], $0xffff  }
0x12d: {  	v27 =	vor.u32 v37, v21;
	v36 =	vand.u32 $0xC00, v45;
	v45 =	vor.u32 $0x3, v44;
	v49 =	vld.idx.msk [tilespmem:v22+s26+$0x0], $0xffff;
	[tilespmem:s6+$0xB0] =	vst v35  }
0x12e: {  	s5 =	sadd.s32 $0x8, s9;
	v35 =	vor.u32 v0, v32;
	v22 =	vor.u32 v37, v34;
	v37 =	vor.u32 $0x2, v40;
	[tilespmem:s6+$0xFFFFFFE0] =	vst v31;
	v23 =	vld.idx.msk [tilespmem:v23+s26+$0x0], $0xffff  }
0x12f: {  	v50 =	vor.u32 $0x1, v44;
	v40 =	vmov s5;
	v31 =	vor.u32 v37, v21;
	[tilespmem:s6+$0xFFFFFF70] =	vst v38  }
0x130: {  	v37 =	vor.u32 v37, v34;
	v51 =	vshll.u32 v40, $0x3;
	v38 =	vor.u32 v33, v35;
	v46 =	vld.idx.msk [tilespmem:v46+s26+$0x0], $0xffff;
	[tilespmem:s6+$0xFFFFFFD0] =	vst v15  }
0x131: {  	v52 =	vor.u32 v43, v21;
	v15 =	vand.u32 $0xC00, v51;
	v51 =	vor.u32 v0, v36;
	v39 =	vld.idx.msk [tilespmem:v39+s26+$0x0], $0xffff;
	[tilespmem:s6+$0xFFFFFF20] =	vst v24  }
0x132: {  	v24 =	vor.u32 $0x1, v30;
	v54 =	vor.u32 v1, v15;
	v53 =	vld.idx.msk [tilespmem:v27+s26+$0x0], $0xffff;
	v27 =	vor.u32 v0, v15;
	[tilespmem:s6+$0xE0] =	vst v19  }
0x133: {  	v32 =	vor.u32 v1, v32;
	v19 =	vor.u32 v30, v35;
	v55 =	vld.idx.msk [tilespmem:v22+s26+$0x0], $0xffff;
	[tilespmem:s6+$0xFFFFFFC0] =	vst v10  }
0x134: {  	v56 =	vor.u32 v24, v35;
	v10 =	vld.idx.msk [tilespmem:v31+s26+$0x0], $0xffff;
	v31 =	vand.u32 $0x78, v40;
	v40 =	vor.u32 v45, v51;
	[tilespmem:s6+$0x20] =	vst v29  }
0x135: {  	v22 =	vor.u32 v43, v34;
	v34 =	vor.u32 v42, v51;
	v29 =	vor.u32 $0x3, v30;
	v15 =	vld.idx.msk [tilespmem:v37+s26+$0x0], $0xffff;
	[tilespmem:s6+$0xFFFFFFB0] =	vst v18  }
0x136: {  	v36 =	vor.u32 v1, v36;
	v18 =	vor.u32 v30, v32;
	v37 =	vor.u32 $0x1, v31;
	v21 =	vld.idx.msk [tilespmem:v38+s26+$0x0], $0xffff;
	[tilespmem:s6+$0x0] =	vst v23  }
0x137: {  	v43 =	vor.u32 v33, v32;
	v57 =	vor.u32 v29, v35;
	v23 =	vor.u32 v31, v27;
	[tilespmem:s6+$0xC0] =	vst v14  }
0x138: {  	v35 =	vor.u32 v50, v36;
	v38 =	vor.u32 v29, v32;
	v29 =	vor.u32 $0x2, v31;
	v30 =	vld.idx.msk [tilespmem:v19+s26+$0x0], $0xffff;
	[tilespmem:s6+$0xFFFFFFA0] =	vst v11  }
0x139: {  	v58 =	vor.u32 v31, v54;
	v33 =	vor.u32 v37, v54;
	v11 =	vor.u32 $0x3, v31;
	v19 =	vld.idx.msk [tilespmem:v40+s26+$0x0], $0xffff;
	[tilespmem:s6+$0xFFFFFF90] =	vst v8  }
0x13a: {  	v59 =	vor.u32 v37, v27;
	v60 =	vor.u32 v29, v27;
	v8 =	vmov v46;
	v14 =	vld.idx.msk [tilespmem:v34+s26+$0x0], $0xffff;
	[tilespmem:s6+$0xFFFFFF80] =	vst v9  }
0x13b: {  	v62 =	vor.u32 v44, v36;
	v46 =	vor.u32 v24, v32;
	v61 =	vor.u32 v11, v27;
	[tilespmem:s6+$0xFFFFFFF0] =	vst v49  }
0x13c: {  	v34 =	vor.u32 v29, v54;
	v29 =	vor.u32 v11, v54;
	v9 =	vmov v39;
	v27 =	vld.idx.msk [tilespmem:v18+s26+$0x0], $0xffff;
	[tilespmem:s6+$0x40] =	vst v20  }
0x13d: {  	v37 =	vor.u32 v45, v36;
	v39 =	vor.u32 v42, v36;
	v11 =	vmov v53;
	v32 =	vld.idx.msk [tilespmem:v43+s26+$0x0], $0xffff;
	[tilespmem:s6+$0x30] =	vst v41  }
0x13e: {  	v40 =	vor.u32 v50, v51;
	v36 =	vor.u32 v44, v51;
	v18 =	vmov v55;
	v24 =	vld.idx.msk [tilespmem:v56+s26+$0x0], $0xffff;
	[tilespmem:s6+$0x60] =	vst v16  }
0x13f: {  	v31 =	vld.idx.msk [tilespmem:v52+s26+$0x0], $0xffff;
	[tilespmem:s6+$0x90] =	vst v12  }
0x140: {  	v12 =	vld.idx.msk [tilespmem:v62+s26+$0x0], $0xffff;
	[tilespmem:s6+$0x80] =	vst v48  }
0x141: {  	[tilespmem:s6+$0x70] =	vst v13;
	v13 =	vld.idx.msk [tilespmem:v29+s26+$0x0], $0xffff  }
0x142: {  	v16 =	vld.idx.msk [tilespmem:v61+s26+$0x0], $0xffff;
	[tilespmem:s6+$0xF0] =	vst v47  }
0x143: {  	v35 =	vld.idx.msk [tilespmem:v35+s26+$0x0], $0xffff;
	[tilespmem:s6+$0xA0] =	vst v25  }
.Ltmp4:
0x144: {  	v41 =	vld.idx.msk [tilespmem:v46+s26+$0x0], $0xffff;
	[tilespmem:s6+$0x50] =	vst v26;
	(pc) =	sbr.rel @p3 .LBB2_7-.Ltmp4, $4  }
0x145: {  	v20 =	vld.idx.msk [tilespmem:v60+s26+$0x0], $0xffff;
	[tilespmem:s6+$0xD0] =	vst v28  }
0x146: {  	v29 =	vld.idx.msk [tilespmem:v59+s26+$0x0], $0xffff;
	[tilespmem:s6+$0x10] =	vst v17;
	s6 =	smov.u32 s15  }
0x147: {  	v28 =	vld.idx.msk [tilespmem:v57+s26+$0x0], $0xffff  }
0x148: {  	s9 =	sadd.s32 $0x10, s9;
	s15 =	sadd.s32 $0x200, s15;
	v17 =	vld.idx.msk [tilespmem:v58+s26+$0x0], $0xffff  }
0x149: {  	_ =	sdelay $0x3  }
0x14a: {  	v25 =	vld.idx.msk [tilespmem:v38+s26+$0x0], $0xffff;
	[tilespmem:s6+$0xFFFFFF00] =	vst v30  }
0x14b: {  	[tilespmem:s6+$0xFFFFFF30] =	vst v41  }
0x14c: {  	[tilespmem:s6+$0xFFFFFF40] =	vst v21  }
0x14d: {  	[tilespmem:s6+$0xFFFFFF50] =	vst v32  }
0x14e: {  	[tilespmem:s6+$0xFFFFFF10] =	vst v27  }
0x14f: {  	v22 =	vld.idx.msk [tilespmem:v22+s26+$0x0], $0xffff;
	[tilespmem:s6+$0xFFFFFFE0] =	vst v31  }
0x150: {  	[tilespmem:s6+$0xFFFFFFD0] =	vst v15  }
0x151: {  	[tilespmem:s6+$0xFFFFFF20] =	vst v24  }
0x152: {  	[tilespmem:s6+$0xFFFFFFC0] =	vst v10  }
0x153: {  	[tilespmem:s6+$0xFFFFFFB0] =	vst v18  }
0x154: {  	v26 =	vld.idx.msk [tilespmem:v40+s26+$0x0], $0xffff;
	[tilespmem:s6+$0xFFFFFFA0] =	vst v11  }
0x155: {  	v21 =	vld.idx.msk [tilespmem:v39+s26+$0x0], $0xffff;
	[tilespmem:s6+$0xFFFFFF90] =	vst v8  }
0x156: {  	v27 =	vld.idx.msk [tilespmem:v36+s26+$0x0], $0xffff;
	[tilespmem:s6+$0xFFFFFF80] =	vst v9  }
0x157: {  	v15 =	vld.idx.msk [tilespmem:v23+s26+$0x0], $0xffff;
	[tilespmem:s6+$0xFFFFFF60] =	vst v28  }
0x158: {  	v28 =	vld.idx.msk [tilespmem:v37+s26+$0x0], $0xffff;
	[tilespmem:s6+$0xB0] =	vst v35  }
0x159: {  	v23 =	vld.idx.msk [tilespmem:v33+s26+$0x0], $0xffff;
	[tilespmem:s6+$0xE0] =	vst v19  }
0x15a: {  	v19 =	vld.idx.msk [tilespmem:v34+s26+$0x0], $0xffff;
	[tilespmem:s6+$0x20] =	vst v29  }
0x15b: {  	[tilespmem:s6+$0xC0] =	vst v14  }
0x15c: {  	[tilespmem:s6+$0x40] =	vst v20  }
0x15d: {  	[tilespmem:s6+$0x60] =	vst v16  }
0x15e: {  	[tilespmem:s6+$0x90] =	vst v12  }
0x15f: {  	[tilespmem:s6+$0x70] =	vst v13  }
0x160: {  	[tilespmem:s6+$0x10] =	vst v17  }
0x161: {  	[tilespmem:s6+$0xFFFFFF70] =	vst v25  }
0x162: {  	[tilespmem:s6+$0x0] =	vst v15  }
0x163: {  	[tilespmem:s6+$0xFFFFFFF0] =	vst v22  }
0x164: {  	[tilespmem:s6+$0x30] =	vst v23  }
0x165: {  	[tilespmem:s6+$0x80] =	vst v27  }
0x166: {  	[tilespmem:s6+$0xA0] =	vst v26  }
0x167: {  	[tilespmem:s6+$0xD0] =	vst v21  }
0x168: {  	[tilespmem:s6+$0xF0] =	vst v28  }
0x169: {  	s5 =	sadd.s32 $0x20000, s22;
	s7 =	simm.s32 $0x4;
	s9 =	simm.s32 @!p2 $0x8000;
	[tilespmem:s6+$0x50] =	vst v19  }
0x16a: {  	v8 =	vmov s7;
	[hbm4b:s5+s4] =	stream.linear.scatter [tilespmem:s30], [sflag:$0x5], $0x4000, $0x38;
	[tilespmem:$0x18000] =	vst v63  }
0x16b: {  	s7 =	simm.s32 @!p2 $0x7A1400;
	v9 =	vshll.u32 v8, $0x3;
	s6 =	sadd.s32 @!p2 s21, s13;
	s5 =	simm.s32 @!p2 $0x1000  }
0x16c: {  	v9 =	vand.u32 $0xC00, v9;
	[tilespmem:s9], [sflag:$0x3] =	stream.strided.gather @!p2 [hbm4b:s6+s5], $0x4000, s7, s5, $0x38;
	[tilespmem:$0x18000] =	vst v63  }
0x16d: {  	v12 =	vand.u32 $0x74, v8;
	v17 =	vor.u32 v1, v9;
	v13 =	vor.u32 v0, v9;
	_ =	swait.ge [sflag:s16], $0x4000  }
0x16e: {  	s15 =	simm.s32 $0xC;
	v11 =	vor.u32 $0x1, v12;
	v56 =	vor.u32 $0x3, v12;
	v8 =	vor.u32 v12, v17;
	[sflag:s16] =	ssyncset.done $0x0  }
0x16f: {  	v10 =	vor.u32 v12, v13;
	v15 =	vmov s15;
	v16 =	vor.u32 v11, v13;
	s9 =	simm.s32 $0x0;
	[sflag:s16] =	ssyncadd.s32 $0xFFFFC000  }
0x170: {  	v18 =	vor.u32 v11, v17;
	v11 =	vshll.u32 v15, $0x3;
	v9 =	vmov s9;
	_ =	swait.ge [sflag:s17], $0x4000  }
0x171: {  	v14 =	vshll.u32 v9, $0x3;
	v20 =	vand.u32 $0x70, v9;
	v9 =	vor.u32 $0x2, v12;
	[sflag:s17] =	ssyncset.done $0x0  }
0x172: {  	v25 =	vand.u32 $0x7C, v15;
	v24 =	vand.u32 $0xC00, v11;
	v21 =	vor.u32 v9, v13;
	[sflag:s17] =	ssyncadd.s32 $0xFFFFC000  }
0x173: {  	v55 =	vor.u32 v0, v24;
	v28 =	vor.u32 $0x2, v25;
	v23 =	vor.u32 v9, v17;
	v8 =	vld.idx.msk [tilespmem:v8+s28+$0x0], $0xffff  }
0x174: {  	v19 =	vor.u32 $0x2, v20;
	v14 =	vand.u32 $0xC00, v14;
	v13 =	vor.u32 v56, v13;
	v9 =	vld.idx.msk [tilespmem:v10+s28+$0x0], $0xffff  }
0x175: {  	v22 =	vor.u32 v0, v14;
	v29 =	vor.u32 v1, v14;
	v14 =	vor.u32 v28, v55;
	v11 =	vld.idx.msk [tilespmem:v16+s28+$0x0], $0xffff  }
0x176: {  	v31 =	vor.u32 $0x1, v20;
	v26 =	vor.u32 v19, v22;
	v18 =	vld.idx.msk [tilespmem:v18+s28+$0x0], $0xffff  }
0x177: {  	v43 =	vor.u32 v31, v29;
	v10 =	vld.idx.msk [tilespmem:v21+s28+$0x0], $0xffff  }
0x178: {  	v46 =	vor.u32 $0x3, v20;
	v16 =	vor.u32 v20, v22;
	v15 =	vld.idx.msk [tilespmem:v23+s28+$0x0], $0xffff  }
0x179: {  	v54 =	vor.u32 $0x3, v25;
	v57 =	vor.u32 v31, v22;
	v48 =	vor.u32 v46, v22;
	v31 =	vld.idx.msk [tilespmem:v13+s28+$0x0], $0xffff  }
0x17a: {  	s19 =	simm.s32 $0x8;
	v27 =	vor.u32 v54, v55;
	v14 =	vld.idx.msk [tilespmem:v14+s28+$0x0], $0xffff  }
0x17b: {  	v58 =	vor.u32 v1, v24;
	v12 =	vor.u32 v20, v29;
	v23 =	vmov s19;
	v21 =	vld.idx.msk [tilespmem:v26+s28+$0x0], $0xffff  }
0x17c: {  	v60 =	vor.u32 v25, v58;
	v26 =	vor.u32 v19, v29;
	v19 =	vshll.u32 v23, $0x3;
	v41 =	vld.idx.msk [tilespmem:v43+s28+$0x0], $0xffff  }
0x17d: {  	v23 =	vand.u32 $0x78, v23;
	v30 =	vld.idx.msk [tilespmem:v16+s28+$0x0], $0xffff;
	v16 =	vand.u32 $0xC00, v19  }
0x17e: {  	v39 =	vor.u32 v28, v58;
	v28 =	vld.idx.msk [tilespmem:v48+s28+$0x0], $0xffff;
	v24 =	vor.u32 $0x3, v23;
	v59 =	vor.u32 v1, v16  }
0x17f: {  	v19 =	vld.idx.msk [tilespmem:v27+s28+$0x0], $0xffff;
	v61 =	vor.u32 v0, v16;
	v16 =	vor.u32 v24, v59  }
0x180: {  	v63 =	vor.u32 $0x2, v23;
	v27 =	vld.idx.msk [tilespmem:v12+s28+$0x0], $0xffff;
	v62 =	vor.u32 v24, v61  }
0x181: {  	v44 =	vor.u32 $0x1, v23;
	v12 =	vld.idx.msk [tilespmem:v60+s28+$0x0], $0xffff;
	v45 =	vor.u32 v63, v61  }
0x182: {  	v24 =	vld.idx.msk [tilespmem:v57+s28+$0x0], $0xffff;
	v47 =	vor.u32 v44, v61  }
0x183: {  	v42 =	vor.u32 $0x1, v25;
	v49 =	vor.u32 v23, v59;
	v32 =	vld.idx.msk [tilespmem:v26+s28+$0x0], $0xffff  }
0x184: {  	v26 =	vor.u32 v42, v58;
	v13 =	vld.idx.msk [tilespmem:v16+s28+$0x0], $0xffff  }
0x185: {  	v38 =	vor.u32 v46, v29;
	v16 =	vld.idx.msk [tilespmem:v62+s28+$0x0], $0xffff  }
0x186: {  	v40 =	vor.u32 v42, v55;
	v20 =	vld.idx.msk [tilespmem:v45+s28+$0x0], $0xffff  }
0x187: {  	v33 =	vor.u32 v44, v59;
	v29 =	vld.idx.msk [tilespmem:v47+s28+$0x0], $0xffff  }
0x188: {  	s15 =	simm.s32 $0x14300;
	v22 =	vor.u32 v56, v17;
	v34 =	vor.u32 v63, v59;
	v17 =	vld.idx.msk [tilespmem:v49+s28+$0x0], $0xffff  }
0x189: {  	v37 =	vor.u32 v54, v58;
	v36 =	vor.u32 v25, v55;
	s6 =	simm.s32 $0x14100;
	s7 =	simm.s32 $0x0;
	s9 =	simm.s32 $0x10;
	v23 =	vor.u32 v23, v61;
	v35 =	vld.idx.msk [tilespmem:v26+s28+$0x0], $0xffff  }
.LBB2_9:
0x18a: {  	v26 =	vmov s9;
	s5 =	sadd.s32 $0x4, s9;
	s19 =	sadd.s32 $0xC, s9;
	s7 =	sadd.s32 $0x4, s7;
	v38 =	vld.idx.msk [tilespmem:v38+s28+$0x0], $0xffff  }
0x18b: {  	v42 =	vshll.u32 v26, $0x3;
	v43 =	vmov s5;
	v44 =	vmov s19;
	p3 =	slt.u32 s7, $0x7C;
	[tilespmem:s6+$0xFFFFFF00] =	vst v30;
	v25 =	vld.idx.msk [tilespmem:v40+s28+$0x0], $0xffff  }
0x18c: {  	v30 =	vand.u32 $0x70, v26;
	v40 =	vand.u32 $0x74, v43;
	v26 =	vshll.u32 v43, $0x3;
	[tilespmem:s6+$0xFFFFFF30] =	vst v41;
	v41 =	vld.idx.msk [tilespmem:v33+s28+$0x0], $0xffff  }
0x18d: {  	v33 =	vor.u32 $0x2, v30;
	v45 =	vshll.u32 v44, $0x3;
	v43 =	vand.u32 $0xC00, v26;
	[tilespmem:s6+$0xFFFFFF40] =	vst v21;
	v26 =	vld.idx.msk [tilespmem:v34+s28+$0x0], $0xffff  }
0x18e: {  	v21 =	vor.u32 v0, v43;
	v34 =	vor.u32 v1, v43;
	v43 =	vor.u32 $0x3, v40;
	[tilespmem:s6+$0xFFFFFF60] =	vst v28;
	v28 =	vld.idx.msk [tilespmem:v39+s28+$0x0], $0xffff  }
0x18f: {  	v44 =	vand.u32 $0x7C, v44;
	v39 =	vor.u32 v40, v21;
	v46 =	vor.u32 v40, v34;
	[tilespmem:s6+$0xFFFFFF50] =	vst v32;
	v47 =	vld.idx.msk [tilespmem:v37+s28+$0x0], $0xffff  }
0x190: {  	v32 =	vand.u32 $0xC00, v42;
	v37 =	vor.u32 $0x1, v40;
	v42 =	vor.u32 $0x2, v44;
	[tilespmem:s6+$0xFFFFFF10] =	vst v27;
	v48 =	vld.idx.msk [tilespmem:v36+s28+$0x0], $0xffff  }
0x191: {  	v27 =	vor.u32 v37, v21;
	v36 =	vand.u32 $0xC00, v45;
	v45 =	vor.u32 $0x3, v44;
	v49 =	vld.idx.msk [tilespmem:v22+s28+$0x0], $0xffff;
	[tilespmem:s6+$0xB0] =	vst v35  }
0x192: {  	s5 =	sadd.s32 $0x8, s9;
	v35 =	vor.u32 v0, v32;
	v22 =	vor.u32 v37, v34;
	v37 =	vor.u32 $0x2, v40;
	[tilespmem:s6+$0xFFFFFFE0] =	vst v31;
	v23 =	vld.idx.msk [tilespmem:v23+s28+$0x0], $0xffff  }
0x193: {  	v50 =	vor.u32 $0x1, v44;
	v40 =	vmov s5;
	v31 =	vor.u32 v37, v21;
	[tilespmem:s6+$0xFFFFFF70] =	vst v38  }
0x194: {  	v37 =	vor.u32 v37, v34;
	v51 =	vshll.u32 v40, $0x3;
	v38 =	vor.u32 v33, v35;
	v46 =	vld.idx.msk [tilespmem:v46+s28+$0x0], $0xffff;
	[tilespmem:s6+$0xFFFFFFD0] =	vst v15  }
0x195: {  	v52 =	vor.u32 v43, v21;
	v15 =	vand.u32 $0xC00, v51;
	v51 =	vor.u32 v0, v36;
	v39 =	vld.idx.msk [tilespmem:v39+s28+$0x0], $0xffff;
	[tilespmem:s6+$0xFFFFFF20] =	vst v24  }
0x196: {  	v24 =	vor.u32 $0x1, v30;
	v54 =	vor.u32 v1, v15;
	v53 =	vld.idx.msk [tilespmem:v27+s28+$0x0], $0xffff;
	v27 =	vor.u32 v0, v15;
	[tilespmem:s6+$0xE0] =	vst v19  }
0x197: {  	v32 =	vor.u32 v1, v32;
	v19 =	vor.u32 v30, v35;
	v55 =	vld.idx.msk [tilespmem:v22+s28+$0x0], $0xffff;
	[tilespmem:s6+$0xFFFFFFC0] =	vst v10  }
0x198: {  	v56 =	vor.u32 v24, v35;
	v10 =	vld.idx.msk [tilespmem:v31+s28+$0x0], $0xffff;
	v31 =	vand.u32 $0x78, v40;
	v40 =	vor.u32 v45, v51;
	[tilespmem:s6+$0x20] =	vst v29  }
0x199: {  	v22 =	vor.u32 v43, v34;
	v34 =	vor.u32 v42, v51;
	v29 =	vor.u32 $0x3, v30;
	v15 =	vld.idx.msk [tilespmem:v37+s28+$0x0], $0xffff;
	[tilespmem:s6+$0xFFFFFFB0] =	vst v18  }
0x19a: {  	v36 =	vor.u32 v1, v36;
	v18 =	vor.u32 v30, v32;
	v37 =	vor.u32 $0x1, v31;
	v21 =	vld.idx.msk [tilespmem:v38+s28+$0x0], $0xffff;
	[tilespmem:s6+$0x0] =	vst v23  }
0x19b: {  	v43 =	vor.u32 v33, v32;
	v57 =	vor.u32 v29, v35;
	v23 =	vor.u32 v31, v27;
	[tilespmem:s6+$0xC0] =	vst v14  }
0x19c: {  	v35 =	vor.u32 v50, v36;
	v38 =	vor.u32 v29, v32;
	v29 =	vor.u32 $0x2, v31;
	v30 =	vld.idx.msk [tilespmem:v19+s28+$0x0], $0xffff;
	[tilespmem:s6+$0xFFFFFFA0] =	vst v11  }
0x19d: {  	v58 =	vor.u32 v31, v54;
	v33 =	vor.u32 v37, v54;
	v11 =	vor.u32 $0x3, v31;
	v19 =	vld.idx.msk [tilespmem:v40+s28+$0x0], $0xffff;
	[tilespmem:s6+$0xFFFFFF90] =	vst v8  }
0x19e: {  	v59 =	vor.u32 v37, v27;
	v60 =	vor.u32 v29, v27;
	v8 =	vmov v46;
	v14 =	vld.idx.msk [tilespmem:v34+s28+$0x0], $0xffff;
	[tilespmem:s6+$0xFFFFFF80] =	vst v9  }
0x19f: {  	v62 =	vor.u32 v44, v36;
	v46 =	vor.u32 v24, v32;
	v61 =	vor.u32 v11, v27;
	[tilespmem:s6+$0xFFFFFFF0] =	vst v49  }
0x1a0: {  	v34 =	vor.u32 v29, v54;
	v29 =	vor.u32 v11, v54;
	v9 =	vmov v39;
	v27 =	vld.idx.msk [tilespmem:v18+s28+$0x0], $0xffff;
	[tilespmem:s6+$0x40] =	vst v20  }
0x1a1: {  	v37 =	vor.u32 v45, v36;
	v39 =	vor.u32 v42, v36;
	v11 =	vmov v53;
	v32 =	vld.idx.msk [tilespmem:v43+s28+$0x0], $0xffff;
	[tilespmem:s6+$0x30] =	vst v41  }
0x1a2: {  	v40 =	vor.u32 v50, v51;
	v36 =	vor.u32 v44, v51;
	v18 =	vmov v55;
	v24 =	vld.idx.msk [tilespmem:v56+s28+$0x0], $0xffff;
	[tilespmem:s6+$0x60] =	vst v16  }
0x1a3: {  	v31 =	vld.idx.msk [tilespmem:v52+s28+$0x0], $0xffff;
	[tilespmem:s6+$0x90] =	vst v12  }
0x1a4: {  	v12 =	vld.idx.msk [tilespmem:v62+s28+$0x0], $0xffff;
	[tilespmem:s6+$0x80] =	vst v48  }
0x1a5: {  	[tilespmem:s6+$0x70] =	vst v13;
	v13 =	vld.idx.msk [tilespmem:v29+s28+$0x0], $0xffff  }
0x1a6: {  	v16 =	vld.idx.msk [tilespmem:v61+s28+$0x0], $0xffff;
	[tilespmem:s6+$0xF0] =	vst v47  }
0x1a7: {  	v35 =	vld.idx.msk [tilespmem:v35+s28+$0x0], $0xffff;
	[tilespmem:s6+$0xA0] =	vst v25  }
.Ltmp5:
0x1a8: {  	v41 =	vld.idx.msk [tilespmem:v46+s28+$0x0], $0xffff;
	[tilespmem:s6+$0x50] =	vst v26;
	(pc) =	sbr.rel @p3 .LBB2_9-.Ltmp5, $4  }
0x1a9: {  	v20 =	vld.idx.msk [tilespmem:v60+s28+$0x0], $0xffff;
	[tilespmem:s6+$0xD0] =	vst v28  }
0x1aa: {  	v29 =	vld.idx.msk [tilespmem:v59+s28+$0x0], $0xffff;
	[tilespmem:s6+$0x10] =	vst v17;
	s6 =	smov.u32 s15  }
0x1ab: {  	v28 =	vld.idx.msk [tilespmem:v57+s28+$0x0], $0xffff  }
0x1ac: {  	s9 =	sadd.s32 $0x10, s9;
	s15 =	sadd.s32 $0x200, s15;
	v17 =	vld.idx.msk [tilespmem:v58+s28+$0x0], $0xffff  }
0x1ad: {  	_ =	sdelay $0x3  }
0x1ae: {  	v25 =	vld.idx.msk [tilespmem:v38+s28+$0x0], $0xffff;
	[tilespmem:s6+$0xFFFFFF00] =	vst v30  }
0x1af: {  	[tilespmem:s6+$0xFFFFFF30] =	vst v41  }
0x1b0: {  	v26 =	vld.idx.msk [tilespmem:v40+s28+$0x0], $0xffff;
	[tilespmem:s6+$0xFFFFFF40] =	vst v21  }
0x1b1: {  	v58 =	vld.idx.msk [tilespmem:v39+s28+$0x0], $0xffff;
	[tilespmem:s6+$0xFFFFFF50] =	vst v32  }
0x1b2: {  	v59 =	vld.idx.msk [tilespmem:v37+s28+$0x0], $0xffff;
	[tilespmem:s6+$0xFFFFFF10] =	vst v27  }
0x1b3: {  	v60 =	vld.idx.msk [tilespmem:v36+s28+$0x0], $0xffff;
	[tilespmem:s6+$0xB0] =	vst v35  }
0x1b4: {  	v22 =	vld.idx.msk [tilespmem:v22+s28+$0x0], $0xffff;
	[tilespmem:s6+$0xFFFFFFE0] =	vst v31  }
0x1b5: {  	[tilespmem:s6+$0xFFFFFFD0] =	vst v15  }
0x1b6: {  	[tilespmem:s6+$0xFFFFFF20] =	vst v24  }
0x1b7: {  	[tilespmem:s6+$0xE0] =	vst v19  }
0x1b8: {  	[tilespmem:s6+$0xFFFFFFC0] =	vst v10  }
0x1b9: {  	[tilespmem:s6+$0xFFFFFFB0] =	vst v18  }
0x1ba: {  	[tilespmem:s6+$0xC0] =	vst v14  }
0x1bb: {  	[tilespmem:s6+$0xFFFFFFA0] =	vst v11  }
0x1bc: {  	v61 =	vld.idx.msk [tilespmem:v23+s28+$0x0], $0xffff;
	[tilespmem:s6+$0xFFFFFF90] =	vst v8  }
0x1bd: {  	v62 =	vld.idx.msk [tilespmem:v33+s28+$0x0], $0xffff;
	[tilespmem:s6+$0xFFFFFF80] =	vst v9  }
0x1be: {  	v63 =	vld.idx.msk [tilespmem:v34+s28+$0x0], $0xffff;
	[tilespmem:s6+$0x60] =	vst v16  }
0x1bf: {  	[tilespmem:s6+$0x90] =	vst v12  }
0x1c0: {  	[tilespmem:s6+$0x70] =	vst v13  }
0x1c1: {  	[tilespmem:s6+$0x40] =	vst v20  }
0x1c2: {  	[tilespmem:s6+$0x20] =	vst v29  }
0x1c3: {  	[tilespmem:s6+$0xFFFFFF60] =	vst v28  }
0x1c4: {  	[tilespmem:s6+$0x10] =	vst v17  }
0x1c5: {  	[tilespmem:s6+$0xFFFFFF70] =	vst v25  }
0x1c6: {  	[tilespmem:s6+$0x0] =	vst v61  }
0x1c7: {  	[tilespmem:s6+$0xFFFFFFF0] =	vst v22  }
0x1c8: {  	[tilespmem:s6+$0x30] =	vst v62  }
0x1c9: {  	[tilespmem:s6+$0x80] =	vst v60  }
.Ltmp6:
0x1ca: {  	[tilespmem:s6+$0xF0] =	vst v59;
	(pc) =	sbr.rel @p2 .LBB2_12-.Ltmp6, $4  }
0x1cb: {  	[tilespmem:s6+$0xA0] =	vst v26  }
0x1cc: {  	[tilespmem:s6+$0x50] =	vst v63  }
0x1cd: {  	s5 =	sadd.s32 $0x30000, s22;
	[tilespmem:s6+$0xD0] =	vst v58  }
0x1ce: {  	[hbm4b:s5+s4] =	stream.linear.scatter [tilespmem:s2], [sflag:$0x6], $0x4000, $0x38;
	[tilespmem:$0x18000] =	vst v63  }
.Ltmp7:
0x1cf: {  	(pc) =	sbr.rel .LBB2_2-.Ltmp7, $3  }
0x1d0: {  	_ =	sdelay $0x1  }
0x1d1: {  	s5 =	sadd.s32 s21, s14;
	s20 =	sadd.s32 $0x1, s20  }
0x1d2: {  	[tilespmem:s28], [sflag:$0x4] =	stream.strided.gather [hbm4b:s5+s23], $0x4000, s24, s23, $0x38;
	[tilespmem:$0x18000] =	vst v63  }
.LBB2_12:
0x1d3: {  	s5 =	simm.s32 $0x4  }
0x1d4: {  	v8 =	vmov s5  }
0x1d5: {  	v9 =	vshll.u32 v8, $0x3  }
0x1d6: {  	v9 =	vand.u32 $0xC00, v9  }
0x1d7: {  	_ =	swait.ge [sflag:s29], $0x4000;
	s21 =	simm.s32 $0xC;
	v12 =	vand.u32 $0x74, v8;
	v17 =	vor.u32 v1, v9  }
0x1d8: {  	s20 =	simm.s32 $0x0;
	[sflag:s29] =	ssyncset.done $0x0;
	v15 =	vmov s21;
	v13 =	vor.u32 v0, v9;
	v8 =	vor.u32 v12, v17  }
0x1d9: {  	[sflag:s29] =	ssyncadd.s32 $0xFFFFC000;
	v11 =	vor.u32 $0x1, v12;
	v9 =	vmov s20;
	v10 =	vor.u32 v12, v13  }
0x1da: {  	v25 =	vand.u32 $0x7C, v15;
	_ =	swait.ge [sflag:s0], $0x4000;
	v14 =	vshll.u32 v9, $0x3;
	v16 =	vor.u32 v11, v13  }
0x1db: {  	[sflag:s0] =	ssyncset.done $0x0;
	v20 =	vand.u32 $0x70, v9;
	v18 =	vor.u32 v11, v17;
	v9 =	vor.u32 $0x2, v12  }
0x1dc: {  	v33 =	vor.u32 $0x3, v12;
	[sflag:s0] =	ssyncadd.s32 $0xFFFFC000;
	v11 =	vshll.u32 v15, $0x3;
	v21 =	vor.u32 v9, v13  }
0x1dd: {  	v19 =	vor.u32 $0x2, v20;
	v14 =	vand.u32 $0xC00, v14;
	v23 =	vor.u32 v9, v17;
	v8 =	vld.idx.msk [tilespmem:v8+s4+$0x0], $0xffff  }
0x1de: {  	v24 =	vand.u32 $0xC00, v11;
	v13 =	vor.u32 v33, v13;
	v22 =	vor.u32 v0, v14;
	v9 =	vld.idx.msk [tilespmem:v10+s4+$0x0], $0xffff  }
0x1df: {  	v28 =	vor.u32 $0x2, v25;
	v40 =	vor.u32 v0, v24;
	v26 =	vor.u32 v19, v22;
	v11 =	vld.idx.msk [tilespmem:v16+s4+$0x0], $0xffff  }
0x1e0: {  	v29 =	vor.u32 v1, v14;
	v14 =	vor.u32 v28, v40;
	v18 =	vld.idx.msk [tilespmem:v18+s4+$0x0], $0xffff  }
0x1e1: {  	v36 =	vor.u32 $0x3, v25;
	v16 =	vor.u32 v20, v22;
	v10 =	vld.idx.msk [tilespmem:v21+s4+$0x0], $0xffff  }
0x1e2: {  	v31 =	vor.u32 $0x1, v20;
	v37 =	vor.u32 v1, v24;
	v27 =	vor.u32 v36, v40;
	v15 =	vld.idx.msk [tilespmem:v23+s4+$0x0], $0xffff  }
0x1e3: {  	s22 =	simm.s32 $0x8;
	v12 =	vor.u32 v20, v29;
	v34 =	vor.u32 v31, v22;
	v43 =	vor.u32 v31, v29;
	v31 =	vld.idx.msk [tilespmem:v13+s4+$0x0], $0xffff  }
0x1e4: {  	v35 =	vor.u32 v25, v37;
	v23 =	vmov s22;
	v21 =	vld.idx.msk [tilespmem:v26+s4+$0x0], $0xffff  }
0x1e5: {  	v46 =	vor.u32 $0x3, v20;
	v26 =	vor.u32 v19, v29;
	v19 =	vshll.u32 v23, $0x3;
	v14 =	vld.idx.msk [tilespmem:v14+s4+$0x0], $0xffff  }
0x1e6: {  	v48 =	vor.u32 v46, v22;
	v23 =	vand.u32 $0x78, v23;
	v30 =	vld.idx.msk [tilespmem:v16+s4+$0x0], $0xffff;
	v16 =	vand.u32 $0xC00, v19  }
0x1e7: {  	v24 =	vor.u32 $0x3, v23;
	v19 =	vld.idx.msk [tilespmem:v27+s4+$0x0], $0xffff;
	v39 =	vor.u32 v1, v16  }
0x1e8: {  	v27 =	vld.idx.msk [tilespmem:v12+s4+$0x0], $0xffff;
	v38 =	vor.u32 v0, v16;
	v16 =	vor.u32 v24, v39  }
0x1e9: {  	v22 =	vor.u32 v33, v17;
	v63 =	vor.u32 $0x2, v23;
	v12 =	vld.idx.msk [tilespmem:v35+s4+$0x0], $0xffff;
	v41 =	vor.u32 v24, v38  }
0x1ea: {  	v44 =	vor.u32 $0x1, v23;
	v24 =	vld.idx.msk [tilespmem:v34+s4+$0x0], $0xffff;
	v45 =	vor.u32 v63, v38;
	v49 =	vor.u32 v23, v39  }
0x1eb: {  	v33 =	vor.u32 v44, v39;
	v34 =	vor.u32 v63, v39;
	v39 =	vor.u32 v28, v37;
	v28 =	vld.idx.msk [tilespmem:v48+s4+$0x0], $0xffff  }
0x1ec: {  	v47 =	vor.u32 v44, v38;
	v32 =	vld.idx.msk [tilespmem:v26+s4+$0x0], $0xffff  }
0x1ed: {  	v42 =	vor.u32 $0x1, v25;
	v13 =	vld.idx.msk [tilespmem:v16+s4+$0x0], $0xffff  }
0x1ee: {  	v26 =	vor.u32 v42, v37;
	v16 =	vld.idx.msk [tilespmem:v41+s4+$0x0], $0xffff  }
0x1ef: {  	v23 =	vor.u32 v23, v38;
	v38 =	vor.u32 v46, v29;
	v41 =	vld.idx.msk [tilespmem:v43+s4+$0x0], $0xffff  }
0x1f0: {  	v37 =	vor.u32 v36, v37;
	v36 =	vor.u32 v25, v40;
	v40 =	vor.u32 v42, v40;
	v20 =	vld.idx.msk [tilespmem:v45+s4+$0x0], $0xffff  }
0x1f1: {  	v29 =	vld.idx.msk [tilespmem:v47+s4+$0x0], $0xffff  }
0x1f2: {  	s6 =	simm.s32 $0x10100;
	v17 =	vld.idx.msk [tilespmem:v49+s4+$0x0], $0xffff  }
0x1f3: {  	s7 =	simm.s32 $0x0;
	s9 =	simm.s32 $0x10;
	s15 =	simm.s32 $0x10300;
	v35 =	vld.idx.msk [tilespmem:v26+s4+$0x0], $0xffff  }
.LBB2_13:
0x1f4: {  	v26 =	vmov s9;
	s5 =	sadd.s32 $0x4, s9;
	s19 =	sadd.s32 $0xC, s9;
	s7 =	sadd.s32 $0x4, s7;
	v38 =	vld.idx.msk [tilespmem:v38+s4+$0x0], $0xffff  }
0x1f5: {  	v42 =	vshll.u32 v26, $0x3;
	v43 =	vmov s5;
	v44 =	vmov s19;
	p2 =	slt.u32 s7, $0x7C;
	[tilespmem:s6+$0xFFFFFF00] =	vst v30;
	v25 =	vld.idx.msk [tilespmem:v40+s4+$0x0], $0xffff  }
0x1f6: {  	v30 =	vand.u32 $0x70, v26;
	v40 =	vand.u32 $0x74, v43;
	v26 =	vshll.u32 v43, $0x3;
	[tilespmem:s6+$0xFFFFFF30] =	vst v41;
	v41 =	vld.idx.msk [tilespmem:v33+s4+$0x0], $0xffff  }
0x1f7: {  	v33 =	vor.u32 $0x2, v30;
	v45 =	vshll.u32 v44, $0x3;
	v43 =	vand.u32 $0xC00, v26;
	[tilespmem:s6+$0xFFFFFF40] =	vst v21;
	v26 =	vld.idx.msk [tilespmem:v34+s4+$0x0], $0xffff  }
0x1f8: {  	v21 =	vor.u32 v0, v43;
	v34 =	vor.u32 v1, v43;
	v43 =	vor.u32 $0x3, v40;
	[tilespmem:s6+$0xFFFFFF60] =	vst v28;
	v28 =	vld.idx.msk [tilespmem:v39+s4+$0x0], $0xffff  }
0x1f9: {  	v44 =	vand.u32 $0x7C, v44;
	v39 =	vor.u32 v40, v21;
	v46 =	vor.u32 v40, v34;
	[tilespmem:s6+$0xFFFFFF50] =	vst v32;
	v47 =	vld.idx.msk [tilespmem:v37+s4+$0x0], $0xffff  }
0x1fa: {  	v32 =	vand.u32 $0xC00, v42;
	v37 =	vor.u32 $0x1, v40;
	v42 =	vor.u32 $0x2, v44;
	[tilespmem:s6+$0xFFFFFF10] =	vst v27;
	v48 =	vld.idx.msk [tilespmem:v36+s4+$0x0], $0xffff  }
0x1fb: {  	v27 =	vor.u32 v37, v21;
	v36 =	vand.u32 $0xC00, v45;
	v45 =	vor.u32 $0x3, v44;
	v49 =	vld.idx.msk [tilespmem:v22+s4+$0x0], $0xffff;
	[tilespmem:s6+$0xB0] =	vst v35  }
0x1fc: {  	s5 =	sadd.s32 $0x8, s9;
	v35 =	vor.u32 v0, v32;
	v22 =	vor.u32 v37, v34;
	v37 =	vor.u32 $0x2, v40;
	[tilespmem:s6+$0xFFFFFFE0] =	vst v31;
	v23 =	vld.idx.msk [tilespmem:v23+s4+$0x0], $0xffff  }
0x1fd: {  	v50 =	vor.u32 $0x1, v44;
	v40 =	vmov s5;
	v31 =	vor.u32 v37, v21;
	[tilespmem:s6+$0xFFFFFF70] =	vst v38  }
0x1fe: {  	v37 =	vor.u32 v37, v34;
	v51 =	vshll.u32 v40, $0x3;
	v38 =	vor.u32 v33, v35;
	v46 =	vld.idx.msk [tilespmem:v46+s4+$0x0], $0xffff;
	[tilespmem:s6+$0xFFFFFFD0] =	vst v15  }
0x1ff: {  	v52 =	vor.u32 v43, v21;
	v15 =	vand.u32 $0xC00, v51;
	v51 =	vor.u32 v0, v36;
	v39 =	vld.idx.msk [tilespmem:v39+s4+$0x0], $0xffff;
	[tilespmem:s6+$0xFFFFFF20] =	vst v24  }
0x200: {  	v24 =	vor.u32 $0x1, v30;
	v54 =	vor.u32 v1, v15;
	v53 =	vld.idx.msk [tilespmem:v27+s4+$0x0], $0xffff;
	v27 =	vor.u32 v0, v15;
	[tilespmem:s6+$0xE0] =	vst v19  }
0x201: {  	v32 =	vor.u32 v1, v32;
	v19 =	vor.u32 v30, v35;
	v55 =	vld.idx.msk [tilespmem:v22+s4+$0x0], $0xffff;
	[tilespmem:s6+$0xFFFFFFC0] =	vst v10  }
0x202: {  	v56 =	vor.u32 v24, v35;
	v10 =	vld.idx.msk [tilespmem:v31+s4+$0x0], $0xffff;
	v31 =	vand.u32 $0x78, v40;
	v40 =	vor.u32 v45, v51;
	[tilespmem:s6+$0x20] =	vst v29  }
0x203: {  	v22 =	vor.u32 v43, v34;
	v34 =	vor.u32 v42, v51;
	v29 =	vor.u32 $0x3, v30;
	v15 =	vld.idx.msk [tilespmem:v37+s4+$0x0], $0xffff;
	[tilespmem:s6+$0xFFFFFFB0] =	vst v18  }
0x204: {  	v36 =	vor.u32 v1, v36;
	v18 =	vor.u32 v30, v32;
	v37 =	vor.u32 $0x1, v31;
	v21 =	vld.idx.msk [tilespmem:v38+s4+$0x0], $0xffff;
	[tilespmem:s6+$0x0] =	vst v23  }
0x205: {  	v43 =	vor.u32 v33, v32;
	v57 =	vor.u32 v29, v35;
	v23 =	vor.u32 v31, v27;
	[tilespmem:s6+$0xC0] =	vst v14  }
0x206: {  	v35 =	vor.u32 v50, v36;
	v38 =	vor.u32 v29, v32;
	v29 =	vor.u32 $0x2, v31;
	v30 =	vld.idx.msk [tilespmem:v19+s4+$0x0], $0xffff;
	[tilespmem:s6+$0xFFFFFFA0] =	vst v11  }
0x207: {  	v58 =	vor.u32 v31, v54;
	v33 =	vor.u32 v37, v54;
	v11 =	vor.u32 $0x3, v31;
	v19 =	vld.idx.msk [tilespmem:v40+s4+$0x0], $0xffff;
	[tilespmem:s6+$0xFFFFFF90] =	vst v8  }
0x208: {  	v59 =	vor.u32 v37, v27;
	v60 =	vor.u32 v29, v27;
	v8 =	vmov v46;
	v14 =	vld.idx.msk [tilespmem:v34+s4+$0x0], $0xffff;
	[tilespmem:s6+$0xFFFFFF80] =	vst v9  }
0x209: {  	v62 =	vor.u32 v44, v36;
	v46 =	vor.u32 v24, v32;
	v61 =	vor.u32 v11, v27;
	[tilespmem:s6+$0xFFFFFFF0] =	vst v49  }
0x20a: {  	v34 =	vor.u32 v29, v54;
	v29 =	vor.u32 v11, v54;
	v9 =	vmov v39;
	v27 =	vld.idx.msk [tilespmem:v18+s4+$0x0], $0xffff;
	[tilespmem:s6+$0x40] =	vst v20  }
0x20b: {  	v37 =	vor.u32 v45, v36;
	v39 =	vor.u32 v42, v36;
	v11 =	vmov v53;
	v32 =	vld.idx.msk [tilespmem:v43+s4+$0x0], $0xffff;
	[tilespmem:s6+$0x30] =	vst v41  }
0x20c: {  	v40 =	vor.u32 v50, v51;
	v36 =	vor.u32 v44, v51;
	v18 =	vmov v55;
	v24 =	vld.idx.msk [tilespmem:v56+s4+$0x0], $0xffff;
	[tilespmem:s6+$0x60] =	vst v16  }
0x20d: {  	v31 =	vld.idx.msk [tilespmem:v52+s4+$0x0], $0xffff;
	[tilespmem:s6+$0x90] =	vst v12  }
0x20e: {  	v12 =	vld.idx.msk [tilespmem:v62+s4+$0x0], $0xffff;
	[tilespmem:s6+$0x80] =	vst v48  }
0x20f: {  	[tilespmem:s6+$0x70] =	vst v13;
	v13 =	vld.idx.msk [tilespmem:v29+s4+$0x0], $0xffff  }
0x210: {  	v16 =	vld.idx.msk [tilespmem:v61+s4+$0x0], $0xffff;
	[tilespmem:s6+$0xF0] =	vst v47  }
0x211: {  	v35 =	vld.idx.msk [tilespmem:v35+s4+$0x0], $0xffff;
	[tilespmem:s6+$0xA0] =	vst v25  }
.Ltmp8:
0x212: {  	v41 =	vld.idx.msk [tilespmem:v46+s4+$0x0], $0xffff;
	[tilespmem:s6+$0x50] =	vst v26;
	(pc) =	sbr.rel @p2 .LBB2_13-.Ltmp8, $4  }
0x213: {  	v20 =	vld.idx.msk [tilespmem:v60+s4+$0x0], $0xffff;
	[tilespmem:s6+$0xD0] =	vst v28  }
0x214: {  	v29 =	vld.idx.msk [tilespmem:v59+s4+$0x0], $0xffff;
	[tilespmem:s6+$0x10] =	vst v17;
	s6 =	smov.u32 s15  }
0x215: {  	v28 =	vld.idx.msk [tilespmem:v57+s4+$0x0], $0xffff  }
0x216: {  	s9 =	sadd.s32 $0x10, s9;
	s15 =	sadd.s32 $0x200, s15;
	v17 =	vld.idx.msk [tilespmem:v58+s4+$0x0], $0xffff  }
0x217: {  	_ =	sdelay $0x3  }
0x218: {  	v25 =	vld.idx.msk [tilespmem:v38+s4+$0x0], $0xffff;
	[tilespmem:s6+$0xFFFFFF00] =	vst v30  }
0x219: {  	[tilespmem:s6+$0xFFFFFF30] =	vst v41  }
0x21a: {  	v26 =	vld.idx.msk [tilespmem:v40+s4+$0x0], $0xffff;
	[tilespmem:s6+$0xFFFFFF40] =	vst v21  }
0x21b: {  	v58 =	vld.idx.msk [tilespmem:v39+s4+$0x0], $0xffff;
	[tilespmem:s6+$0xFFFFFF50] =	vst v32  }
0x21c: {  	v59 =	vld.idx.msk [tilespmem:v37+s4+$0x0], $0xffff;
	[tilespmem:s6+$0xFFFFFF10] =	vst v27  }
0x21d: {  	v60 =	vld.idx.msk [tilespmem:v36+s4+$0x0], $0xffff;
	[tilespmem:s6+$0xB0] =	vst v35  }
0x21e: {  	v22 =	vld.idx.msk [tilespmem:v22+s4+$0x0], $0xffff;
	[tilespmem:s6+$0xFFFFFFE0] =	vst v31  }
0x21f: {  	[tilespmem:s6+$0xFFFFFFD0] =	vst v15  }
0x220: {  	[tilespmem:s6+$0xFFFFFF20] =	vst v24  }
0x221: {  	[tilespmem:s6+$0xE0] =	vst v19  }
0x222: {  	[tilespmem:s6+$0xFFFFFFC0] =	vst v10  }
0x223: {  	[tilespmem:s6+$0xFFFFFFB0] =	vst v18  }
0x224: {  	[tilespmem:s6+$0xC0] =	vst v14  }
0x225: {  	[tilespmem:s6+$0xFFFFFFA0] =	vst v11  }
0x226: {  	v61 =	vld.idx.msk [tilespmem:v23+s4+$0x0], $0xffff;
	[tilespmem:s6+$0xFFFFFF90] =	vst v8  }
0x227: {  	v62 =	vld.idx.msk [tilespmem:v33+s4+$0x0], $0xffff;
	[tilespmem:s6+$0xFFFFFF80] =	vst v9  }
0x228: {  	v63 =	vld.idx.msk [tilespmem:v34+s4+$0x0], $0xffff;
	[tilespmem:s6+$0x60] =	vst v16  }
0x229: {  	[tilespmem:s6+$0x90] =	vst v12  }
0x22a: {  	[tilespmem:s6+$0x70] =	vst v13  }
0x22b: {  	[tilespmem:s6+$0x40] =	vst v20  }
0x22c: {  	[tilespmem:s6+$0x20] =	vst v29  }
0x22d: {  	[tilespmem:s6+$0xFFFFFF60] =	vst v28  }
0x22e: {  	[tilespmem:s6+$0x10] =	vst v17  }
0x22f: {  	[tilespmem:s6+$0xFFFFFF70] =	vst v25  }
0x230: {  	[tilespmem:s6+$0x0] =	vst v61  }
0x231: {  	[tilespmem:s6+$0xFFFFFFF0] =	vst v22  }
0x232: {  	[tilespmem:s6+$0x30] =	vst v62  }
0x233: {  	[tilespmem:s6+$0x80] =	vst v60  }
0x234: {  	[tilespmem:s6+$0xF0] =	vst v59  }
0x235: {  	[tilespmem:s6+$0xA0] =	vst v26  }
0x236: {  	[tilespmem:s6+$0x50] =	vst v63  }
0x237: {  	[tilespmem:s6+$0xD0] =	vst v58  }
0x238: {  	s5 =	rddreg [dreg:$0x8]  }
0x239: {  	[hbm4b:s5+s4] =	stream.linear.scatter [tilespmem:s30], [sflag:$0x5], $0x4000, $0x38;
	[tilespmem:$0x18000] =	vst v63  }
0x23a: {  	_ =	swait.ge [sflag:s17], $0x4000  }
.Ltmp9:
0x23b: {  	[sflag:s17] =	ssyncset.done $0x0;
	(pc) =	sbr.rel @p0 .LBB2_19-.Ltmp9, $4  }
0x23c: {  	[sflag:s17] =	ssyncadd.s32 $0xFFFFC000  }
0x23d: {  	_ =	swait.ge [sflag:s0], $0x4000  }
0x23e: {  	[sflag:s0] =	ssyncset.done $0x0  }
0x23f: {  	[sflag:s0] =	ssyncadd.s32 $0xFFFFC000  }
.Ltmp10:
0x240: {  	(pc) =	sbr.rel @p1 .LBB2_22-.Ltmp10, $1  }
0x241: {  	_ =	sdelay $0x3  }
0x242: {  	s7 =	simm.s32 $0x0;
	s5 =	rddreg [dreg:$0x1]  }
0x243: {  	[tilespmem:s7], [sflag:$0x1] =	stream.linear.gather [hbm4b:s5+s7], $0x400, $0x38;
	[tilespmem:$0x18000] =	vst v63  }
0x244: {  	s21 =	rddreg [dreg:$0xd]  }
0x245: {  	[tilespmem:s23], [sflag:$0x1] =	stream.linear.gather [hbm4b:s21+s7], $0x400, $0x38;
	[tilespmem:$0x18000] =	vst v63  }
0x246: {  	s22 =	rddreg [dreg:$0xe];
	s6 =	simm.s32 $0x2000;
	s19 =	simm.s32 $0xC  }
0x247: {  	[tilespmem:s6], [sflag:$0x1] =	stream.linear.gather [hbm4b:s22+s7], $0x400, $0x38;
	[tilespmem:$0x18000] =	vst v63  }
0x248: {  	s9 =	rddreg [dreg:$0xf];
	s15 =	simm.s32 $0x3000;
	v8 =	vor.u32 s19, v0  }
0x249: {  	v9 =	vor.u32 s19, v7;
	[tilespmem:s15], [sflag:$0x1] =	stream.linear.gather [hbm4b:s9+s7], $0x400, $0x38;
	[tilespmem:$0x18000] =	vst v63  }
0x24a: {  	v10 =	vor.u32 s19, v1;
	_ =	swait.ge [sflag:s29], $0x1000  }
0x24b: {  	v11 =	vor.u32 s19, v2;
	[sflag:s29] =	ssyncset.done $0x0  }
0x24c: {  	v12 =	vor.u32 s19, v3;
	[sflag:s29] =	ssyncadd.s32 $0xFFFFF000  }
0x24d: {  	v13 =	vor.u32 s19, v4;
	v8 =	vld.idx.msk [tilespmem:v8+s4+$0x0], $0xffff  }
0x24e: {  	v14 =	vor.u32 s19, v5;
	v9 =	vld.idx.msk [tilespmem:v9+s4+$0x0], $0xffff  }
0x24f: {  	v15 =	vor.u32 s19, v6;
	s21 =	simm.s32 $0x4;
	v10 =	vld.idx.msk [tilespmem:v10+s4+$0x0], $0xffff  }
0x250: {  	v16 =	vor.u32 s21, v0;
	v11 =	vld.idx.msk [tilespmem:v11+s4+$0x0], $0xffff  }
0x251: {  	v17 =	vor.u32 s21, v1;
	v12 =	vld.idx.msk [tilespmem:v12+s4+$0x0], $0xffff  }
0x252: {  	v18 =	vor.u32 s21, v2;
	v13 =	vld.idx.msk [tilespmem:v13+s4+$0x0], $0xffff  }
0x253: {  	v19 =	vor.u32 s21, v3;
	v14 =	vld.idx.msk [tilespmem:v14+s4+$0x0], $0xffff  }
0x254: {  	s20 =	simm.s32 $0x10100;
	v20 =	vor.u32 s21, v4;
	v15 =	vld.idx.msk [tilespmem:v15+s4+$0x0], $0xffff  }
0x255: {  	v21 =	vor.u32 s21, v5;
	[tilespmem:s20+$0xF0] =	vst v9;
	v9 =	vld.idx.msk [tilespmem:v16+s4+$0x0], $0xffff  }
0x256: {  	v16 =	vor.u32 s21, v6;
	[tilespmem:s20+$0x80] =	vst v8;
	v8 =	vld.idx.msk [tilespmem:v17+s4+$0x0], $0xffff  }
0x257: {  	s22 =	simm.s32 $0x8;
	v17 =	vor.u32 s21, v7;
	[tilespmem:s20+$0x90] =	vst v10;
	v10 =	vld.idx.msk [tilespmem:v18+s4+$0x0], $0xffff  }
0x258: {  	v18 =	vor.u32 s22, v0;
	[tilespmem:s20+$0xA0] =	vst v11;
	v11 =	vld.idx.msk [tilespmem:v19+s4+$0x0], $0xffff  }
0x259: {  	v19 =	vor.u32 s22, v1;
	[tilespmem:s20+$0xB0] =	vst v12;
	v12 =	vld.idx.msk [tilespmem:v20+s4+$0x0], $0xffff  }
0x25a: {  	v20 =	vor.u32 s22, v2;
	[tilespmem:s20+$0xC0] =	vst v13;
	v13 =	vld.idx.msk [tilespmem:v21+s4+$0x0], $0xffff  }
0x25b: {  	v21 =	vor.u32 s22, v3;
	[tilespmem:s20+$0xD0] =	vst v14;
	v14 =	vld.idx.msk [tilespmem:v16+s4+$0x0], $0xffff  }
0x25c: {  	[tilespmem:s20+$0xE0] =	vst v15;
	v16 =	vor.u32 s22, v4;
	v15 =	vld.idx.msk [tilespmem:v17+s4+$0x0], $0xffff  }
0x25d: {  	v17 =	vor.u32 s22, v5;
	[tilespmem:s20+$0xFFFFFF80] =	vst v9;
	v22 =	vld.idx.msk [tilespmem:v18+s4+$0x0], $0xffff  }
0x25e: {  	[tilespmem:s20+$0xFFFFFF90] =	vst v8;
	v23 =	vld.idx.msk [tilespmem:v19+s4+$0x0], $0xffff;
	v8 =	vor.u32 s22, v7  }
0x25f: {  	v9 =	vor.u32 s22, v6;
	[tilespmem:s20+$0xFFFFFFA0] =	vst v10;
	v10 =	vld.idx.msk [tilespmem:v20+s4+$0x0], $0xffff  }
0x260: {  	v24 =	vor.u32 s7, v1;
	[tilespmem:s20+$0xFFFFFFB0] =	vst v11;
	v21 =	vld.idx.msk [tilespmem:v21+s4+$0x0], $0xffff  }
0x261: {  	v11 =	vor.u32 s7, v0;
	[tilespmem:s20+$0xFFFFFFC0] =	vst v12;
	v20 =	vld.idx.msk [tilespmem:v16+s4+$0x0], $0xffff  }
0x262: {  	v25 =	vor.u32 s7, v2;
	[tilespmem:s20+$0xFFFFFFD0] =	vst v13;
	v19 =	vld.idx.msk [tilespmem:v17+s4+$0x0], $0xffff  }
0x263: {  	[tilespmem:s20+$0xFFFFFFE0] =	vst v14;
	v16 =	vld.idx.msk [tilespmem:v8+s4+$0x0], $0xffff;
	v8 =	vor.u32 s7, v3  }
0x264: {  	v18 =	vld.idx.msk [tilespmem:v9+s4+$0x0], $0xffff;
	[tilespmem:s20+$0xFFFFFFF0] =	vst v15;
	v14 =	vor.u32 s7, v4  }
0x265: {  	v13 =	vor.u32 s7, v5;
	v9 =	vld.idx.msk [tilespmem:v24+s4+$0x0], $0xffff;
	[tilespmem:s20+$0x0] =	vst v22  }
0x266: {  	v12 =	vor.u32 s7, v6;
	v17 =	vld.idx.msk [tilespmem:v11+s4+$0x0], $0xffff;
	[tilespmem:s20+$0x10] =	vst v23  }
0x267: {  	s6 =	simm.s32 $0x0;
	v11 =	vor.u32 s7, v7;
	v15 =	vld.idx.msk [tilespmem:v25+s4+$0x0], $0xffff;
	[tilespmem:s20+$0x20] =	vst v10;
	s7 =	simm.s32 $0x10  }
.LBB2_17:
0x268: {  	v22 =	vor.u32 s7, v1;
	v10 =	vor.u32 s7, v2;
	s5 =	sadd.s32 $0x4, s7;
	s9 =	sadd.s32 $0x8, s7;
	s15 =	sadd.s32 $0xC, s7;
	v23 =	vld.idx.msk [tilespmem:v8+s4+$0x0], $0xffff;
	v8 =	vor.u32 s7, v3;
	[tilespmem:s20+$0x30] =	vst v21  }
0x269: {  	s6 =	sadd.s32 $0x4, s6;
	v21 =	vor.u32 s5, v0;
	v24 =	vor.u32 s5, v1;
	v25 =	vor.u32 s15, v0;
	v26 =	vld.idx.msk [tilespmem:v14+s4+$0x0], $0xffff;
	[tilespmem:s20+$0x40] =	vst v20  }
0x26a: {  	v20 =	vor.u32 s5, v2;
	v27 =	vor.u32 s5, v3;
	v14 =	vor.u32 s15, v7;
	p2 =	slt.u32 s6, $0x14;
	v28 =	vld.idx.msk [tilespmem:v13+s4+$0x0], $0xffff;
	[tilespmem:s20+$0x50] =	vst v19  }
0x26b: {  	v29 =	vor.u32 s5, v5;
	v19 =	vor.u32 s5, v4;
	v13 =	vor.u32 s15, v1;
	v30 =	vld.idx.msk [tilespmem:v12+s4+$0x0], $0xffff;
	[tilespmem:s20+$0x60] =	vst v18  }
0x26c: {  	v31 =	vor.u32 s5, v7;
	v32 =	vor.u32 s15, v2;
	v18 =	vor.u32 s5, v6;
	v33 =	vld.idx.msk [tilespmem:v11+s4+$0x0], $0xffff;
	[tilespmem:s20+$0x70] =	vst v16  }
0x26d: {  	v34 =	vor.u32 s9, v1;
	v35 =	vor.u32 s15, v3;
	v16 =	vld.idx.msk [tilespmem:v22+s4+$0x0], $0xffff;
	v22 =	vor.u32 s9, v0;
	[tilespmem:s20+$0xFFFFFF00] =	vst v17  }
0x26e: {  	v36 =	vor.u32 s9, v3;
	v37 =	vor.u32 s15, v4;
	v17 =	vor.u32 s9, v2;
	v25 =	vld.idx.msk [tilespmem:v25+s4+$0x0], $0xffff;
	[tilespmem:s20+$0xFFFFFF10] =	vst v9  }
0x26f: {  	v38 =	vor.u32 s9, v4;
	v39 =	vor.u32 s9, v5;
	v40 =	vor.u32 s15, v5;
	v41 =	vld.idx.msk [tilespmem:v14+s4+$0x0], $0xffff;
	[tilespmem:s20+$0xFFFFFF20] =	vst v15  }
0x270: {  	v42 =	vor.u32 s9, v7;
	v44 =	vor.u32 s15, v6;
	v15 =	vor.u32 s9, v6;
	v43 =	vld.idx.msk [tilespmem:v13+s4+$0x0], $0xffff;
	[tilespmem:s20+$0xFFFFFF30] =	vst v23  }
0x271: {  	v12 =	vor.u32 s7, v6;
	v14 =	vor.u32 s7, v4;
	v13 =	vor.u32 s7, v5;
	v23 =	vld.idx.msk [tilespmem:v32+s4+$0x0], $0xffff;
	[tilespmem:s20+$0xFFFFFF40] =	vst v26  }
0x272: {  	v11 =	vor.u32 s7, v7;
	v26 =	vor.u32 s7, v0;
	v32 =	vld.idx.msk [tilespmem:v35+s4+$0x0], $0xffff;
	[tilespmem:s20+$0xFFFFFF50] =	vst v28  }
0x273: {  	v9 =	vmov v16;
	v28 =	vld.idx.msk [tilespmem:v37+s4+$0x0], $0xffff;
	[tilespmem:s20+$0xFFFFFF60] =	vst v30  }
0x274: {  	v16 =	vld.idx.msk [tilespmem:v40+s4+$0x0], $0xffff;
	[tilespmem:s20+$0xFFFFFF70] =	vst v33;
	s20 =	sadd.s32 $0x200, s20  }
0x275: {  	v30 =	vld.idx.msk [tilespmem:v44+s4+$0x0], $0xffff;
	[tilespmem:s20+$0xF0] =	vst v41  }
0x276: {  	v21 =	vld.idx.msk [tilespmem:v21+s4+$0x0], $0xffff;
	[tilespmem:s20+$0x80] =	vst v25  }
0x277: {  	v24 =	vld.idx.msk [tilespmem:v24+s4+$0x0], $0xffff;
	[tilespmem:s20+$0x90] =	vst v43  }
0x278: {  	v20 =	vld.idx.msk [tilespmem:v20+s4+$0x0], $0xffff;
	[tilespmem:s20+$0xA0] =	vst v23  }
0x279: {  	v23 =	vld.idx.msk [tilespmem:v27+s4+$0x0], $0xffff;
	[tilespmem:s20+$0xB0] =	vst v32  }
0x27a: {  	v19 =	vld.idx.msk [tilespmem:v19+s4+$0x0], $0xffff;
	[tilespmem:s20+$0xC0] =	vst v28  }
0x27b: {  	v25 =	vld.idx.msk [tilespmem:v29+s4+$0x0], $0xffff;
	[tilespmem:s20+$0xD0] =	vst v16  }
0x27c: {  	v16 =	vld.idx.msk [tilespmem:v18+s4+$0x0], $0xffff;
	[tilespmem:s20+$0xE0] =	vst v30  }
0x27d: {  	v18 =	vld.idx.msk [tilespmem:v31+s4+$0x0], $0xffff;
	[tilespmem:s20+$0xFFFFFF80] =	vst v21  }
0x27e: {  	[tilespmem:s20+$0xFFFFFF90] =	vst v24;
	v22 =	vld.idx.msk [tilespmem:v22+s4+$0x0], $0xffff  }
0x27f: {  	[tilespmem:s20+$0xFFFFFFA0] =	vst v20;
	v24 =	vld.idx.msk [tilespmem:v34+s4+$0x0], $0xffff  }
0x280: {  	[tilespmem:s20+$0xFFFFFFB0] =	vst v23;
	v23 =	vld.idx.msk [tilespmem:v17+s4+$0x0], $0xffff  }
0x281: {  	[tilespmem:s20+$0xFFFFFFC0] =	vst v19;
	v21 =	vld.idx.msk [tilespmem:v36+s4+$0x0], $0xffff  }
0x282: {  	[tilespmem:s20+$0xFFFFFFD0] =	vst v25;
	v20 =	vld.idx.msk [tilespmem:v38+s4+$0x0], $0xffff  }
.Ltmp11:
0x283: {  	[tilespmem:s20+$0xFFFFFFE0] =	vst v16;
	v19 =	vld.idx.msk [tilespmem:v39+s4+$0x0], $0xffff;
	(pc) =	sbr.rel @p2 .LBB2_17-.Ltmp11, $4  }
0x284: {  	[tilespmem:s20+$0xFFFFFFF0] =	vst v18;
	v18 =	vld.idx.msk [tilespmem:v15+s4+$0x0], $0xffff  }
0x285: {  	v16 =	vld.idx.msk [tilespmem:v42+s4+$0x0], $0xffff;
	[tilespmem:s20+$0x0] =	vst v22  }
0x286: {  	v17 =	vld.idx.msk [tilespmem:v26+s4+$0x0], $0xffff;
	[tilespmem:s20+$0x10] =	vst v24  }
0x287: {  	s7 =	sadd.s32 $0x10, s7;
	v15 =	vld.idx.msk [tilespmem:v10+s4+$0x0], $0xffff;
	[tilespmem:s20+$0x20] =	vst v23  }
0x288: {  	_ =	sdelay $0x3  }
0x289: {  	v8 =	vld.idx.msk [tilespmem:v8+s4+$0x0], $0xffff  }
0x28a: {  	[tilespmem:s20+$0x30] =	vst v21;
	v10 =	vld.idx.msk [tilespmem:v14+s4+$0x0], $0xffff  }
0x28b: {  	[tilespmem:s20+$0x40] =	vst v20;
	v13 =	vld.idx.msk [tilespmem:v13+s4+$0x0], $0xffff  }
0x28c: {  	[tilespmem:s20+$0x50] =	vst v19;
	v12 =	vld.idx.msk [tilespmem:v12+s4+$0x0], $0xffff  }
0x28d: {  	v11 =	vld.idx.msk [tilespmem:v11+s4+$0x0], $0xffff;
	[tilespmem:s20+$0xFFFFFF10] =	vst v9  }
0x28e: {  	[tilespmem:s20+$0x60] =	vst v18  }
0x28f: {  	[tilespmem:s20+$0x70] =	vst v16  }
0x290: {  	[tilespmem:s20+$0xFFFFFF00] =	vst v17  }
0x291: {  	[tilespmem:s20+$0xFFFFFF20] =	vst v15  }
0x292: {  	[tilespmem:s20+$0xFFFFFF30] =	vst v8  }
0x293: {  	[tilespmem:s20+$0xFFFFFF40] =	vst v10  }
0x294: {  	[tilespmem:s20+$0xFFFFFF50] =	vst v13  }
0x295: {  	[tilespmem:s20+$0xFFFFFF60] =	vst v12  }
0x296: {  	[tilespmem:s20+$0xFFFFFF70] =	vst v11  }
.Ltmp12:
0x297: {  	s5 =	rddreg [dreg:$0x9];
	(pc) =	sbr.rel .LBB2_22-.Ltmp12, $4  }
0x298: {  	[hbm4b:s5+s4] =	stream.linear.scatter [tilespmem:s30], [sflag:$0x5], $0xC00, $0x38;
	[tilespmem:$0x18000] =	vst v63  }
0x299: {  	_ =	swait.ge [sflag:s0], $0xC00  }
0x29a: {  	[sflag:s0] =	ssyncset.done $0x0  }
0x29b: {  	[sflag:s0] =	ssyncadd.s32 $0xFFFFF400  }
.LBB2_19:
0x29c: {  	s5 =	simm.s32 $0x4  }
0x29d: {  	v8 =	vmov s5  }
0x29e: {  	v9 =	vshll.u32 v8, $0x3  }
0x29f: {  	v9 =	vand.u32 $0xC00, v9  }
0x2a0: {  	s21 =	simm.s32 $0xC;
	v12 =	vand.u32 $0x74, v8;
	v17 =	vor.u32 v1, v9  }
0x2a1: {  	s20 =	simm.s32 $0x0;
	s6 =	rddreg [dreg:$0xa];
	v15 =	vmov s21;
	v13 =	vor.u32 v0, v9;
	v8 =	vor.u32 v12, v17  }
0x2a2: {  	[tilespmem:s20], [sflag:$0x1] =	stream.strided.gather [hbm4b:s6+s23], $0x4000, s24, s23, $0x38;
	v11 =	vor.u32 $0x1, v12;
	v9 =	vmov s20;
	v10 =	vor.u32 v12, v13;
	[tilespmem:$0x18000] =	vst v63  }
0x2a3: {  	_ =	swait.ge [sflag:s29], $0x4000;
	v25 =	vand.u32 $0x7C, v15;
	v14 =	vshll.u32 v9, $0x3;
	v16 =	vor.u32 v11, v13  }
0x2a4: {  	[sflag:s29] =	ssyncset.done $0x0;
	v20 =	vand.u32 $0x70, v9;
	v18 =	vor.u32 v11, v17;
	v9 =	vor.u32 $0x2, v12  }
0x2a5: {  	v33 =	vor.u32 $0x3, v12;
	[sflag:s29] =	ssyncadd.s32 $0xFFFFC000;
	v11 =	vshll.u32 v15, $0x3;
	v21 =	vor.u32 v9, v13  }
0x2a6: {  	v19 =	vor.u32 $0x2, v20;
	v14 =	vand.u32 $0xC00, v14;
	v23 =	vor.u32 v9, v17;
	v8 =	vld.idx.msk [tilespmem:v8+s4+$0x0], $0xffff  }
0x2a7: {  	v24 =	vand.u32 $0xC00, v11;
	v13 =	vor.u32 v33, v13;
	v22 =	vor.u32 v0, v14;
	v9 =	vld.idx.msk [tilespmem:v10+s4+$0x0], $0xffff  }
0x2a8: {  	v28 =	vor.u32 $0x2, v25;
	v40 =	vor.u32 v0, v24;
	v26 =	vor.u32 v19, v22;
	v11 =	vld.idx.msk [tilespmem:v16+s4+$0x0], $0xffff  }
0x2a9: {  	v29 =	vor.u32 v1, v14;
	v14 =	vor.u32 v28, v40;
	v18 =	vld.idx.msk [tilespmem:v18+s4+$0x0], $0xffff  }
0x2aa: {  	v36 =	vor.u32 $0x3, v25;
	v16 =	vor.u32 v20, v22;
	v10 =	vld.idx.msk [tilespmem:v21+s4+$0x0], $0xffff  }
0x2ab: {  	v31 =	vor.u32 $0x1, v20;
	v37 =	vor.u32 v1, v24;
	v27 =	vor.u32 v36, v40;
	v15 =	vld.idx.msk [tilespmem:v23+s4+$0x0], $0xffff  }
0x2ac: {  	s22 =	simm.s32 $0x8;
	v12 =	vor.u32 v20, v29;
	v34 =	vor.u32 v31, v22;
	v43 =	vor.u32 v31, v29;
	v31 =	vld.idx.msk [tilespmem:v13+s4+$0x0], $0xffff  }
0x2ad: {  	v35 =	vor.u32 v25, v37;
	v23 =	vmov s22;
	v21 =	vld.idx.msk [tilespmem:v26+s4+$0x0], $0xffff  }
0x2ae: {  	v46 =	vor.u32 $0x3, v20;
	v26 =	vor.u32 v19, v29;
	v19 =	vshll.u32 v23, $0x3;
	v14 =	vld.idx.msk [tilespmem:v14+s4+$0x0], $0xffff  }
0x2af: {  	v48 =	vor.u32 v46, v22;
	v23 =	vand.u32 $0x78, v23;
	v30 =	vld.idx.msk [tilespmem:v16+s4+$0x0], $0xffff;
	v16 =	vand.u32 $0xC00, v19  }
0x2b0: {  	v24 =	vor.u32 $0x3, v23;
	v19 =	vld.idx.msk [tilespmem:v27+s4+$0x0], $0xffff;
	v39 =	vor.u32 v1, v16  }
0x2b1: {  	v27 =	vld.idx.msk [tilespmem:v12+s4+$0x0], $0xffff;
	v38 =	vor.u32 v0, v16;
	v16 =	vor.u32 v24, v39  }
0x2b2: {  	v22 =	vor.u32 v33, v17;
	v63 =	vor.u32 $0x2, v23;
	v12 =	vld.idx.msk [tilespmem:v35+s4+$0x0], $0xffff;
	v41 =	vor.u32 v24, v38  }
0x2b3: {  	v44 =	vor.u32 $0x1, v23;
	v24 =	vld.idx.msk [tilespmem:v34+s4+$0x0], $0xffff;
	v45 =	vor.u32 v63, v38;
	v49 =	vor.u32 v23, v39  }
0x2b4: {  	v33 =	vor.u32 v44, v39;
	v34 =	vor.u32 v63, v39;
	v39 =	vor.u32 v28, v37;
	v28 =	vld.idx.msk [tilespmem:v48+s4+$0x0], $0xffff  }
0x2b5: {  	v47 =	vor.u32 v44, v38;
	v32 =	vld.idx.msk [tilespmem:v26+s4+$0x0], $0xffff  }
0x2b6: {  	v42 =	vor.u32 $0x1, v25;
	v13 =	vld.idx.msk [tilespmem:v16+s4+$0x0], $0xffff  }
0x2b7: {  	v26 =	vor.u32 v42, v37;
	v16 =	vld.idx.msk [tilespmem:v41+s4+$0x0], $0xffff  }
0x2b8: {  	v23 =	vor.u32 v23, v38;
	v38 =	vor.u32 v46, v29;
	v41 =	vld.idx.msk [tilespmem:v43+s4+$0x0], $0xffff  }
0x2b9: {  	v37 =	vor.u32 v36, v37;
	v36 =	vor.u32 v25, v40;
	v40 =	vor.u32 v42, v40;
	v20 =	vld.idx.msk [tilespmem:v45+s4+$0x0], $0xffff  }
0x2ba: {  	v29 =	vld.idx.msk [tilespmem:v47+s4+$0x0], $0xffff  }
0x2bb: {  	s7 =	simm.s32 $0x0;
	v17 =	vld.idx.msk [tilespmem:v49+s4+$0x0], $0xffff  }
0x2bc: {  	s9 =	simm.s32 $0x10;
	s15 =	simm.s32 $0x10300;
	s6 =	simm.s32 $0x10100;
	v35 =	vld.idx.msk [tilespmem:v26+s4+$0x0], $0xffff  }
.LBB2_20:
0x2bd: {  	v26 =	vmov s9;
	s5 =	sadd.s32 $0x4, s9;
	s19 =	sadd.s32 $0xC, s9;
	s7 =	sadd.s32 $0x4, s7;
	v38 =	vld.idx.msk [tilespmem:v38+s4+$0x0], $0xffff  }
0x2be: {  	v42 =	vshll.u32 v26, $0x3;
	v43 =	vmov s5;
	v44 =	vmov s19;
	p2 =	slt.u32 s7, $0x7C;
	[tilespmem:s6+$0xFFFFFF00] =	vst v30;
	v25 =	vld.idx.msk [tilespmem:v40+s4+$0x0], $0xffff  }
0x2bf: {  	v30 =	vand.u32 $0x70, v26;
	v40 =	vand.u32 $0x74, v43;
	v26 =	vshll.u32 v43, $0x3;
	[tilespmem:s6+$0xFFFFFF30] =	vst v41;
	v41 =	vld.idx.msk [tilespmem:v33+s4+$0x0], $0xffff  }
0x2c0: {  	v33 =	vor.u32 $0x2, v30;
	v45 =	vshll.u32 v44, $0x3;
	v43 =	vand.u32 $0xC00, v26;
	[tilespmem:s6+$0xFFFFFF40] =	vst v21;
	v26 =	vld.idx.msk [tilespmem:v34+s4+$0x0], $0xffff  }
0x2c1: {  	v21 =	vor.u32 v0, v43;
	v34 =	vor.u32 v1, v43;
	v43 =	vor.u32 $0x3, v40;
	[tilespmem:s6+$0xFFFFFF60] =	vst v28;
	v28 =	vld.idx.msk [tilespmem:v39+s4+$0x0], $0xffff  }
0x2c2: {  	v44 =	vand.u32 $0x7C, v44;
	v39 =	vor.u32 v40, v21;
	v46 =	vor.u32 v40, v34;
	[tilespmem:s6+$0xFFFFFF50] =	vst v32;
	v47 =	vld.idx.msk [tilespmem:v37+s4+$0x0], $0xffff  }
0x2c3: {  	v32 =	vand.u32 $0xC00, v42;
	v37 =	vor.u32 $0x1, v40;
	v42 =	vor.u32 $0x2, v44;
	[tilespmem:s6+$0xFFFFFF10] =	vst v27;
	v48 =	vld.idx.msk [tilespmem:v36+s4+$0x0], $0xffff  }
0x2c4: {  	v27 =	vor.u32 v37, v21;
	v36 =	vand.u32 $0xC00, v45;
	v45 =	vor.u32 $0x3, v44;
	v49 =	vld.idx.msk [tilespmem:v22+s4+$0x0], $0xffff;
	[tilespmem:s6+$0xB0] =	vst v35  }
0x2c5: {  	s5 =	sadd.s32 $0x8, s9;
	v35 =	vor.u32 v0, v32;
	v22 =	vor.u32 v37, v34;
	v37 =	vor.u32 $0x2, v40;
	[tilespmem:s6+$0xFFFFFFE0] =	vst v31;
	v23 =	vld.idx.msk [tilespmem:v23+s4+$0x0], $0xffff  }
0x2c6: {  	v50 =	vor.u32 $0x1, v44;
	v40 =	vmov s5;
	v31 =	vor.u32 v37, v21;
	[tilespmem:s6+$0xFFFFFF70] =	vst v38  }
0x2c7: {  	v37 =	vor.u32 v37, v34;
	v51 =	vshll.u32 v40, $0x3;
	v38 =	vor.u32 v33, v35;
	v46 =	vld.idx.msk [tilespmem:v46+s4+$0x0], $0xffff;
	[tilespmem:s6+$0xFFFFFFD0] =	vst v15  }
0x2c8: {  	v52 =	vor.u32 v43, v21;
	v15 =	vand.u32 $0xC00, v51;
	v51 =	vor.u32 v0, v36;
	v39 =	vld.idx.msk [tilespmem:v39+s4+$0x0], $0xffff;
	[tilespmem:s6+$0xFFFFFF20] =	vst v24  }
0x2c9: {  	v24 =	vor.u32 $0x1, v30;
	v54 =	vor.u32 v1, v15;
	v53 =	vld.idx.msk [tilespmem:v27+s4+$0x0], $0xffff;
	v27 =	vor.u32 v0, v15;
	[tilespmem:s6+$0xE0] =	vst v19  }
0x2ca: {  	v32 =	vor.u32 v1, v32;
	v19 =	vor.u32 v30, v35;
	v55 =	vld.idx.msk [tilespmem:v22+s4+$0x0], $0xffff;
	[tilespmem:s6+$0xFFFFFFC0] =	vst v10  }
0x2cb: {  	v56 =	vor.u32 v24, v35;
	v10 =	vld.idx.msk [tilespmem:v31+s4+$0x0], $0xffff;
	v31 =	vand.u32 $0x78, v40;
	v40 =	vor.u32 v45, v51;
	[tilespmem:s6+$0x20] =	vst v29  }
0x2cc: {  	v22 =	vor.u32 v43, v34;
	v34 =	vor.u32 v42, v51;
	v29 =	vor.u32 $0x3, v30;
	v15 =	vld.idx.msk [tilespmem:v37+s4+$0x0], $0xffff;
	[tilespmem:s6+$0xFFFFFFB0] =	vst v18  }
0x2cd: {  	v36 =	vor.u32 v1, v36;
	v18 =	vor.u32 v30, v32;
	v37 =	vor.u32 $0x1, v31;
	v21 =	vld.idx.msk [tilespmem:v38+s4+$0x0], $0xffff;
	[tilespmem:s6+$0x0] =	vst v23  }
0x2ce: {  	v43 =	vor.u32 v33, v32;
	v57 =	vor.u32 v29, v35;
	v23 =	vor.u32 v31, v27;
	[tilespmem:s6+$0xC0] =	vst v14  }
0x2cf: {  	v35 =	vor.u32 v50, v36;
	v38 =	vor.u32 v29, v32;
	v29 =	vor.u32 $0x2, v31;
	v30 =	vld.idx.msk [tilespmem:v19+s4+$0x0], $0xffff;
	[tilespmem:s6+$0xFFFFFFA0] =	vst v11  }
0x2d0: {  	v58 =	vor.u32 v31, v54;
	v33 =	vor.u32 v37, v54;
	v11 =	vor.u32 $0x3, v31;
	v19 =	vld.idx.msk [tilespmem:v40+s4+$0x0], $0xffff;
	[tilespmem:s6+$0xFFFFFF90] =	vst v8  }
0x2d1: {  	v59 =	vor.u32 v37, v27;
	v60 =	vor.u32 v29, v27;
	v8 =	vmov v46;
	v14 =	vld.idx.msk [tilespmem:v34+s4+$0x0], $0xffff;
	[tilespmem:s6+$0xFFFFFF80] =	vst v9  }
0x2d2: {  	v62 =	vor.u32 v44, v36;
	v46 =	vor.u32 v24, v32;
	v61 =	vor.u32 v11, v27;
	[tilespmem:s6+$0xFFFFFFF0] =	vst v49  }
0x2d3: {  	v34 =	vor.u32 v29, v54;
	v29 =	vor.u32 v11, v54;
	v9 =	vmov v39;
	v27 =	vld.idx.msk [tilespmem:v18+s4+$0x0], $0xffff;
	[tilespmem:s6+$0x40] =	vst v20  }
0x2d4: {  	v37 =	vor.u32 v45, v36;
	v39 =	vor.u32 v42, v36;
	v11 =	vmov v53;
	v32 =	vld.idx.msk [tilespmem:v43+s4+$0x0], $0xffff;
	[tilespmem:s6+$0x30] =	vst v41  }
0x2d5: {  	v40 =	vor.u32 v50, v51;
	v36 =	vor.u32 v44, v51;
	v18 =	vmov v55;
	v24 =	vld.idx.msk [tilespmem:v56+s4+$0x0], $0xffff;
	[tilespmem:s6+$0x60] =	vst v16  }
0x2d6: {  	v31 =	vld.idx.msk [tilespmem:v52+s4+$0x0], $0xffff;
	[tilespmem:s6+$0x90] =	vst v12  }
0x2d7: {  	v12 =	vld.idx.msk [tilespmem:v62+s4+$0x0], $0xffff;
	[tilespmem:s6+$0x80] =	vst v48  }
0x2d8: {  	[tilespmem:s6+$0x70] =	vst v13;
	v13 =	vld.idx.msk [tilespmem:v29+s4+$0x0], $0xffff  }
0x2d9: {  	v16 =	vld.idx.msk [tilespmem:v61+s4+$0x0], $0xffff;
	[tilespmem:s6+$0xF0] =	vst v47  }
0x2da: {  	v35 =	vld.idx.msk [tilespmem:v35+s4+$0x0], $0xffff;
	[tilespmem:s6+$0xA0] =	vst v25  }
.Ltmp13:
0x2db: {  	v41 =	vld.idx.msk [tilespmem:v46+s4+$0x0], $0xffff;
	[tilespmem:s6+$0x50] =	vst v26;
	(pc) =	sbr.rel @p2 .LBB2_20-.Ltmp13, $4  }
0x2dc: {  	v20 =	vld.idx.msk [tilespmem:v60+s4+$0x0], $0xffff;
	[tilespmem:s6+$0xD0] =	vst v28  }
0x2dd: {  	v29 =	vld.idx.msk [tilespmem:v59+s4+$0x0], $0xffff;
	[tilespmem:s6+$0x10] =	vst v17;
	s6 =	smov.u32 s15  }
0x2de: {  	v28 =	vld.idx.msk [tilespmem:v57+s4+$0x0], $0xffff  }
0x2df: {  	s9 =	sadd.s32 $0x10, s9;
	s15 =	sadd.s32 $0x200, s15;
	v17 =	vld.idx.msk [tilespmem:v58+s4+$0x0], $0xffff  }
0x2e0: {  	_ =	sdelay $0x3  }
0x2e1: {  	v25 =	vld.idx.msk [tilespmem:v38+s4+$0x0], $0xffff;
	[tilespmem:s6+$0xFFFFFF00] =	vst v30  }
0x2e2: {  	[tilespmem:s6+$0xFFFFFF30] =	vst v41  }
0x2e3: {  	v26 =	vld.idx.msk [tilespmem:v40+s4+$0x0], $0xffff;
	[tilespmem:s6+$0xFFFFFF40] =	vst v21  }
0x2e4: {  	v58 =	vld.idx.msk [tilespmem:v39+s4+$0x0], $0xffff;
	[tilespmem:s6+$0xFFFFFF50] =	vst v32  }
0x2e5: {  	v59 =	vld.idx.msk [tilespmem:v37+s4+$0x0], $0xffff;
	[tilespmem:s6+$0xFFFFFF10] =	vst v27  }
0x2e6: {  	v60 =	vld.idx.msk [tilespmem:v36+s4+$0x0], $0xffff;
	[tilespmem:s6+$0xB0] =	vst v35  }
0x2e7: {  	v22 =	vld.idx.msk [tilespmem:v22+s4+$0x0], $0xffff;
	[tilespmem:s6+$0xFFFFFFE0] =	vst v31  }
0x2e8: {  	[tilespmem:s6+$0xFFFFFFD0] =	vst v15  }
0x2e9: {  	[tilespmem:s6+$0xFFFFFF20] =	vst v24  }
0x2ea: {  	[tilespmem:s6+$0xE0] =	vst v19  }
0x2eb: {  	[tilespmem:s6+$0xFFFFFFC0] =	vst v10  }
0x2ec: {  	[tilespmem:s6+$0xFFFFFFB0] =	vst v18  }
0x2ed: {  	[tilespmem:s6+$0xC0] =	vst v14  }
0x2ee: {  	[tilespmem:s6+$0xFFFFFFA0] =	vst v11  }
0x2ef: {  	v61 =	vld.idx.msk [tilespmem:v23+s4+$0x0], $0xffff;
	[tilespmem:s6+$0xFFFFFF90] =	vst v8  }
0x2f0: {  	v62 =	vld.idx.msk [tilespmem:v33+s4+$0x0], $0xffff;
	[tilespmem:s6+$0xFFFFFF80] =	vst v9  }
0x2f1: {  	v63 =	vld.idx.msk [tilespmem:v34+s4+$0x0], $0xffff;
	[tilespmem:s6+$0x60] =	vst v16  }
0x2f2: {  	[tilespmem:s6+$0x90] =	vst v12  }
0x2f3: {  	[tilespmem:s6+$0x70] =	vst v13  }
0x2f4: {  	[tilespmem:s6+$0x40] =	vst v20  }
0x2f5: {  	[tilespmem:s6+$0x20] =	vst v29  }
0x2f6: {  	[tilespmem:s6+$0xFFFFFF60] =	vst v28  }
0x2f7: {  	[tilespmem:s6+$0x10] =	vst v17  }
0x2f8: {  	[tilespmem:s6+$0xFFFFFF70] =	vst v25  }
0x2f9: {  	[tilespmem:s6+$0x0] =	vst v61  }
0x2fa: {  	[tilespmem:s6+$0xFFFFFFF0] =	vst v22  }
0x2fb: {  	[tilespmem:s6+$0x30] =	vst v62  }
0x2fc: {  	[tilespmem:s6+$0x80] =	vst v60  }
0x2fd: {  	[tilespmem:s6+$0xF0] =	vst v59  }
0x2fe: {  	[tilespmem:s6+$0xA0] =	vst v26  }
0x2ff: {  	[tilespmem:s6+$0x50] =	vst v63  }
0x300: {  	[tilespmem:s6+$0xD0] =	vst v58  }
.Ltmp14:
0x301: {  	s5 =	rddreg [dreg:$0xb];
	(pc) =	sbr.rel .LBB2_22-.Ltmp14, $4  }
0x302: {  	[hbm4b:s5+s4] =	stream.linear.scatter [tilespmem:s30], [sflag:$0x5], $0x4000, $0x38;
	[tilespmem:$0x18000] =	vst v63  }
0x303: {  	_ =	swait.ge [sflag:s0], $0x4000  }
0x304: {  	[sflag:s0] =	ssyncset.done $0x0  }
0x305: {  	[sflag:s0] =	ssyncadd.s32 $0xFFFFC000  }
.LBB2_23:
0x306: {  	_ =	sfence.sel $0x180000  }
0x307: {  	[bflag:$0x0] =	sbarrier.arrive $0xFFFF  }
0x308: {  	_ =	strace $0x90000047  }
0x309: {  	s0 =	stileid.u32;
	[bflag:$0x2] =	sbarrier.arrive $0xFFFF  }
0x30a: {  	p0 =	sne.s32 s0, $0x0;
	s0 =	rddreg [dreg:$0x3]  }
0x30b: {  	s0 =	sadd.s32 @!p0 $0x100000, s0  }
0x30c: {  	[sflag:s0] =	ssyncadd.tile.s32 @!p0 $0x1;
	_ =	shalt  }
.Lfunc_end2:
_tile_overlayer_lowered:
.L_overlay_start_2:
0x30d: {  	(tag) =	ssettag $0x2  }
0x30e: {  	s0 =	rddreg [dreg:$0x0];
	s2 =	stileid.u32  }
0x30f: {  	s1 =	rddreg [dreg:$0x1];
	p0 =	sne.s32 s2, $0x0  }
0x310: {  	s3 =	rddreg [dreg:$0x2];
	[bflag:$0x3] =	sbarrier.arrive $0xFFFF;
	s2 =	simm.s32 @!p0 $0x1C07  }
0x311: {  	[timem:s3], [sflag:s2] =	dma.local @!p0 [hbm:s0], s1  }
0x312: {  	s0 =	simm.s32 @!p0 $0x7  }
0x313: {  	_ =	swait.ge @!p0 [sflag:s0], s1  }
0x314: {  	s1 =	ssub.s32 @!p0 $0x0, s1;
	[sflag:s0] =	ssyncset.done @!p0 $0x0  }
0x315: {  	[sflag:s0] =	ssyncadd.s32 @!p0 s1  }
0x316: {  	[bflag:$0x3] =	sbarrier.arrive $0xFFFF  }
0x317: {  	_ =	shalt  }

</sc_bundles>
